<compile_context>
chip_gen: v7x
topology: tpu7x:2x2x1
jax: 0.10.2.dev20260603
libtpu: 0.0.44.dev20260713+nightly
codegen_flags: <defaults>
</compile_context>

<pallas_src>
import functools

import jax
import jax.numpy as jnp
from jax import lax
from jax.experimental import pallas as pl
from jax.experimental.pallas import tpu as pltpu
from jax.experimental.pallas import tpu_sc as plsc

S = 512
K = 24
EPS = 1e-5


def _fps_body(c_ref, out_ref):
    B = out_ref.shape[0]
    N = c_ref.shape[1]
    n_iota = lax.broadcasted_iota(jnp.int32, (B, N), 1)
    s_iota = lax.broadcasted_iota(jnp.int32, (B, S), 1)
    n_iota3 = lax.broadcasted_iota(jnp.int32, (3 * B, N), 1)
    call = c_ref[...]

    def body(i, carry):
        dist, far = carry
        out_ref[...] = out_ref[...] + (s_iota == i).astype(jnp.int32) * far
        far3 = jnp.concatenate([far, far, far], axis=0)
        sel3 = n_iota3 == far3
        csum = jnp.sum(jnp.where(sel3, call, 0.0), axis=1,
                       keepdims=True)
        diff = call - csum
        sq = diff * diff
        d = sq[0:B, :] + sq[B:2 * B, :] + sq[2 * B:3 * B, :]
        dist = jnp.minimum(dist, d)
        m = jnp.max(dist, axis=1, keepdims=True)
        cand = jnp.where(dist == m, n_iota, N)
        far = jnp.min(cand, axis=1, keepdims=True)
        return dist, far

    dist0 = jnp.full((B, N), 1e10, dtype=jnp.float32)
    far0 = jnp.zeros((B, 1), dtype=jnp.int32)
    out_ref[...] = jnp.zeros((B, S), dtype=jnp.int32)
    lax.fori_loop(0, S, body, (dist0, far0))


def _fps(coords):
    B, N, _ = coords.shape
    c = jnp.transpose(coords, (2, 0, 1)).reshape(3 * B, N)
    return pl.pallas_call(
        _fps_body,
        out_shape=jax.ShapeDtypeStruct((B, S), jnp.int32),
    )(c)


_BS = 512


def _knn_body(d_ref, out_ref):
    e = d_ref[0]
    BS, N = e.shape

    n_iota = lax.broadcasted_iota(jnp.int32, (BS, N), 1)
    k_iota = lax.broadcasted_iota(jnp.int32, (BS, 128), 1)

    def body(t, carry):
        e, acc = carry
        m = jnp.min(e, axis=1, keepdims=True)
        amin = jnp.min(jnp.where(e == m, n_iota, N), axis=1,
                       keepdims=True)
        acc = jnp.where(k_iota == t, amin, acc)
        e = jnp.where(n_iota == amin, jnp.inf, e)
        return e, acc

    acc0 = jnp.zeros((BS, 128), dtype=jnp.int32)
    _, acc = lax.fori_loop(0, K, body, (e, acc0))
    out_ref[0] = acc


def _knn(d):
    B, _, N = d.shape
    out = pl.pallas_call(
        _knn_body,
        grid=(B, S // _BS),
        in_specs=[pl.BlockSpec((1, _BS, N), lambda b, sb: (b, sb, 0))],
        out_specs=pl.BlockSpec((1, _BS, 128), lambda b, sb: (b, sb, 0)),
        out_shape=jax.ShapeDtypeStruct((B, S, 128), jnp.int32),
    )(d)
    return out[:, :, :K]


def _make_seg_reduce(M, C, NW):
    nseg = M // NW
    CH = C // 16
    mesh = plsc.VectorSubcoreMesh(core_axis_name="c", subcore_axis_name="s")

    @functools.partial(
        pl.kernel, mesh=mesh,
        out_type=[
            jax.ShapeDtypeStruct((M, C), jnp.float32),
            jax.ShapeDtypeStruct((M, C), jnp.float32),
            jax.ShapeDtypeStruct((M, C), jnp.float32),
            jax.ShapeDtypeStruct((M, C), jnp.float32),
        ],
        scratch_types=[
            pltpu.VMEM((nseg * K,), jnp.int32),
            pltpu.VMEM((nseg,), jnp.int32),
            pltpu.VMEM((K, C), jnp.float32),
            pltpu.VMEM((nseg, C), jnp.float32),
            pltpu.VMEM((nseg, C), jnp.float32),
            pltpu.VMEM((nseg, C), jnp.float32),
            pltpu.VMEM((nseg, C), jnp.float32),
            pltpu.SemaphoreType.DMA,
        ],
    )
    def seg_reduce(ya_hbm, yc_hbm, idx_hbm, fps_hbm,
                   a1_hbm, a2_hbm, amax_hbm, z_hbm,
                   idx_v, fps_v, rows_v, a1_v, a2_v, amax_v, z_v, sem):
        wid = lax.axis_index("s") * 2 + lax.axis_index("c")
        base = wid * nseg
        pltpu.sync_copy(idx_hbm.at[pl.ds(base * K, nseg * K)], idx_v)
        pltpu.sync_copy(fps_hbm.at[pl.ds(base, nseg)], fps_v)
        pltpu.async_copy(yc_hbm.at[fps_v], z_v, sem).wait()

        def seg_body(j, _):
            pltpu.async_copy(
                ya_hbm.at[idx_v.at[pl.ds(j * K, K)]], rows_v, sem).wait()
            for h in range(CH):
                sl = pl.ds(h * 16, 16)
                r = rows_v[0, sl]
                s1 = r
                s2 = r * r
                mx = r
                for k in range(1, K):
                    r = rows_v[k, sl]
                    s1 = s1 + r
                    s2 = s2 + r * r
                    mx = jnp.maximum(mx, r)
                a1_v[j, sl] = s1
                a2_v[j, sl] = s2
                amax_v[j, sl] = mx
            return 0

        lax.fori_loop(0, nseg, seg_body, 0)
        pltpu.sync_copy(a1_v, a1_hbm.at[pl.ds(base, nseg)])
        pltpu.sync_copy(a2_v, a2_hbm.at[pl.ds(base, nseg)])
        pltpu.sync_copy(amax_v, amax_hbm.at[pl.ds(base, nseg)])
        pltpu.sync_copy(z_v, z_hbm.at[pl.ds(base, nseg)])

    return seg_reduce


def kernel(x, coords, W1, gamma1, beta1):
    B, D, N = x.shape
    C = W1.shape[0]
    feats = jnp.transpose(x, (0, 2, 1))

    fps = _fps(coords)

    W1a = W1[:, :D]
    W1c = W1[:, D:] - W1a
    Ya = jnp.einsum('bnd,cd->bnc', feats, W1a)
    Yc = jnp.einsum('bnd,cd->bnc', feats, W1c)

    new_xyz = jnp.take_along_axis(coords, fps[..., None], axis=1)
    d = (jnp.sum(new_xyz ** 2, -1, keepdims=True)
         - 2.0 * jnp.einsum('bsc,bnc->bsn', new_xyz, coords)
         + jnp.sum(coords ** 2, -1)[:, None, :])
    idx = _knn(d)

    boff = (jnp.arange(B, dtype=jnp.int32) * N)
    gidx = (idx + boff[:, None, None]).reshape(B * S * K)
    gfps = (fps + boff[:, None]).reshape(B * S)
    M = B * S
    A1, A2, Amax, Z = _make_seg_reduce(M, C, 32)(
        Ya.reshape(B * N, C), Yc.reshape(B * N, C), gidx, gfps)
    A1 = A1.reshape(B, S, C)
    A2 = A2.reshape(B, S, C)
    Amax = Amax.reshape(B, S, C)
    Z = Z.reshape(B, S, C)

    MK = B * S * K
    s1 = jnp.sum(A1 + K * Z, axis=(0, 1))
    s2 = jnp.sum(A2 + 2.0 * Z * A1 + K * Z * Z, axis=(0, 1))
    mean = s1 / MK
    var = s2 / MK - mean * mean

    inv = gamma1 / jnp.sqrt(var + EPS)
    hmax = Amax + Z
    out = jnp.maximum(hmax * inv[None, None, :] + (beta1 - mean * inv)[None, None, :], 0.0)
    return jnp.transpose(out, (0, 2, 1))

# --- scband reference (transcript-rebuilt; emitter-appended) ---
"""Pipeline reference for scband-sg-1-24824910971042 (READ-ONLY COPY).

The authoritative reference and input builder live on the scoring server;
editing this copy changes nothing except your own understanding.
"""

import jax, jax.numpy as jnp
import numpy as np

S = 512
K = 24
EPS = 1e-5


def index_points(points, idx):
    # points: [B, N, D]; idx: [B, ...] int -> [B, ..., D]
    B = points.shape[0]
    flat = idx.reshape(B, -1)
    out = jnp.take_along_axis(points, flat[..., None], axis=1)
    return out.reshape(idx.shape + (points.shape[-1],))


def farthest_point_sample(coords, s):
    # coords: [B, N, 3] -> idx [B, s] (deterministic start at point 0)
    B, N, _ = coords.shape

    def body(i, state):
        idx, dist, farthest = state
        idx = idx.at[:, i].set(farthest)
        centroid = jnp.take_along_axis(coords, farthest[:, None, None], axis=1)  # [B,1,3]
        d = jnp.sum((coords - centroid) ** 2, axis=-1)  # [B, N]
        dist = jnp.minimum(dist, d)
        farthest = jnp.argmax(dist, axis=-1).astype(jnp.int32)
        return idx, dist, farthest

    idx0 = jnp.zeros((B, s), dtype=jnp.int32)
    dist0 = jnp.full((B, N), 1e10, dtype=coords.dtype)
    f0 = jnp.zeros((B,), dtype=jnp.int32)
    idx, _, _ = jax.lax.fori_loop(0, s, body, (idx0, dist0, f0))
    return idx


def knn_idx(k, coords, new_xyz):
    # squared pairwise dist [B, s, N]; k nearest neighbors of each centroid
    d = (jnp.sum(new_xyz ** 2, -1, keepdims=True)
         - 2.0 * jnp.einsum('bsc,bnc->bsn', new_xyz, coords)
         + jnp.sum(coords ** 2, -1)[:, None, :])
    _, idx = jax.lax.top_k(-d, k)
    return idx


def batchnorm_train(x, gamma, beta):
    # x: [M, C, K]; BatchNorm1d training-mode statistics over (M, K)
    mean = jnp.mean(x, axis=(0, 2), keepdims=True)
    var = jnp.var(x, axis=(0, 2), keepdims=True)
    return gamma[None, :, None] * (x - mean) / jnp.sqrt(var + EPS) + beta[None, :, None]


def setup_inputs(seed: int = 0):
    key = jax.random.key(seed)
    k1, k2, k3 = jax.random.split(key, 3)
    B, N, D = 8, 2048, 64
    C_in, C_out = 128, 128
    x = jax.random.normal(k1, (B, D, N), jnp.float32)
    coords = jax.random.normal(k2, (B, N, 3), jnp.float32)
    W1 = jax.random.normal(k3, (C_out, C_in), jnp.float32) * (1.0 / np.sqrt(C_in))
    gamma1 = jnp.ones((C_out,), jnp.float32)
    beta1 = jnp.zeros((C_out,), jnp.float32)
    return {"x": x, "coords": coords, "W1": W1, "gamma1": gamma1, "beta1": beta1}


def reference(x, coords, W1, gamma1, beta1):
    # x: [B, D, N]; coords: [B, N, 3]
    feats = jnp.transpose(x, (0, 2, 1))  # [B, N, D]
    B, N, D = feats.shape
    fps = farthest_point_sample(coords, S)          # [B, s]
    new_xyz = index_points(coords, fps)             # [B, s, 3]
    new_feat = index_points(feats, fps)             # [B, s, D]
    idx = knn_idx(K, coords, new_xyz)               # [B, s, k]
    grouped = index_points(feats, idx)              # [B, s, k, D]
    grouped_norm = grouped - new_feat[:, :, None, :]
    agg = jnp.concatenate([grouped_norm,
                           jnp.broadcast_to(new_feat[:, :, None, :], (B, S, K, D))],
                          axis=-1)                  # [B, s, k, 2D]
    nf = jnp.transpose(agg, (0, 1, 3, 2)).reshape(B * S, 2 * D, K)  # [B*s, 2D, k]
    h = jnp.einsum('oc,mck->mok', W1, nf)           # conv1d k=1, no bias
    h = jax.nn.relu(batchnorm_train(h, gamma1, beta1))
    pooled = jnp.max(h, axis=2)                     # adaptive_max_pool1d(.,1)
    out = pooled.reshape(B, S, -1).transpose(0, 2, 1)  # [B, C_out, s]
    return out

if __name__ == "__main__":
    import jax
    _d = setup_inputs()
    print(jax.jit(kernel)(*tuple(_d.values())))

</pallas_src>

<mosaic_0001>
#map = affine_map<(d0, d1) -> (0, 0)>
#map1 = affine_map<(d0, d1) -> (0)>
module attributes {stable_mosaic.version = 14 : i64} {
  func.func @seg_reduce(%arg0: i32, %arg1: i32, %arg2: memref<16384x128xf32, #tpu.memory_space<hbm>>, %arg3: memref<16384x128xf32, #tpu.memory_space<hbm>>, %arg4: memref<98304xi32, #tpu.memory_space<hbm>>, %arg5: memref<4096xi32, #tpu.memory_space<hbm>>, %arg6: memref<4096x128xf32, #tpu.memory_space<hbm>>, %arg7: memref<4096x128xf32, #tpu.memory_space<hbm>>, %arg8: memref<4096x128xf32, #tpu.memory_space<hbm>>, %arg9: memref<4096x128xf32, #tpu.memory_space<hbm>>, %arg10: memref<3072xi32, #tpu.memory_space<vmem>>, %arg11: memref<128xi32, #tpu.memory_space<vmem>>, %arg12: memref<24x128xf32, #tpu.memory_space<vmem>>, %arg13: memref<128x128xf32, #tpu.memory_space<vmem>>, %arg14: memref<128x128xf32, #tpu.memory_space<vmem>>, %arg15: memref<128x128xf32, #tpu.memory_space<vmem>>, %arg16: memref<128x128xf32, #tpu.memory_space<vmem>>, %arg17: memref<!tpu.dma_semaphore, #tpu.memory_space<semaphore_mem>>) attributes {dimension_semantics = [#tpu.dimension_semantics<core_parallel>, #tpu.dimension_semantics<subcore_parallel>], iteration_bounds = array<i64: 2, 16>, scalar_prefetch = 0 : i64, scratch_operands = 8 : i64, tpu.core_type = #tpu.core_type<sc_vector_subcore>, window_params = [{transform_indices = #map}, {transform_indices = #map}, {transform_indices = #map1}, {transform_indices = #map1}, {transform_indices = #map}, {transform_indices = #map}, {transform_indices = #map}, {transform_indices = #map}]} {
    %mul3A = arith.constant 2 : i32
    %mul3A_0 = arith.muli %arg1, %mul3A : i32
    %add3A = arith.addi %mul3A_0, %arg0 : i32
    %mul3A_1 = arith.constant 128 : i32
    %mul3A_2 = arith.muli %add3A, %mul3A_1 : i32
    %mul3A_3 = arith.constant 24 : i32
    %mul3A_4 = arith.muli %mul3A_2, %mul3A_3 : i32
    "tpu.region"() ({
      %run_scoped3A = tpu.sem_alloc : memref<!tpu.dma_semaphore, #tpu.memory_space<semaphore_mem>>
      %dma_start3A_15 = tpu.memref_slice %arg4[%mul3A_4] : memref<98304xi32, #tpu.memory_space<hbm>> -> memref<3072xi32, #tpu.memory_space<hbm>>
      %dma_start3A_16 = tpu.memref_slice %arg4[%mul3A_4] : memref<98304xi32, #tpu.memory_space<hbm>> -> memref<3072xi32, #tpu.memory_space<hbm>>
      tpu.enqueue_dma source(%dma_start3A_16 : memref<3072xi32, #tpu.memory_space<hbm>>) target(%arg10 : memref<3072xi32, #tpu.memory_space<vmem>>) target_semaphore(%run_scoped3A : memref<!tpu.dma_semaphore, #tpu.memory_space<semaphore_mem>>)
      %dma_wait3A_17 = tpu.memref_slice %arg4[%mul3A_4] : memref<98304xi32, #tpu.memory_space<hbm>> -> memref<3072xi32, #tpu.memory_space<hbm>>
      %dma_wait3A_18 = tpu.memref_slice %arg4[%mul3A_4] : memref<98304xi32, #tpu.memory_space<hbm>> -> memref<3072xi32, #tpu.memory_space<hbm>>
      tpu.wait_dma2 semaphore(%run_scoped3A : memref<!tpu.dma_semaphore, #tpu.memory_space<semaphore_mem>>) src(%dma_wait3A_18 : memref<3072xi32, #tpu.memory_space<hbm>>) dst(%arg10 : memref<3072xi32, #tpu.memory_space<vmem>>)
      tpu.yield
    }) : () -> ()
    "tpu.region"() ({
      %run_scoped3A = tpu.sem_alloc : memref<!tpu.dma_semaphore, #tpu.memory_space<semaphore_mem>>
      %dma_start3A_15 = tpu.memref_slice %arg5[%mul3A_2] : memref<4096xi32, #tpu.memory_space<hbm>> -> memref<128xi32, #tpu.memory_space<hbm>>
      %dma_start3A_16 = tpu.memref_slice %arg5[%mul3A_2] : memref<4096xi32, #tpu.memory_space<hbm>> -> memref<128xi32, #tpu.memory_space<hbm>>
      tpu.enqueue_dma source(%dma_start3A_16 : memref<128xi32, #tpu.memory_space<hbm>>) target(%arg11 : memref<128xi32, #tpu.memory_space<vmem>>) target_semaphore(%run_scoped3A : memref<!tpu.dma_semaphore, #tpu.memory_space<semaphore_mem>>)
      %dma_wait3A_17 = tpu.memref_slice %arg5[%mul3A_2] : memref<4096xi32, #tpu.memory_space<hbm>> -> memref<128xi32, #tpu.memory_space<hbm>>
      %dma_wait3A_18 = tpu.memref_slice %arg5[%mul3A_2] : memref<4096xi32, #tpu.memory_space<hbm>> -> memref<128xi32, #tpu.memory_space<hbm>>
      tpu.wait_dma2 semaphore(%run_scoped3A : memref<!tpu.dma_semaphore, #tpu.memory_space<semaphore_mem>>) src(%dma_wait3A_18 : memref<128xi32, #tpu.memory_space<hbm>>) dst(%arg11 : memref<128xi32, #tpu.memory_space<vmem>>)
      tpu.yield
    }) : () -> ()
    %dma_start3A = arith.constant 0 : i32
    %dma_start3A_5 = arith.constant 0 : i32
    %dma_start3A_6 = tpu.memref_slice %arg3[%dma_start3A, %dma_start3A_5] : memref<16384x128xf32, #tpu.memory_space<hbm>> -> memref<16384x128xf32, #tpu.memory_space<hbm>>
    tpu.enqueue_indirect_dma source(%dma_start3A_6 : memref<16384x128xf32, #tpu.memory_space<hbm>>) target(%arg16 : memref<128x128xf32, #tpu.memory_space<vmem>>) offsets(%arg11 : memref<128xi32, #tpu.memory_space<vmem>>) semaphore(%arg17 : memref<!tpu.dma_semaphore, #tpu.memory_space<semaphore_mem>>)
    %dma_wait3A = arith.constant 0 : i32
    %dma_wait3A_7 = arith.constant 0 : i32
    %dma_wait3A_8 = tpu.memref_slice %arg3[%dma_wait3A, %dma_wait3A_7] : memref<16384x128xf32, #tpu.memory_space<hbm>> -> memref<16384x128xf32, #tpu.memory_space<hbm>>
    tpu.wait_indirect_dma semaphore(%arg17 : memref<!tpu.dma_semaphore, #tpu.memory_space<semaphore_mem>>) src(%dma_wait3A_8 : memref<16384x128xf32, #tpu.memory_space<hbm>>) dst(%arg16 : memref<128x128xf32, #tpu.memory_space<vmem>>)
    %scan3A = arith.constant 0 : i32
    %scan3A_9 = arith.constant 0 : i32
    %scan3A_10 = arith.constant 128 : i32
    %scan3A_11 = arith.addi %scan3A_9, %scan3A_10 : i32
    %scan3A_12 = arith.constant 1 : i32
    %scan3A_13 = scf.for %scan3A_15 = %scan3A_9 to %scan3A_11 step %scan3A_12 iter_args(%scan3A_16 = %scan3A) -> (i32)  : i32 {
      %mul3A_17 = arith.constant 24 : i32
      %mul3A_18 = arith.muli %scan3A_15, %mul3A_17 : i32
      %dma_start3A_19 = tpu.memref_slice %arg10[%mul3A_18] : memref<3072xi32, #tpu.memory_space<vmem>> -> memref<24xi32, #tpu.memory_space<vmem>>
      %dma_start3A_20 = arith.constant 0 : i32
      %dma_start3A_21 = arith.constant 0 : i32
      %dma_start3A_22 = tpu.memref_slice %arg2[%dma_start3A_20, %dma_start3A_21] : memref<16384x128xf32, #tpu.memory_space<hbm>> -> memref<16384x128xf32, #tpu.memory_space<hbm>>
      tpu.enqueue_indirect_dma source(%dma_start3A_22 : memref<16384x128xf32, #tpu.memory_space<hbm>>) target(%arg12 : memref<24x128xf32, #tpu.memory_space<vmem>>) offsets(%dma_start3A_19 : memref<24xi32, #tpu.memory_space<vmem>>) semaphore(%arg17 : memref<!tpu.dma_semaphore, #tpu.memory_space<semaphore_mem>>)
      %dma_wait3A_23 = tpu.memref_slice %arg10[%mul3A_18] : memref<3072xi32, #tpu.memory_space<vmem>> -> memref<24xi32, #tpu.memory_space<vmem>>
      %dma_wait3A_24 = arith.constant 0 : i32
      %dma_wait3A_25 = arith.constant 0 : i32
      %dma_wait3A_26 = tpu.memref_slice %arg2[%dma_wait3A_24, %dma_wait3A_25] : memref<16384x128xf32, #tpu.memory_space<hbm>> -> memref<16384x128xf32, #tpu.memory_space<hbm>>
      tpu.wait_indirect_dma semaphore(%arg17 : memref<!tpu.dma_semaphore, #tpu.memory_space<semaphore_mem>>) src(%dma_wait3A_26 : memref<16384x128xf32, #tpu.memory_space<hbm>>) dst(%arg12 : memref<24x128xf32, #tpu.memory_space<vmem>>)
      %get3A = arith.constant 0 : i32
      %get3A_27 = arith.index_cast %get3A : i32 to index
      %get3A_28 = arith.constant 0 : index
      %get3A_29 = tpu.vector_load %arg12[%get3A_27, %get3A_28] {strides = array<i32>} : memref<24x128xf32, #tpu.memory_space<vmem>>, vector<1x16xf32>,
      %get3A_30 = vector.shape_cast %get3A_29 : vector<1x16xf32> to vector<16xf32>
      %mul3A_31 = arith.mulf %get3A_30, %get3A_30 : vector<16xf32>
      %get3A_32 = arith.constant 1 : i32
      %get3A_33 = arith.index_cast %get3A_32 : i32 to index
      %get3A_34 = arith.constant 0 : index
      %get3A_35 = tpu.vector_load %arg12[%get3A_33, %get3A_34] {strides = array<i32>} : memref<24x128xf32, #tpu.memory_space<vmem>>, vector<1x16xf32>,
      %get3A_36 = vector.shape_cast %get3A_35 : vector<1x16xf32> to vector<16xf32>
      %add3A_37 = arith.addf %get3A_30, %get3A_36 : vector<16xf32>
      %mul3A_38 = arith.mulf %get3A_36, %get3A_36 : vector<16xf32>
      %add3A_39 = arith.addf %mul3A_31, %mul3A_38 : vector<16xf32>
      %max3A = arith.maximumf %get3A_30, %get3A_36 : vector<16xf32>
      %get3A_40 = arith.constant 2 : i32
      %get3A_41 = arith.index_cast %get3A_40 : i32 to index
      %get3A_42 = arith.constant 0 : index
      %get3A_43 = tpu.vector_load %arg12[%get3A_41, %get3A_42] {strides = array<i32>} : memref<24x128xf32, #tpu.memory_space<vmem>>, vector<1x16xf32>,
      %get3A_44 = vector.shape_cast %get3A_43 : vector<1x16xf32> to vector<16xf32>
      %add3A_45 = arith.addf %add3A_37, %get3A_44 : vector<16xf32>
      %mul3A_46 = arith.mulf %get3A_44, %get3A_44 : vector<16xf32>
      %add3A_47 = arith.addf %add3A_39, %mul3A_46 : vector<16xf32>
      %max3A_48 = arith.maximumf %max3A, %get3A_44 : vector<16xf32>
      %get3A_49 = arith.constant 3 : i32
      %get3A_50 = arith.index_cast %get3A_49 : i32 to index
      %get3A_51 = arith.constant 0 : index
      %get3A_52 = tpu.vector_load %arg12[%get3A_50, %get3A_51] {strides = array<i32>} : memref<24x128xf32, #tpu.memory_space<vmem>>, vector<1x16xf32>,
      %get3A_53 = vector.shape_cast %get3A_52 : vector<1x16xf32> to vector<16xf32>
      %add3A_54 = arith.addf %add3A_45, %get3A_53 : vector<16xf32>
      %mul3A_55 = arith.mulf %get3A_53, %get3A_53 : vector<16xf32>
      %add3A_56 = arith.addf %add3A_47, %mul3A_55 : vector<16xf32>
      %max3A_57 = arith.maximumf %max3A_48, %get3A_53 : vector<16xf32>
      %get3A_58 = arith.constant 4 : i32
      %get3A_59 = arith.index_cast %get3A_58 : i32 to index
      %get3A_60 = arith.constant 0 : index
      %get3A_61 = tpu.vector_load %arg12[%get3A_59, %get3A_60] {strides = array<i32>} : memref<24x128xf32, #tpu.memory_space<vmem>>, vector<1x16xf32>,
      %get3A_62 = vector.shape_cast %get3A_61 : vector<1x16xf32> to vector<16xf32>
      %add3A_63 = arith.addf %add3A_54, %get3A_62 : vector<16xf32>
      %mul3A_64 = arith.mulf %get3A_62, %get3A_62 : vector<16xf32>
      %add3A_65 = arith.addf %add3A_56, %mul3A_64 : vector<16xf32>
      %max3A_66 = arith.maximumf %max3A_57, %get3A_62 : vector<16xf32>
      %get3A_67 = arith.constant 5 : i32
      %get3A_68 = arith.index_cast %get3A_67 : i32 to index
      %get3A_69 = arith.constant 0 : index
      %get3A_70 = tpu.vector_load %arg12[%get3A_68, %get3A_69] {strides = array<i32>} : memref<24x128xf32, #tpu.memory_space<vmem>>, vector<1x16xf32>,
      %get3A_71 = vector.shape_cast %get3A_70 : vector<1x16xf32> to vector<16xf32>
      %add3A_72 = arith.addf %add3A_63, %get3A_71 : vector<16xf32>
      %mul3A_73 = arith.mulf %get3A_71, %get3A_71 : vector<16xf32>
      %add3A_74 = arith.addf %add3A_65, %mul3A_73 : vector<16xf32>
      %max3A_75 = arith.maximumf %max3A_66, %get3A_71 : vector<16xf32>
      %get3A_76 = arith.constant 6 : i32
      %get3A_77 = arith.index_cast %get3A_76 : i32 to index
      %get3A_78 = arith.constant 0 : index
      %get3A_79 = tpu.vector_load %arg12[%get3A_77, %get3A_78] {strides = array<i32>} : memref<24x128xf32, #tpu.memory_space<vmem>>, vector<1x16xf32>,
      %get3A_80 = vector.shape_cast %get3A_79 : vector<1x16xf32> to vector<16xf32>
      %add3A_81 = arith.addf %add3A_72, %get3A_80 : vector<16xf32>
      %mul3A_82 = arith.mulf %get3A_80, %get3A_80 : vector<16xf32>
      %add3A_83 = arith.addf %add3A_74, %mul3A_82 : vector<16xf32>
      %max3A_84 = arith.maximumf %max3A_75, %get3A_80 : vector<16xf32>
      %get3A_85 = arith.constant 7 : i32
      %get3A_86 = arith.index_cast %get3A_85 : i32 to index
      %get3A_87 = arith.constant 0 : index
      %get3A_88 = tpu.vector_load %arg12[%get3A_86, %get3A_87] {strides = array<i32>} : memref<24x128xf32, #tpu.memory_space<vmem>>, vector<1x16xf32>,
      %get3A_89 = vector.shape_cast %get3A_88 : vector<1x16xf32> to vector<16xf32>
      %add3A_90 = arith.addf %add3A_81, %get3A_89 : vector<16xf32>
      %mul3A_91 = arith.mulf %get3A_89, %get3A_89 : vector<16xf32>
      %add3A_92 = arith.addf %add3A_83, %mul3A_91 : vector<16xf32>
      %max3A_93 = arith.maximumf %max3A_84, %get3A_89 : vector<16xf32>
      %get3A_94 = arith.constant 8 : i32
      %get3A_95 = arith.index_cast %get3A_94 : i32 to index
      %get3A_96 = arith.constant 0 : index
      %get3A_97 = tpu.vector_load %arg12[%get3A_95, %get3A_96] {strides = array<i32>} : memref<24x128xf32, #tpu.memory_space<vmem>>, vector<1x16xf32>,
      %get3A_98 = vector.shape_cast %get3A_97 : vector<1x16xf32> to vector<16xf32>
      %add3A_99 = arith.addf %add3A_90, %get3A_98 : vector<16xf32>
      %mul3A_100 = arith.mulf %get3A_98, %get3A_98 : vector<16xf32>
      %add3A_101 = arith.addf %add3A_92, %mul3A_100 : vector<16xf32>
      %max3A_102 = arith.maximumf %max3A_93, %get3A_98 : vector<16xf32>
      %get3A_103 = arith.constant 9 : i32
      %get3A_104 = arith.index_cast %get3A_103 : i32 to index
      %get3A_105 = arith.constant 0 : index
      %get3A_106 = tpu.vector_load %arg12[%get3A_104, %get3A_105] {strides = array<i32>} : memref<24x128xf32, #tpu.memory_space<vmem>>, vector<1x16xf32>,
      %get3A_107 = vector.shape_cast %get3A_106 : vector<1x16xf32> to vector<16xf32>
      %add3A_108 = arith.addf %add3A_99, %get3A_107 : vector<16xf32>
      %mul3A_109 = arith.mulf %get3A_107, %get3A_107 : vector<16xf32>
      %add3A_110 = arith.addf %add3A_101, %mul3A_109 : vector<16xf32>
      %max3A_111 = arith.maximumf %max3A_102, %get3A_107 : vector<16xf32>
      %get3A_112 = arith.constant 10 : i32
      %get3A_113 = arith.index_cast %get3A_112 : i32 to index
      %get3A_114 = arith.constant 0 : index
      %get3A_115 = tpu.vector_load %arg12[%get3A_113, %get3A_114] {strides = array<i32>} : memref<24x128xf32, #tpu.memory_space<vmem>>, vector<1x16xf32>,
      %get3A_116 = vector.shape_cast %get3A_115 : vector<1x16xf32> to vector<16xf32>
      %add3A_117 = arith.addf %add3A_108, %get3A_116 : vector<16xf32>
      %mul3A_118 = arith.mulf %get3A_116, %get3A_116 : vector<16xf32>
      %add3A_119 = arith.addf %add3A_110, %mul3A_118 : vector<16xf32>
      %max3A_120 = arith.maximumf %max3A_111, %get3A_116 : vector<16xf32>
      %get3A_121 = arith.constant 11 : i32
      %get3A_122 = arith.index_cast %get3A_121 : i32 to index
      %get3A_123 = arith.constant 0 : index
      %get3A_124 = tpu.vector_load %arg12[%get3A_122, %get3A_123] {strides = array<i32>} : memref<24x128xf32, #tpu.memory_space<vmem>>, vector<1x16xf32>,
      %get3A_125 = vector.shape_cast %get3A_124 : vector<1x16xf32> to vector<16xf32>
      %add3A_126 = arith.addf %add3A_117, %get3A_125 : vector<16xf32>
      %mul3A_127 = arith.mulf %get3A_125, %get3A_125 : vector<16xf32>
      %add3A_128 = arith.addf %add3A_119, %mul3A_127 : vector<16xf32>
      %max3A_129 = arith.maximumf %max3A_120, %get3A_125 : vector<16xf32>
      %get3A_130 = arith.constant 12 : i32
      %get3A_131 = arith.index_cast %get3A_130 : i32 to index
      %get3A_132 = arith.constant 0 : index
      %get3A_133 = tpu.vector_load %arg12[%get3A_131, %get3A_132] {strides = array<i32>} : memref<24x128xf32, #tpu.memory_space<vmem>>, vector<1x16xf32>,
      %get3A_134 = vector.shape_cast %get3A_133 : vector<1x16xf32> to vector<16xf32>
      %add3A_135 = arith.addf %add3A_126, %get3A_134 : vector<16xf32>
      %mul3A_136 = arith.mulf %get3A_134, %get3A_134 : vector<16xf32>
      %add3A_137 = arith.addf %add3A_128, %mul3A_136 : vector<16xf32>
      %max3A_138 = arith.maximumf %max3A_129, %get3A_134 : vector<16xf32>
      %get3A_139 = arith.constant 13 : i32
      %get3A_140 = arith.index_cast %get3A_139 : i32 to index
      %get3A_141 = arith.constant 0 : index
      %get3A_142 = tpu.vector_load %arg12[%get3A_140, %get3A_141] {strides = array<i32>} : memref<24x128xf32, #tpu.memory_space<vmem>>, vector<1x16xf32>,
      %get3A_143 = vector.shape_cast %get3A_142 : vector<1x16xf32> to vector<16xf32>
      %add3A_144 = arith.addf %add3A_135, %get3A_143 : vector<16xf32>
      %mul3A_145 = arith.mulf %get3A_143, %get3A_143 : vector<16xf32>
      %add3A_146 = arith.addf %add3A_137, %mul3A_145 : vector<16xf32>
      %max3A_147 = arith.maximumf %max3A_138, %get3A_143 : vector<16xf32>
      %get3A_148 = arith.constant 14 : i32
      %get3A_149 = arith.index_cast %get3A_148 : i32 to index
      %get3A_150 = arith.constant 0 : index
      %get3A_151 = tpu.vector_load %arg12[%get3A_149, %get3A_150] {strides = array<i32>} : memref<24x128xf32, #tpu.memory_space<vmem>>, vector<1x16xf32>,
      %get3A_152 = vector.shape_cast %get3A_151 : vector<1x16xf32> to vector<16xf32>
      %add3A_153 = arith.addf %add3A_144, %get3A_152 : vector<16xf32>
      %mul3A_154 = arith.mulf %get3A_152, %get3A_152 : vector<16xf32>
      %add3A_155 = arith.addf %add3A_146, %mul3A_154 : vector<16xf32>
      %max3A_156 = arith.maximumf %max3A_147, %get3A_152 : vector<16xf32>
      %get3A_157 = arith.constant 15 : i32
      %get3A_158 = arith.index_cast %get3A_157 : i32 to index
      %get3A_159 = arith.constant 0 : index
      %get3A_160 = tpu.vector_load %arg12[%get3A_158, %get3A_159] {strides = array<i32>} : memref<24x128xf32, #tpu.memory_space<vmem>>, vector<1x16xf32>,
      %get3A_161 = vector.shape_cast %get3A_160 : vector<1x16xf32> to vector<16xf32>
      %add3A_162 = arith.addf %add3A_153, %get3A_161 : vector<16xf32>
      %mul3A_163 = arith.mulf %get3A_161, %get3A_161 : vector<16xf32>
      %add3A_164 = arith.addf %add3A_155, %mul3A_163 : vector<16xf32>
      %max3A_165 = arith.maximumf %max3A_156, %get3A_161 : vector<16xf32>
      %get3A_166 = arith.constant 16 : i32
      %get3A_167 = arith.index_cast %get3A_166 : i32 to index
      %get3A_168 = arith.constant 0 : index
      %get3A_169 = tpu.vector_load %arg12[%get3A_167, %get3A_168] {strides = array<i32>} : memref<24x128xf32, #tpu.memory_space<vmem>>, vector<1x16xf32>,
      %get3A_170 = vector.shape_cast %get3A_169 : vector<1x16xf32> to vector<16xf32>
      %add3A_171 = arith.addf %add3A_162, %get3A_170 : vector<16xf32>
      %mul3A_172 = arith.mulf %get3A_170, %get3A_170 : vector<16xf32>
      %add3A_173 = arith.addf %add3A_164, %mul3A_172 : vector<16xf32>
      %max3A_174 = arith.maximumf %max3A_165, %get3A_170 : vector<16xf32>
      %get3A_175 = arith.constant 17 : i32
      %get3A_176 = arith.index_cast %get3A_175 : i32 to index
      %get3A_177 = arith.constant 0 : index
      %get3A_178 = tpu.vector_load %arg12[%get3A_176, %get3A_177] {strides = array<i32>} : memref<24x128xf32, #tpu.memory_space<vmem>>, vector<1x16xf32>,
      %get3A_179 = vector.shape_cast %get3A_178 : vector<1x16xf32> to vector<16xf32>
      %add3A_180 = arith.addf %add3A_171, %get3A_179 : vector<16xf32>
      %mul3A_181 = arith.mulf %get3A_179, %get3A_179 : vector<16xf32>
      %add3A_182 = arith.addf %add3A_173, %mul3A_181 : vector<16xf32>
      %max3A_183 = arith.maximumf %max3A_174, %get3A_179 : vector<16xf32>
      %get3A_184 = arith.constant 18 : i32
      %get3A_185 = arith.index_cast %get3A_184 : i32 to index
      %get3A_186 = arith.constant 0 : index
      %get3A_187 = tpu.vector_load %arg12[%get3A_185, %get3A_186] {strides = array<i32>} : memref<24x128xf32, #tpu.memory_space<vmem>>, vector<1x16xf32>,
      %get3A_188 = vector.shape_cast %get3A_187 : vector<1x16xf32> to vector<16xf32>
      %add3A_189 = arith.addf %add3A_180, %get3A_188 : vector<16xf32>
      %mul3A_190 = arith.mulf %get3A_188, %get3A_188 : vector<16xf32>
      %add3A_191 = arith.addf %add3A_182, %mul3A_190 : vector<16xf32>
      %max3A_192 = arith.maximumf %max3A_183, %get3A_188 : vector<16xf32>
      %get3A_193 = arith.constant 19 : i32
      %get3A_194 = arith.index_cast %get3A_193 : i32 to index
      %get3A_195 = arith.constant 0 : index
      %get3A_196 = tpu.vector_load %arg12[%get3A_194, %get3A_195] {strides = array<i32>} : memref<24x128xf32, #tpu.memory_space<vmem>>, vector<1x16xf32>,
      %get3A_197 = vector.shape_cast %get3A_196 : vector<1x16xf32> to vector<16xf32>
      %add3A_198 = arith.addf %add3A_189, %get3A_197 : vector<16xf32>
      %mul3A_199 = arith.mulf %get3A_197, %get3A_197 : vector<16xf32>
      %add3A_200 = arith.addf %add3A_191, %mul3A_199 : vector<16xf32>
      %max3A_201 = arith.maximumf %max3A_192, %get3A_197 : vector<16xf32>
      %get3A_202 = arith.constant 20 : i32
      %get3A_203 = arith.index_cast %get3A_202 : i32 to index
      %get3A_204 = arith.constant 0 : index
      %get3A_205 = tpu.vector_load %arg12[%get3A_203, %get3A_204] {strides = array<i32>} : memref<24x128xf32, #tpu.memory_space<vmem>>, vector<1x16xf32>,
      %get3A_206 = vector.shape_cast %get3A_205 : vector<1x16xf32> to vector<16xf32>
      %add3A_207 = arith.addf %add3A_198, %get3A_206 : vector<16xf32>
      %mul3A_208 = arith.mulf %get3A_206, %get3A_206 : vector<16xf32>
      %add3A_209 = arith.addf %add3A_200, %mul3A_208 : vector<16xf32>
      %max3A_210 = arith.maximumf %max3A_201, %get3A_206 : vector<16xf32>
      %get3A_211 = arith.constant 21 : i32
      %get3A_212 = arith.index_cast %get3A_211 : i32 to index
      %get3A_213 = arith.constant 0 : index
      %get3A_214 = tpu.vector_load %arg12[%get3A_212, %get3A_213] {strides = array<i32>} : memref<24x128xf32, #tpu.memory_space<vmem>>, vector<1x16xf32>,
      %get3A_215 = vector.shape_cast %get3A_214 : vector<1x16xf32> to vector<16xf32>
      %add3A_216 = arith.addf %add3A_207, %get3A_215 : vector<16xf32>
      %mul3A_217 = arith.mulf %get3A_215, %get3A_215 : vector<16xf32>
      %add3A_218 = arith.addf %add3A_209, %mul3A_217 : vector<16xf32>
      %max3A_219 = arith.maximumf %max3A_210, %get3A_215 : vector<16xf32>
      %get3A_220 = arith.constant 22 : i32
      %get3A_221 = arith.index_cast %get3A_220 : i32 to index
      %get3A_222 = arith.constant 0 : index
      %get3A_223 = tpu.vector_load %arg12[%get3A_221, %get3A_222] {strides = array<i32>} : memref<24x128xf32, #tpu.memory_space<vmem>>, vector<1x16xf32>,
      %get3A_224 = vector.shape_cast %get3A_223 : vector<1x16xf32> to vector<16xf32>
      %add3A_225 = arith.addf %add3A_216, %get3A_224 : vector<16xf32>
      %mul3A_226 = arith.mulf %get3A_224, %get3A_224 : vector<16xf32>
      %add3A_227 = arith.addf %add3A_218, %mul3A_226 : vector<16xf32>
      %max3A_228 = arith.maximumf %max3A_219, %get3A_224 : vector<16xf32>
      %get3A_229 = arith.constant 23 : i32
      %get3A_230 = arith.index_cast %get3A_229 : i32 to index
      %get3A_231 = arith.constant 0 : index
      %get3A_232 = tpu.vector_load %arg12[%get3A_230, %get3A_231] {strides = array<i32>} : memref<24x128xf32, #tpu.memory_space<vmem>>, vector<1x16xf32>,
      %get3A_233 = vector.shape_cast %get3A_232 : vector<1x16xf32> to vector<16xf32>
      %add3A_234 = arith.addf %add3A_225, %get3A_233 : vector<16xf32>
      %mul3A_235 = arith.mulf %get3A_233, %get3A_233 : vector<16xf32>
      %add3A_236 = arith.addf %add3A_227, %mul3A_235 : vector<16xf32>
      %max3A_237 = arith.maximumf %max3A_228, %get3A_233 : vector<16xf32>
      %swap3A = arith.index_cast %scan3A_15 : i32 to index
      %swap3A_238 = arith.constant 0 : index
      %swap3A_239 = tpu.vector_load %arg13[%swap3A, %swap3A_238] {strides = array<i32>} : memref<128x128xf32, #tpu.memory_space<vmem>>, vector<1x16xf32>,
      %swap3A_240 = vector.shape_cast %swap3A_239 : vector<1x16xf32> to vector<16xf32>
      %swap3A_241 = vector.shape_cast %add3A_234 : vector<16xf32> to vector<1x16xf32>
      tpu.vector_store %arg13[%swap3A, %swap3A_238], %swap3A_241 {strides = array<i32>} : memref<128x128xf32, #tpu.memory_space<vmem>>, vector<1x16xf32>,
      %swap3A_242 = arith.index_cast %scan3A_15 : i32 to index
      %swap3A_243 = arith.constant 0 : index
      %swap3A_244 = tpu.vector_load %arg14[%swap3A_242, %swap3A_243] {strides = array<i32>} : memref<128x128xf32, #tpu.memory_space<vmem>>, vector<1x16xf32>,
      %swap3A_245 = vector.shape_cast %swap3A_244 : vector<1x16xf32> to vector<16xf32>
      %swap3A_246 = vector.shape_cast %add3A_236 : vector<16xf32> to vector<1x16xf32>
      tpu.vector_store %arg14[%swap3A_242, %swap3A_243], %swap3A_246 {strides = array<i32>} : memref<128x128xf32, #tpu.memory_space<vmem>>, vector<1x16xf32>,
      %swap3A_247 = arith.index_cast %scan3A_15 : i32 to index
      %swap3A_248 = arith.constant 0 : index
      %swap3A_249 = tpu.vector_load %arg15[%swap3A_247, %swap3A_248] {strides = array<i32>} : memref<128x128xf32, #tpu.memory_space<vmem>>, vector<1x16xf32>,
      %swap3A_250 = vector.shape_cast %swap3A_249 : vector<1x16xf32> to vector<16xf32>
      %swap3A_251 = vector.shape_cast %max3A_237 : vector<16xf32> to vector<1x16xf32>
      tpu.vector_store %arg15[%swap3A_247, %swap3A_248], %swap3A_251 {strides = array<i32>} : memref<128x128xf32, #tpu.memory_space<vmem>>, vector<1x16xf32>,
      %get3A_252 = arith.constant 0 : i32
      %get3A_253 = arith.index_cast %get3A_252 : i32 to index
      %get3A_254 = arith.constant 16 : index
      %get3A_255 = tpu.vector_load %arg12[%get3A_253, %get3A_254] {strides = array<i32>} : memref<24x128xf32, #tpu.memory_space<vmem>>, vector<1x16xf32>,
      %get3A_256 = vector.shape_cast %get3A_255 : vector<1x16xf32> to vector<16xf32>
      %mul3A_257 = arith.mulf %get3A_256, %get3A_256 : vector<16xf32>
      %get3A_258 = arith.constant 1 : i32
      %get3A_259 = arith.index_cast %get3A_258 : i32 to index
      %get3A_260 = arith.constant 16 : index
      %get3A_261 = tpu.vector_load %arg12[%get3A_259, %get3A_260] {strides = array<i32>} : memref<24x128xf32, #tpu.memory_space<vmem>>, vector<1x16xf32>,
      %get3A_262 = vector.shape_cast %get3A_261 : vector<1x16xf32> to vector<16xf32>
      %add3A_263 = arith.addf %get3A_256, %get3A_262 : vector<16xf32>
      %mul3A_264 = arith.mulf %get3A_262, %get3A_262 : vector<16xf32>
      %add3A_265 = arith.addf %mul3A_257, %mul3A_264 : vector<16xf32>
      %max3A_266 = arith.maximumf %get3A_256, %get3A_262 : vector<16xf32>
      %get3A_267 = arith.constant 2 : i32
      %get3A_268 = arith.index_cast %get3A_267 : i32 to index
      %get3A_269 = arith.constant 16 : index
      %get3A_270 = tpu.vector_load %arg12[%get3A_268, %get3A_269] {strides = array<i32>} : memref<24x128xf32, #tpu.memory_space<vmem>>, vector<1x16xf32>,
      %get3A_271 = vector.shape_cast %get3A_270 : vector<1x16xf32> to vector<16xf32>
      %add3A_272 = arith.addf %add3A_263, %get3A_271 : vector<16xf32>
      %mul3A_273 = arith.mulf %get3A_271, %get3A_271 : vector<16xf32>
      %add3A_274 = arith.addf %add3A_265, %mul3A_273 : vector<16xf32>
      %max3A_275 = arith.maximumf %max3A_266, %get3A_271 : vector<16xf32>
      %get3A_276 = arith.constant 3 : i32
      %get3A_277 = arith.index_cast %get3A_276 : i32 to index
      %get3A_278 = arith.constant 16 : index
      %get3A_279 = tpu.vector_load %arg12[%get3A_277, %get3A_278] {strides = array<i32>} : memref<24x128xf32, #tpu.memory_space<vmem>>, vector<1x16xf32>,
      %get3A_280 = vector.shape_cast %get3A_279 : vector<1x16xf32> to vector<16xf32>
      %add3A_281 = arith.addf %add3A_272, %get3A_280 : vector<16xf32>
      %mul3A_282 = arith.mulf %get3A_280, %get3A_280 : vector<16xf32>
      %add3A_283 = arith.addf %add3A_274, %mul3A_282 : vector<16xf32>
      %max3A_284 = arith.maximumf %max3A_275, %get3A_280 : vector<16xf32>
      %get3A_285 = arith.constant 4 : i32
      %get3A_286 = arith.index_cast %get3A_285 : i32 to index
      %get3A_287 = arith.constant 16 : index
      %get3A_288 = tpu.vector_load %arg12[%get3A_286, %get3A_287] {strides = array<i32>} : memref<24x128xf32, #tpu.memory_space<vmem>>, vector<1x16xf32>,
      %get3A_289 = vector.shape_cast %get3A_288 : vector<1x16xf32> to vector<16xf32>
      %add3A_290 = arith.addf %add3A_281, %get3A_289 : vector<16xf32>
      %mul3A_291 = arith.mulf %get3A_289, %get3A_289 : vector<16xf32>
      %add3A_292 = arith.addf %add3A_283, %mul3A_291 : vector<16xf32>
      %max3A_293 = arith.maximumf %max3A_284, %get3A_289 : vector<16xf32>
      %get3A_294 = arith.constant 5 : i32
      %get3A_295 = arith.index_cast %get3A_294 : i32 to index
      %get3A_296 = arith.constant 16 : index
      %get3A_297 = tpu.vector_load %arg12[%get3A_295, %get3A_296] {strides = array<i32>} : memref<24x128xf32, #tpu.memory_space<vmem>>, vector<1x16xf32>,
      %get3A_298 = vector.shape_cast %get3A_297 : vector<1x16xf32> to vector<16xf32>
      %add3A_299 = arith.addf %add3A_290, %get3A_298 : vector<16xf32>
      %mul3A_300 = arith.mulf %get3A_298, %get3A_298 : vector<16xf32>
      %add3A_301 = arith.addf %add3A_292, %mul3A_300 : vector<16xf32>
      %max3A_302 = arith.maximumf %max3A_293, %get3A_298 : vector<16xf32>
      %get3A_303 = arith.constant 6 : i32
      %get3A_304 = arith.index_cast %get3A_303 : i32 to index
      %get3A_305 = arith.constant 16 : index
      %get3A_306 = tpu.vector_load %arg12[%get3A_304, %get3A_305] {strides = array<i32>} : memref<24x128xf32, #tpu.memory_space<vmem>>, vector<1x16xf32>,
      %get3A_307 = vector.shape_cast %get3A_306 : vector<1x16xf32> to vector<16xf32>
      %add3A_308 = arith.addf %add3A_299, %get3A_307 : vector<16xf32>
      %mul3A_309 = arith.mulf %get3A_307, %get3A_307 : vector<16xf32>
      %add3A_310 = arith.addf %add3A_301, %mul3A_309 : vector<16xf32>
      %max3A_311 = arith.maximumf %max3A_302, %get3A_307 : vector<16xf32>
      %get3A_312 = arith.constant 7 : i32
      %get3A_313 = arith.index_cast %get3A_312 : i32 to index
      %get3A_314 = arith.constant 16 : index
      %get3A_315 = tpu.vector_load %arg12[%get3A_313, %get3A_314] {strides = array<i32>} : memref<24x128xf32, #tpu.memory_space<vmem>>, vector<1x16xf32>,
      %get3A_316 = vector.shape_cast %get3A_315 : vector<1x16xf32> to vector<16xf32>
      %add3A_317 = arith.addf %add3A_308, %get3A_316 : vector<16xf32>
      %mul3A_318 = arith.mulf %get3A_316, %get3A_316 : vector<16xf32>
      %add3A_319 = arith.addf %add3A_310, %mul3A_318 : vector<16xf32>
      %max3A_320 = arith.maximumf %max3A_311, %get3A_316 : vector<16xf32>
      %get3A_321 = arith.constant 8 : i32
      %get3A_322 = arith.index_cast %get3A_321 : i32 to index
      %get3A_323 = arith.constant 16 : index
      %get3A_324 = tpu.vector_load %arg12[%get3A_322, %get3A_323] {strides = array<i32>} : memref<24x128xf32, #tpu.memory_space<vmem>>, vector<1x16xf32>,
      %get3A_325 = vector.shape_cast %get3A_324 : vector<1x16xf32> to vector<16xf32>
      %add3A_326 = arith.addf %add3A_317, %get3A_325 : vector<16xf32>
      %mul3A_327 = arith.mulf %get3A_325, %get3A_325 : vector<16xf32>
      %add3A_328 = arith.addf %add3A_319, %mul3A_327 : vector<16xf32>
      %max3A_329 = arith.maximumf %max3A_320, %get3A_325 : vector<16xf32>
      %get3A_330 = arith.constant 9 : i32
      %get3A_331 = arith.index_cast %get3A_330 : i32 to index
      %get3A_332 = arith.constant 16 : index
      %get3A_333 = tpu.vector_load %arg12[%get3A_331, %get3A_332] {strides = array<i32>} : memref<24x128xf32, #tpu.memory_space<vmem>>, vector<1x16xf32>,
      %get3A_334 = vector.shape_cast %get3A_333 : vector<1x16xf32> to vector<16xf32>
      %add3A_335 = arith.addf %add3A_326, %get3A_334 : vector<16xf32>
      %mul3A_336 = arith.mulf %get3A_334, %get3A_334 : vector<16xf32>
      %add3A_337 = arith.addf %add3A_328, %mul3A_336 : vector<16xf32>
      %max3A_338 = arith.maximumf %max3A_329, %get3A_334 : vector<16xf32>
      %get3A_339 = arith.constant 10 : i32
      %get3A_340 = arith.index_cast %get3A_339 : i32 to index
      %get3A_341 = arith.constant 16 : index
      %get3A_342 = tpu.vector_load %arg12[%get3A_340, %get3A_341] {strides = array<i32>} : memref<24x128xf32, #tpu.memory_space<vmem>>, vector<1x16xf32>,
      %get3A_343 = vector.shape_cast %get3A_342 : vector<1x16xf32> to vector<16xf32>
      %add3A_344 = arith.addf %add3A_335, %get3A_343 : vector<16xf32>
      %mul3A_345 = arith.mulf %get3A_343, %get3A_343 : vector<16xf32>
      %add3A_346 = arith.addf %add3A_337, %mul3A_345 : vector<16xf32>
      %max3A_347 = arith.maximumf %max3A_338, %get3A_343 : vector<16xf32>
      %get3A_348 = arith.constant 11 : i32
      %get3A_349 = arith.index_cast %get3A_348 : i32 to index
      %get3A_350 = arith.constant 16 : index
      %get3A_351 = tpu.vector_load %arg12[%get3A_349, %get3A_350] {strides = array<i32>} : memref<24x128xf32, #tpu.memory_space<vmem>>, vector<1x16xf32>,
      %get3A_352 = vector.shape_cast %get3A_351 : vector<1x16xf32> to vector<16xf32>
      %add3A_353 = arith.addf %add3A_344, %get3A_352 : vector<16xf32>
      %mul3A_354 = arith.mulf %get3A_352, %get3A_352 : vector<16xf32>
      %add3A_355 = arith.addf %add3A_346, %mul3A_354 : vector<16xf32>
      %max3A_356 = arith.maximumf %max3A_347, %get3A_352 : vector<16xf32>
      %get3A_357 = arith.constant 12 : i32
      %get3A_358 = arith.index_cast %get3A_357 : i32 to index
      %get3A_359 = arith.constant 16 : index
      %get3A_360 = tpu.vector_load %arg12[%get3A_358, %get3A_359] {strides = array<i32>} : memref<24x128xf32, #tpu.memory_space<vmem>>, vector<1x16xf32>,
      %get3A_361 = vector.shape_cast %get3A_360 : vector<1x16xf32> to vector<16xf32>
      %add3A_362 = arith.addf %add3A_353, %get3A_361 : vector<16xf32>
      %mul3A_363 = arith.mulf %get3A_361, %get3A_361 : vector<16xf32>
      %add3A_364 = arith.addf %add3A_355, %mul3A_363 : vector<16xf32>
      %max3A_365 = arith.maximumf %max3A_356, %get3A_361 : vector<16xf32>
      %get3A_366 = arith.constant 13 : i32
      %get3A_367 = arith.index_cast %get3A_366 : i32 to index
      %get3A_368 = arith.constant 16 : index
      %get3A_369 = tpu.vector_load %arg12[%get3A_367, %get3A_368] {strides = array<i32>} : memref<24x128xf32, #tpu.memory_space<vmem>>, vector<1x16xf32>,
      %get3A_370 = vector.shape_cast %get3A_369 : vector<1x16xf32> to vector<16xf32>
      %add3A_371 = arith.addf %add3A_362, %get3A_370 : vector<16xf32>
      %mul3A_372 = arith.mulf %get3A_370, %get3A_370 : vector<16xf32>
      %add3A_373 = arith.addf %add3A_364, %mul3A_372 : vector<16xf32>
      %max3A_374 = arith.maximumf %max3A_365, %get3A_370 : vector<16xf32>
      %get3A_375 = arith.constant 14 : i32
      %get3A_376 = arith.index_cast %get3A_375 : i32 to index
      %get3A_377 = arith.constant 16 : index
      %get3A_378 = tpu.vector_load %arg12[%get3A_376, %get3A_377] {strides = array<i32>} : memref<24x128xf32, #tpu.memory_space<vmem>>, vector<1x16xf32>,
      %get3A_379 = vector.shape_cast %get3A_378 : vector<1x16xf32> to vector<16xf32>
      %add3A_380 = arith.addf %add3A_371, %get3A_379 : vector<16xf32>
      %mul3A_381 = arith.mulf %get3A_379, %get3A_379 : vector<16xf32>
      %add3A_382 = arith.addf %add3A_373, %mul3A_381 : vector<16xf32>
      %max3A_383 = arith.maximumf %max3A_374, %get3A_379 : vector<16xf32>
      %get3A_384 = arith.constant 15 : i32
      %get3A_385 = arith.index_cast %get3A_384 : i32 to index
      %get3A_386 = arith.constant 16 : index
      %get3A_387 = tpu.vector_load %arg12[%get3A_385, %get3A_386] {strides = array<i32>} : memref<24x128xf32, #tpu.memory_space<vmem>>, vector<1x16xf32>,
      %get3A_388 = vector.shape_cast %get3A_387 : vector<1x16xf32> to vector<16xf32>
      %add3A_389 = arith.addf %add3A_380, %get3A_388 : vector<16xf32>
      %mul3A_390 = arith.mulf %get3A_388, %get3A_388 : vector<16xf32>
      %add3A_391 = arith.addf %add3A_382, %mul3A_390 : vector<16xf32>
      %max3A_392 = arith.maximumf %max3A_383, %get3A_388 : vector<16xf32>
      %get3A_393 = arith.constant 16 : i32
      %get3A_394 = arith.index_cast %get3A_393 : i32 to index
      %get3A_395 = arith.constant 16 : index
      %get3A_396 = tpu.vector_load %arg12[%get3A_394, %get3A_395] {strides = array<i32>} : memref<24x128xf32, #tpu.memory_space<vmem>>, vector<1x16xf32>,
      %get3A_397 = vector.shape_cast %get3A_396 : vector<1x16xf32> to vector<16xf32>
      %add3A_398 = arith.addf %add3A_389, %get3A_397 : vector<16xf32>
      %mul3A_399 = arith.mulf %get3A_397, %get3A_397 : vector<16xf32>
      %add3A_400 = arith.addf %add3A_391, %mul3A_399 : vector<16xf32>
      %max3A_401 = arith.maximumf %max3A_392, %get3A_397 : vector<16xf32>
      %get3A_402 = arith.constant 17 : i32
      %get3A_403 = arith.index_cast %get3A_402 : i32 to index
      %get3A_404 = arith.constant 16 : index
      %get3A_405 = tpu.vector_load %arg12[%get3A_403, %get3A_404] {strides = array<i32>} : memref<24x128xf32, #tpu.memory_space<vmem>>, vector<1x16xf32>,
      %get3A_406 = vector.shape_cast %get3A_405 : vector<1x16xf32> to vector<16xf32>
      %add3A_407 = arith.addf %add3A_398, %get3A_406 : vector<16xf32>
      %mul3A_408 = arith.mulf %get3A_406, %get3A_406 : vector<16xf32>
      %add3A_409 = arith.addf %add3A_400, %mul3A_408 : vector<16xf32>
      %max3A_410 = arith.maximumf %max3A_401, %get3A_406 : vector<16xf32>
      %get3A_411 = arith.constant 18 : i32
      %get3A_412 = arith.index_cast %get3A_411 : i32 to index
      %get3A_413 = arith.constant 16 : index
      %get3A_414 = tpu.vector_load %arg12[%get3A_412, %get3A_413] {strides = array<i32>} : memref<24x128xf32, #tpu.memory_space<vmem>>, vector<1x16xf32>,
      %get3A_415 = vector.shape_cast %get3A_414 : vector<1x16xf32> to vector<16xf32>
      %add3A_416 = arith.addf %add3A_407, %get3A_415 : vector<16xf32>
      %mul3A_417 = arith.mulf %get3A_415, %get3A_415 : vector<16xf32>
      %add3A_418 = arith.addf %add3A_409, %mul3A_417 : vector<16xf32>
      %max3A_419 = arith.maximumf %max3A_410, %get3A_415 : vector<16xf32>
      %get3A_420 = arith.constant 19 : i32
      %get3A_421 = arith.index_cast %get3A_420 : i32 to index
      %get3A_422 = arith.constant 16 : index
      %get3A_423 = tpu.vector_load %arg12[%get3A_421, %get3A_422] {strides = array<i32>} : memref<24x128xf32, #tpu.memory_space<vmem>>, vector<1x16xf32>,
      %get3A_424 = vector.shape_cast %get3A_423 : vector<1x16xf32> to vector<16xf32>
      %add3A_425 = arith.addf %add3A_416, %get3A_424 : vector<16xf32>
      %mul3A_426 = arith.mulf %get3A_424, %get3A_424 : vector<16xf32>
      %add3A_427 = arith.addf %add3A_418, %mul3A_426 : vector<16xf32>
      %max3A_428 = arith.maximumf %max3A_419, %get3A_424 : vector<16xf32>
      %get3A_429 = arith.constant 20 : i32
      %get3A_430 = arith.index_cast %get3A_429 : i32 to index
      %get3A_431 = arith.constant 16 : index
      %get3A_432 = tpu.vector_load %arg12[%get3A_430, %get3A_431] {strides = array<i32>} : memref<24x128xf32, #tpu.memory_space<vmem>>, vector<1x16xf32>,
      %get3A_433 = vector.shape_cast %get3A_432 : vector<1x16xf32> to vector<16xf32>
      %add3A_434 = arith.addf %add3A_425, %get3A_433 : vector<16xf32>
      %mul3A_435 = arith.mulf %get3A_433, %get3A_433 : vector<16xf32>
      %add3A_436 = arith.addf %add3A_427, %mul3A_435 : vector<16xf32>
      %max3A_437 = arith.maximumf %max3A_428, %get3A_433 : vector<16xf32>
      %get3A_438 = arith.constant 21 : i32
      %get3A_439 = arith.index_cast %get3A_438 : i32 to index
      %get3A_440 = arith.constant 16 : index
      %get3A_441 = tpu.vector_load %arg12[%get3A_439, %get3A_440] {strides = array<i32>} : memref<24x128xf32, #tpu.memory_space<vmem>>, vector<1x16xf32>,
      %get3A_442 = vector.shape_cast %get3A_441 : vector<1x16xf32> to vector<16xf32>
      %add3A_443 = arith.addf %add3A_434, %get3A_442 : vector<16xf32>
      %mul3A_444 = arith.mulf %get3A_442, %get3A_442 : vector<16xf32>
      %add3A_445 = arith.addf %add3A_436, %mul3A_444 : vector<16xf32>
      %max3A_446 = arith.maximumf %max3A_437, %get3A_442 : vector<16xf32>
      %get3A_447 = arith.constant 22 : i32
      %get3A_448 = arith.index_cast %get3A_447 : i32 to index
      %get3A_449 = arith.constant 16 : index
      %get3A_450 = tpu.vector_load %arg12[%get3A_448, %get3A_449] {strides = array<i32>} : memref<24x128xf32, #tpu.memory_space<vmem>>, vector<1x16xf32>,
      %get3A_451 = vector.shape_cast %get3A_450 : vector<1x16xf32> to vector<16xf32>
      %add3A_452 = arith.addf %add3A_443, %get3A_451 : vector<16xf32>
      %mul3A_453 = arith.mulf %get3A_451, %get3A_451 : vector<16xf32>
      %add3A_454 = arith.addf %add3A_445, %mul3A_453 : vector<16xf32>
      %max3A_455 = arith.maximumf %max3A_446, %get3A_451 : vector<16xf32>
      %get3A_456 = arith.constant 23 : i32
      %get3A_457 = arith.index_cast %get3A_456 : i32 to index
      %get3A_458 = arith.constant 16 : index
      %get3A_459 = tpu.vector_load %arg12[%get3A_457, %get3A_458] {strides = array<i32>} : memref<24x128xf32, #tpu.memory_space<vmem>>, vector<1x16xf32>,
      %get3A_460 = vector.shape_cast %get3A_459 : vector<1x16xf32> to vector<16xf32>
      %add3A_461 = arith.addf %add3A_452, %get3A_460 : vector<16xf32>
      %mul3A_462 = arith.mulf %get3A_460, %get3A_460 : vector<16xf32>
      %add3A_463 = arith.addf %add3A_454, %mul3A_462 : vector<16xf32>
      %max3A_464 = arith.maximumf %max3A_455, %get3A_460 : vector<16xf32>
      %swap3A_465 = arith.index_cast %scan3A_15 : i32 to index
      %swap3A_466 = arith.constant 16 : index
      %swap3A_467 = tpu.vector_load %arg13[%swap3A_465, %swap3A_466] {strides = array<i32>} : memref<128x128xf32, #tpu.memory_space<vmem>>, vector<1x16xf32>,
      %swap3A_468 = vector.shape_cast %swap3A_467 : vector<1x16xf32> to vector<16xf32>
      %swap3A_469 = vector.shape_cast %add3A_461 : vector<16xf32> to vector<1x16xf32>
      tpu.vector_store %arg13[%swap3A_465, %swap3A_466], %swap3A_469 {strides = array<i32>} : memref<128x128xf32, #tpu.memory_space<vmem>>, vector<1x16xf32>,
      %swap3A_470 = arith.index_cast %scan3A_15 : i32 to index
      %swap3A_471 = arith.constant 16 : index
      %swap3A_472 = tpu.vector_load %arg14[%swap3A_470, %swap3A_471] {strides = array<i32>} : memref<128x128xf32, #tpu.memory_space<vmem>>, vector<1x16xf32>,
      %swap3A_473 = vector.shape_cast %swap3A_472 : vector<1x16xf32> to vector<16xf32>
      %swap3A_474 = vector.shape_cast %add3A_463 : vector<16xf32> to vector<1x16xf32>
      tpu.vector_store %arg14[%swap3A_470, %swap3A_471], %swap3A_474 {strides = array<i32>} : memref<128x128xf32, #tpu.memory_space<vmem>>, vector<1x16xf32>,
      %swap3A_475 = arith.index_cast %scan3A_15 : i32 to index
      %swap3A_476 = arith.constant 16 : index
      %swap3A_477 = tpu.vector_load %arg15[%swap3A_475, %swap3A_476] {strides = array<i32>} : memref<128x128xf32, #tpu.memory_space<vmem>>, vector<1x16xf32>,
      %swap3A_478 = vector.shape_cast %swap3A_477 : vector<1x16xf32> to vector<16xf32>
      %swap3A_479 = vector.shape_cast %max3A_464 : vector<16xf32> to vector<1x16xf32>
      tpu.vector_store %arg15[%swap3A_475, %swap3A_476], %swap3A_479 {strides = array<i32>} : memref<128x128xf32, #tpu.memory_space<vmem>>, vector<1x16xf32>,
      %get3A_480 = arith.constant 0 : i32
      %get3A_481 = arith.index_cast %get3A_480 : i32 to index
      %get3A_482 = arith.constant 32 : index
      %get3A_483 = tpu.vector_load %arg12[%get3A_481, %get3A_482] {strides = array<i32>} : memref<24x128xf32, #tpu.memory_space<vmem>>, vector<1x16xf32>,
      %get3A_484 = vector.shape_cast %get3A_483 : vector<1x16xf32> to vector<16xf32>
      %mul3A_485 = arith.mulf %get3A_484, %get3A_484 : vector<16xf32>
      %get3A_486 = arith.constant 1 : i32
      %get3A_487 = arith.index_cast %get3A_486 : i32 to index
      %get3A_488 = arith.constant 32 : index
      %get3A_489 = tpu.vector_load %arg12[%get3A_487, %get3A_488] {strides = array<i32>} : memref<24x128xf32, #tpu.memory_space<vmem>>, vector<1x16xf32>,
      %get3A_490 = vector.shape_cast %get3A_489 : vector<1x16xf32> to vector<16xf32>
      %add3A_491 = arith.addf %get3A_484, %get3A_490 : vector<16xf32>
      %mul3A_492 = arith.mulf %get3A_490, %get3A_490 : vector<16xf32>
      %add3A_493 = arith.addf %mul3A_485, %mul3A_492 : vector<16xf32>
      %max3A_494 = arith.maximumf %get3A_484, %get3A_490 : vector<16xf32>
      %get3A_495 = arith.constant 2 : i32
      %get3A_496 = arith.index_cast %get3A_495 : i32 to index
      %get3A_497 = arith.constant 32 : index
      %get3A_498 = tpu.vector_load %arg12[%get3A_496, %get3A_497] {strides = array<i32>} : memref<24x128xf32, #tpu.memory_space<vmem>>, vector<1x16xf32>,
      %get3A_499 = vector.shape_cast %get3A_498 : vector<1x16xf32> to vector<16xf32>
      %add3A_500 = arith.addf %add3A_491, %get3A_499 : vector<16xf32>
      %mul3A_501 = arith.mulf %get3A_499, %get3A_499 : vector<16xf32>
      %add3A_502 = arith.addf %add3A_493, %mul3A_501 : vector<16xf32>
      %max3A_503 = arith.maximumf %max3A_494, %get3A_499 : vector<16xf32>
      %get3A_504 = arith.constant 3 : i32
      %get3A_505 = arith.index_cast %get3A_504 : i32 to index
      %get3A_506 = arith.constant 32 : index
      %get3A_507 = tpu.vector_load %arg12[%get3A_505, %get3A_506] {strides = array<i32>} : memref<24x128xf32, #tpu.memory_space<vmem>>, vector<1x16xf32>,
      %get3A_508 = vector.shape_cast %get3A_507 : vector<1x16xf32> to vector<16xf32>
      %add3A_509 = arith.addf %add3A_500, %get3A_508 : vector<16xf32>
      %mul3A_510 = arith.mulf %get3A_508, %get3A_508 : vector<16xf32>
      %add3A_511 = arith.addf %add3A_502, %mul3A_510 : vector<16xf32>
      %max3A_512 = arith.maximumf %max3A_503, %get3A_508 : vector<16xf32>
      %get3A_513 = arith.constant 4 : i32
      %get3A_514 = arith.index_cast %get3A_513 : i32 to index
      %get3A_515 = arith.constant 32 : index
      %get3A_516 = tpu.vector_load %arg12[%get3A_514, %get3A_515] {strides = array<i32>} : memref<24x128xf32, #tpu.memory_space<vmem>>, vector<1x16xf32>,
      %get3A_517 = vector.shape_cast %get3A_516 : vector<1x16xf32> to vector<16xf32>
      %add3A_518 = arith.addf %add3A_509, %get3A_517 : vector<16xf32>
      %mul3A_519 = arith.mulf %get3A_517, %get3A_517 : vector<16xf32>
      %add3A_520 = arith.addf %add3A_511, %mul3A_519 : vector<16xf32>
      %max3A_521 = arith.maximumf %max3A_512, %get3A_517 : vector<16xf32>
      %get3A_522 = arith.constant 5 : i32
      %get3A_523 = arith.index_cast %get3A_522 : i32 to index
      %get3A_524 = arith.constant 32 : index
      %get3A_525 = tpu.vector_load %arg12[%get3A_523, %get3A_524] {strides = array<i32>} : memref<24x128xf32, #tpu.memory_space<vmem>>, vector<1x16xf32>,
      %get3A_526 = vector.shape_cast %get3A_525 : vector<1x16xf32> to vector<16xf32>
      %add3A_527 = arith.addf %add3A_518, %get3A_526 : vector<16xf32>
      %mul3A_528 = arith.mulf %get3A_526, %get3A_526 : vector<16xf32>
      %add3A_529 = arith.addf %add3A_520, %mul3A_528 : vector<16xf32>
      %max3A_530 = arith.maximumf %max3A_521, %get3A_526 : vector<16xf32>
      %get3A_531 = arith.constant 6 : i32
      %get3A_532 = arith.index_cast %get3A_531 : i32 to index
      %get3A_533 = arith.constant 32 : index
      %get3A_534 = tpu.vector_load %arg12[%get3A_532, %get3A_533] {strides = array<i32>} : memref<24x128xf32, #tpu.memory_space<vmem>>, vector<1x16xf32>,
      %get3A_535 = vector.shape_cast %get3A_534 : vector<1x16xf32> to vector<16xf32>
      %add3A_536 = arith.addf %add3A_527, %get3A_535 : vector<16xf32>
      %mul3A_537 = arith.mulf %get3A_535, %get3A_535 : vector<16xf32>
      %add3A_538 = arith.addf %add3A_529, %mul3A_537 : vector<16xf32>
      %max3A_539 = arith.maximumf %max3A_530, %get3A_535 : vector<16xf32>
      %get3A_540 = arith.constant 7 : i32
      %get3A_541 = arith.index_cast %get3A_540 : i32 to index
      %get3A_542 = arith.constant 32 : index
      %get3A_543 = tpu.vector_load %arg12[%get3A_541, %get3A_542] {strides = array<i32>} : memref<24x128xf32, #tpu.memory_space<vmem>>, vector<1x16xf32>,
      %get3A_544 = vector.shape_cast %get3A_543 : vector<1x16xf32> to vector<16xf32>
      %add3A_545 = arith.addf %add3A_536, %get3A_544 : vector<16xf32>
      %mul3A_546 = arith.mulf %get3A_544, %get3A_544 : vector<16xf32>
      %add3A_547 = arith.addf %add3A_538, %mul3A_546 : vector<16xf32>
      %max3A_548 = arith.maximumf %max3A_539, %get3A_544 : vector<16xf32>
      %get3A_549 = arith.constant 8 : i32
      %get3A_550 = arith.index_cast %get3A_549 : i32 to index
      %get3A_551 = arith.constant 32 : index
      %get3A_552 = tpu.vector_load %arg12[%get3A_550, %get3A_551] {strides = array<i32>} : memref<24x128xf32, #tpu.memory_space<vmem>>, vector<1x16xf32>,
      %get3A_553 = vector.shape_cast %get3A_552 : vector<1x16xf32> to vector<16xf32>
      %add3A_554 = arith.addf %add3A_545, %get3A_553 : vector<16xf32>
      %mul3A_555 = arith.mulf %get3A_553, %get3A_553 : vector<16xf32>
      %add3A_556 = arith.addf %add3A_547, %mul3A_555 : vector<16xf32>
      %max3A_557 = arith.maximumf %max3A_548, %get3A_553 : vector<16xf32>
      %get3A_558 = arith.constant 9 : i32
      %get3A_559 = arith.index_cast %get3A_558 : i32 to index
      %get3A_560 = arith.constant 32 : index
      %get3A_561 = tpu.vector_load %arg12[%get3A_559, %get3A_560] {strides = array<i32>} : memref<24x128xf32, #tpu.memory_space<vmem>>, vector<1x16xf32>,
      %get3A_562 = vector.shape_cast %get3A_561 : vector<1x16xf32> to vector<16xf32>
      %add3A_563 = arith.addf %add3A_554, %get3A_562 : vector<16xf32>
      %mul3A_564 = arith.mulf %get3A_562, %get3A_562 : vector<16xf32>
      %add3A_565 = arith.addf %add3A_556, %mul3A_564 : vector<16xf32>
      %max3A_566 = arith.maximumf %max3A_557, %get3A_562 : vector<16xf32>
      %get3A_567 = arith.constant 10 : i32
      %get3A_568 = arith.index_cast %get3A_567 : i32 to index
      %get3A_569 = arith.constant 32 : index
      %get3A_570 = tpu.vector_load %arg12[%get3A_568, %get3A_569] {strides = array<i32>} : memref<24x128xf32, #tpu.memory_space<vmem>>, vector<1x16xf32>,
      %get3A_571 = vector.shape_cast %get3A_570 : vector<1x16xf32> to vector<16xf32>
      %add3A_572 = arith.addf %add3A_563, %get3A_571 : vector<16xf32>
      %mul3A_573 = arith.mulf %get3A_571, %get3A_571 : vector<16xf32>
      %add3A_574 = arith.addf %add3A_565, %mul3A_573 : vector<16xf32>
      %max3A_575 = arith.maximumf %max3A_566, %get3A_571 : vector<16xf32>
      %get3A_576 = arith.constant 11 : i32
      %get3A_577 = arith.index_cast %get3A_576 : i32 to index
      %get3A_578 = arith.constant 32 : index
      %get3A_579 = tpu.vector_load %arg12[%get3A_577, %get3A_578] {strides = array<i32>} : memref<24x128xf32, #tpu.memory_space<vmem>>, vector<1x16xf32>,
      %get3A_580 = vector.shape_cast %get3A_579 : vector<1x16xf32> to vector<16xf32>
      %add3A_581 = arith.addf %add3A_572, %get3A_580 : vector<16xf32>
      %mul3A_582 = arith.mulf %get3A_580, %get3A_580 : vector<16xf32>
      %add3A_583 = arith.addf %add3A_574, %mul3A_582 : vector<16xf32>
      %max3A_584 = arith.maximumf %max3A_575, %get3A_580 : vector<16xf32>
      %get3A_585 = arith.constant 12 : i32
      %get3A_586 = arith.index_cast %get3A_585 : i32 to index
      %get3A_587 = arith.constant 32 : index
      %get3A_588 = tpu.vector_load %arg12[%get3A_586, %get3A_587] {strides = array<i32>} : memref<24x128xf32, #tpu.memory_space<vmem>>, vector<1x16xf32>,
      %get3A_589 = vector.shape_cast %get3A_588 : vector<1x16xf32> to vector<16xf32>
      %add3A_590 = arith.addf %add3A_581, %get3A_589 : vector<16xf32>
      %mul3A_591 = arith.mulf %get3A_589, %get3A_589 : vector<16xf32>
      %add3A_592 = arith.addf %add3A_583, %mul3A_591 : vector<16xf32>
      %max3A_593 = arith.maximumf %max3A_584, %get3A_589 : vector<16xf32>
      %get3A_594 = arith.constant 13 : i32
      %get3A_595 = arith.index_cast %get3A_594 : i32 to index
      %get3A_596 = arith.constant 32 : index
      %get3A_597 = tpu.vector_load %arg12[%get3A_595, %get3A_596] {strides = array<i32>} : memref<24x128xf32, #tpu.memory_space<vmem>>, vector<1x16xf32>,
      %get3A_598 = vector.shape_cast %get3A_597 : vector<1x16xf32> to vector<16xf32>
      %add3A_599 = arith.addf %add3A_590, %get3A_598 : vector<16xf32>
      %mul3A_600 = arith.mulf %get3A_598, %get3A_598 : vector<16xf32>
      %add3A_601 = arith.addf %add3A_592, %mul3A_600 : vector<16xf32>
      %max3A_602 = arith.maximumf %max3A_593, %get3A_598 : vector<16xf32>
      %get3A_603 = arith.constant 14 : i32
      %get3A_604 = arith.index_cast %get3A_603 : i32 to index
      %get3A_605 = arith.constant 32 : index
      %get3A_606 = tpu.vector_load %arg12[%get3A_604, %get3A_605] {strides = array<i32>} : memref<24x128xf32, #tpu.memory_space<vmem>>, vector<1x16xf32>,
      %get3A_607 = vector.shape_cast %get3A_606 : vector<1x16xf32> to vector<16xf32>
      %add3A_608 = arith.addf %add3A_599, %get3A_607 : vector<16xf32>
      %mul3A_609 = arith.mulf %get3A_607, %get3A_607 : vector<16xf32>
      %add3A_610 = arith.addf %add3A_601, %mul3A_609 : vector<16xf32>
      %max3A_611 = arith.maximumf %max3A_602, %get3A_607 : vector<16xf32>
      %get3A_612 = arith.constant 15 : i32
      %get3A_613 = arith.index_cast %get3A_612 : i32 to index
      %get3A_614 = arith.constant 32 : index
      %get3A_615 = tpu.vector_load %arg12[%get3A_613, %get3A_614] {strides = array<i32>} : memref<24x128xf32, #tpu.memory_space<vmem>>, vector<1x16xf32>,
      %get3A_616 = vector.shape_cast %get3A_615 : vector<1x16xf32> to vector<16xf32>
      %add3A_617 = arith.addf %add3A_608, %get3A_616 : vector<16xf32>
      %mul3A_618 = arith.mulf %get3A_616, %get3A_616 : vector<16xf32>
      %add3A_619 = arith.addf %add3A_610, %mul3A_618 : vector<16xf32>
      %max3A_620 = arith.maximumf %max3A_611, %get3A_616 : vector<16xf32>
      %get3A_621 = arith.constant 16 : i32
      %get3A_622 = arith.index_cast %get3A_621 : i32 to index
      %get3A_623 = arith.constant 32 : index
      %get3A_624 = tpu.vector_load %arg12[%get3A_622, %get3A_623] {strides = array<i32>} : memref<24x128xf32, #tpu.memory_space<vmem>>, vector<1x16xf32>,
      %get3A_625 = vector.shape_cast %get3A_624 : vector<1x16xf32> to vector<16xf32>
      %add3A_626 = arith.addf %add3A_617, %get3A_625 : vector<16xf32>
      %mul3A_627 = arith.mulf %get3A_625, %get3A_625 : vector<16xf32>
      %add3A_628 = arith.addf %add3A_619, %mul3A_627 : vector<16xf32>
      %max3A_629 = arith.maximumf %max3A_620, %get3A_625 : vector<16xf32>
      %get3A_630 = arith.constant 17 : i32
      %get3A_631 = arith.index_cast %get3A_630 : i32 to index
      %get3A_632 = arith.constant 32 : index
      %get3A_633 = tpu.vector_load %arg12[%get3A_631, %get3A_632] {strides = array<i32>} : memref<24x128xf32, #tpu.memory_space<vmem>>, vector<1x16xf32>,
      %get3A_634 = vector.shape_cast %get3A_633 : vector<1x16xf32> to vector<16xf32>
      %add3A_635 = arith.addf %add3A_626, %get3A_634 : vector<16xf32>
      %mul3A_636 = arith.mulf %get3A_634, %get3A_634 : vector<16xf32>
      %add3A_637 = arith.addf %add3A_628, %mul3A_636 : vector<16xf32>
      %max3A_638 = arith.maximumf %max3A_629, %get3A_634 : vector<16xf32>
      %get3A_639 = arith.constant 18 : i32
      %get3A_640 = arith.index_cast %get3A_639 : i32 to index
      %get3A_641 = arith.constant 32 : index
      %get3A_642 = tpu.vector_load %arg12[%get3A_640, %get3A_641] {strides = array<i32>} : memref<24x128xf32, #tpu.memory_space<vmem>>, vector<1x16xf32>,
      %get3A_643 = vector.shape_cast %get3A_642 : vector<1x16xf32> to vector<16xf32>
      %add3A_644 = arith.addf %add3A_635, %get3A_643 : vector<16xf32>
      %mul3A_645 = arith.mulf %get3A_643, %get3A_643 : vector<16xf32>
      %add3A_646 = arith.addf %add3A_637, %mul3A_645 : vector<16xf32>
      %max3A_647 = arith.maximumf %max3A_638, %get3A_643 : vector<16xf32>
      %get3A_648 = arith.constant 19 : i32
      %get3A_649 = arith.index_cast %get3A_648 : i32 to index
      %get3A_650 = arith.constant 32 : index
      %get3A_651 = tpu.vector_load %arg12[%get3A_649, %get3A_650] {strides = array<i32>} : memref<24x128xf32, #tpu.memory_space<vmem>>, vector<1x16xf32>,
      %get3A_652 = vector.shape_cast %get3A_651 : vector<1x16xf32> to vector<16xf32>
      %add3A_653 = arith.addf %add3A_644, %get3A_652 : vector<16xf32>
      %mul3A_654 = arith.mulf %get3A_652, %get3A_652 : vector<16xf32>
      %add3A_655 = arith.addf %add3A_646, %mul3A_654 : vector<16xf32>
      %max3A_656 = arith.maximumf %max3A_647, %get3A_652 : vector<16xf32>
      %get3A_657 = arith.constant 20 : i32
      %get3A_658 = arith.index_cast %get3A_657 : i32 to index
      %get3A_659 = arith.constant 32 : index
      %get3A_660 = tpu.vector_load %arg12[%get3A_658, %get3A_659] {strides = array<i32>} : memref<24x128xf32, #tpu.memory_space<vmem>>, vector<1x16xf32>,
      %get3A_661 = vector.shape_cast %get3A_660 : vector<1x16xf32> to vector<16xf32>
      %add3A_662 = arith.addf %add3A_653, %get3A_661 : vector<16xf32>
      %mul3A_663 = arith.mulf %get3A_661, %get3A_661 : vector<16xf32>
      %add3A_664 = arith.addf %add3A_655, %mul3A_663 : vector<16xf32>
      %max3A_665 = arith.maximumf %max3A_656, %get3A_661 : vector<16xf32>
      %get3A_666 = arith.constant 21 : i32
      %get3A_667 = arith.index_cast %get3A_666 : i32 to index
      %get3A_668 = arith.constant 32 : index
      %get3A_669 = tpu.vector_load %arg12[%get3A_667, %get3A_668] {strides = array<i32>} : memref<24x128xf32, #tpu.memory_space<vmem>>, vector<1x16xf32>,
      %get3A_670 = vector.shape_cast %get3A_669 : vector<1x16xf32> to vector<16xf32>
      %add3A_671 = arith.addf %add3A_662, %get3A_670 : vector<16xf32>
      %mul3A_672 = arith.mulf %get3A_670, %get3A_670 : vector<16xf32>
      %add3A_673 = arith.addf %add3A_664, %mul3A_672 : vector<16xf32>
      %max3A_674 = arith.maximumf %max3A_665, %get3A_670 : vector<16xf32>
      %get3A_675 = arith.constant 22 : i32
      %get3A_676 = arith.index_cast %get3A_675 : i32 to index
      %get3A_677 = arith.constant 32 : index
      %get3A_678 = tpu.vector_load %arg12[%get3A_676, %get3A_677] {strides = array<i32>} : memref<24x128xf32, #tpu.memory_space<vmem>>, vector<1x16xf32>,
      %get3A_679 = vector.shape_cast %get3A_678 : vector<1x16xf32> to vector<16xf32>
      %add3A_680 = arith.addf %add3A_671, %get3A_679 : vector<16xf32>
      %mul3A_681 = arith.mulf %get3A_679, %get3A_679 : vector<16xf32>
      %add3A_682 = arith.addf %add3A_673, %mul3A_681 : vector<16xf32>
      %max3A_683 = arith.maximumf %max3A_674, %get3A_679 : vector<16xf32>
      %get3A_684 = arith.constant 23 : i32
      %get3A_685 = arith.index_cast %get3A_684 : i32 to index
      %get3A_686 = arith.constant 32 : index
      %get3A_687 = tpu.vector_load %arg12[%get3A_685, %get3A_686] {strides = array<i32>} : memref<24x128xf32, #tpu.memory_space<vmem>>, vector<1x16xf32>,
      %get3A_688 = vector.shape_cast %get3A_687 : vector<1x16xf32> to vector<16xf32>
      %add3A_689 = arith.addf %add3A_680, %get3A_688 : vector<16xf32>
      %mul3A_690 = arith.mulf %get3A_688, %get3A_688 : vector<16xf32>
      %add3A_691 = arith.addf %add3A_682, %mul3A_690 : vector<16xf32>
      %max3A_692 = arith.maximumf %max3A_683, %get3A_688 : vector<16xf32>
      %swap3A_693 = arith.index_cast %scan3A_15 : i32 to index
      %swap3A_694 = arith.constant 32 : index
      %swap3A_695 = tpu.vector_load %arg13[%swap3A_693, %swap3A_694] {strides = array<i32>} : memref<128x128xf32, #tpu.memory_space<vmem>>, vector<1x16xf32>,
      %swap3A_696 = vector.shape_cast %swap3A_695 : vector<1x16xf32> to vector<16xf32>
      %swap3A_697 = vector.shape_cast %add3A_689 : vector<16xf32> to vector<1x16xf32>
      tpu.vector_store %arg13[%swap3A_693, %swap3A_694], %swap3A_697 {strides = array<i32>} : memref<128x128xf32, #tpu.memory_space<vmem>>, vector<1x16xf32>,
      %swap3A_698 = arith.index_cast %scan3A_15 : i32 to index
      %swap3A_699 = arith.constant 32 : index
      %swap3A_700 = tpu.vector_load %arg14[%swap3A_698, %swap3A_699] {strides = array<i32>} : memref<128x128xf32, #tpu.memory_space<vmem>>, vector<1x16xf32>,
      %swap3A_701 = vector.shape_cast %swap3A_700 : vector<1x16xf32> to vector<16xf32>
      %swap3A_702 = vector.shape_cast %add3A_691 : vector<16xf32> to vector<1x16xf32>
      tpu.vector_store %arg14[%swap3A_698, %swap3A_699], %swap3A_702 {strides = array<i32>} : memref<128x128xf32, #tpu.memory_space<vmem>>, vector<1x16xf32>,
      %swap3A_703 = arith.index_cast %scan3A_15 : i32 to index
      %swap3A_704 = arith.constant 32 : index
      %swap3A_705 = tpu.vector_load %arg15[%swap3A_703, %swap3A_704] {strides = array<i32>} : memref<128x128xf32, #tpu.memory_space<vmem>>, vector<1x16xf32>,
      %swap3A_706 = vector.shape_cast %swap3A_705 : vector<1x16xf32> to vector<16xf32>
      %swap3A_707 = vector.shape_cast %max3A_692 : vector<16xf32> to vector<1x16xf32>
      tpu.vector_store %arg15[%swap3A_703, %swap3A_704], %swap3A_707 {strides = array<i32>} : memref<128x128xf32, #tpu.memory_space<vmem>>, vector<1x16xf32>,
      %get3A_708 = arith.constant 0 : i32
      %get3A_709 = arith.index_cast %get3A_708 : i32 to index
      %get3A_710 = arith.constant 48 : index
      %get3A_711 = tpu.vector_load %arg12[%get3A_709, %get3A_710] {strides = array<i32>} : memref<24x128xf32, #tpu.memory_space<vmem>>, vector<1x16xf32>,
      %get3A_712 = vector.shape_cast %get3A_711 : vector<1x16xf32> to vector<16xf32>
      %mul3A_713 = arith.mulf %get3A_712, %get3A_712 : vector<16xf32>
      %get3A_714 = arith.constant 1 : i32
      %get3A_715 = arith.index_cast %get3A_714 : i32 to index
      %get3A_716 = arith.constant 48 : index
      %get3A_717 = tpu.vector_load %arg12[%get3A_715, %get3A_716] {strides = array<i32>} : memref<24x128xf32, #tpu.memory_space<vmem>>, vector<1x16xf32>,
      %get3A_718 = vector.shape_cast %get3A_717 : vector<1x16xf32> to vector<16xf32>
      %add3A_719 = arith.addf %get3A_712, %get3A_718 : vector<16xf32>
      %mul3A_720 = arith.mulf %get3A_718, %get3A_718 : vector<16xf32>
      %add3A_721 = arith.addf %mul3A_713, %mul3A_720 : vector<16xf32>
      %max3A_722 = arith.maximumf %get3A_712, %get3A_718 : vector<16xf32>
      %get3A_723 = arith.constant 2 : i32
      %get3A_724 = arith.index_cast %get3A_723 : i32 to index
      %get3A_725 = arith.constant 48 : index
      %get3A_726 = tpu.vector_load %arg12[%get3A_724, %get3A_725] {strides = array<i32>} : memref<24x128xf32, #tpu.memory_space<vmem>>, vector<1x16xf32>,
      %get3A_727 = vector.shape_cast %get3A_726 : vector<1x16xf32> to vector<16xf32>
      %add3A_728 = arith.addf %add3A_719, %get3A_727 : vector<16xf32>
      %mul3A_729 = arith.mulf %get3A_727, %get3A_727 : vector<16xf32>
      %add3A_730 = arith.addf %add3A_721, %mul3A_729 : vector<16xf32>
      %max3A_731 = arith.maximumf %max3A_722, %get3A_727 : vector<16xf32>
      %get3A_732 = arith.constant 3 : i32
      %get3A_733 = arith.index_cast %get3A_732 : i32 to index
      %get3A_734 = arith.constant 48 : index
      %get3A_735 = tpu.vector_load %arg12[%get3A_733, %get3A_734] {strides = array<i32>} : memref<24x128xf32, #tpu.memory_space<vmem>>, vector<1x16xf32>,
      %get3A_736 = vector.shape_cast %get3A_735 : vector<1x16xf32> to vector<16xf32>
      %add3A_737 = arith.addf %add3A_728, %get3A_736 : vector<16xf32>
      %mul3A_738 = arith.mulf %get3A_736, %get3A_736 : vector<16xf32>
      %add3A_739 = arith.addf %add3A_730, %mul3A_738 : vector<16xf32>
      %max3A_740 = arith.maximumf %max3A_731, %get3A_736 : vector<16xf32>
      %get3A_741 = arith.constant 4 : i32
      %get3A_742 = arith.index_cast %get3A_741 : i32 to index
      %get3A_743 = arith.constant 48 : index
      %get3A_744 = tpu.vector_load %arg12[%get3A_742, %get3A_743] {strides = array<i32>} : memref<24x128xf32, #tpu.memory_space<vmem>>, vector<1x16xf32>,
      %get3A_745 = vector.shape_cast %get3A_744 : vector<1x16xf32> to vector<16xf32>
      %add3A_746 = arith.addf %add3A_737, %get3A_745 : vector<16xf32>
      %mul3A_747 = arith.mulf %get3A_745, %get3A_745 : vector<16xf32>
      %add3A_748 = arith.addf %add3A_739, %mul3A_747 : vector<16xf32>
      %max3A_749 = arith.maximumf %max3A_740, %get3A_745 : vector<16xf32>
      %get3A_750 = arith.constant 5 : i32
      %get3A_751 = arith.index_cast %get3A_750 : i32 to index
      %get3A_752 = arith.constant 48 : index
      %get3A_753 = tpu.vector_load %arg12[%get3A_751, %get3A_752] {strides = array<i32>} : memref<24x128xf32, #tpu.memory_space<vmem>>, vector<1x16xf32>,
      %get3A_754 = vector.shape_cast %get3A_753 : vector<1x16xf32> to vector<16xf32>
      %add3A_755 = arith.addf %add3A_746, %get3A_754 : vector<16xf32>
      %mul3A_756 = arith.mulf %get3A_754, %get3A_754 : vector<16xf32>
      %add3A_757 = arith.addf %add3A_748, %mul3A_756 : vector<16xf32>
      %max3A_758 = arith.maximumf %max3A_749, %get3A_754 : vector<16xf32>
      %get3A_759 = arith.constant 6 : i32
      %get3A_760 = arith.index_cast %get3A_759 : i32 to index
      %get3A_761 = arith.constant 48 : index
      %get3A_762 = tpu.vector_load %arg12[%get3A_760, %get3A_761] {strides = array<i32>} : memref<24x128xf32, #tpu.memory_space<vmem>>, vector<1x16xf32>,
      %get3A_763 = vector.shape_cast %get3A_762 : vector<1x16xf32> to vector<16xf32>
      %add3A_764 = arith.addf %add3A_755, %get3A_763 : vector<16xf32>
      %mul3A_765 = arith.mulf %get3A_763, %get3A_763 : vector<16xf32>
      %add3A_766 = arith.addf %add3A_757, %mul3A_765 : vector<16xf32>
      %max3A_767 = arith.maximumf %max3A_758, %get3A_763 : vector<16xf32>
      %get3A_768 = arith.constant 7 : i32
      %get3A_769 = arith.index_cast %get3A_768 : i32 to index
      %get3A_770 = arith.constant 48 : index
      %get3A_771 = tpu.vector_load %arg12[%get3A_769, %get3A_770] {strides = array<i32>} : memref<24x128xf32, #tpu.memory_space<vmem>>, vector<1x16xf32>,
      %get3A_772 = vector.shape_cast %get3A_771 : vector<1x16xf32> to vector<16xf32>
      %add3A_773 = arith.addf %add3A_764, %get3A_772 : vector<16xf32>
      %mul3A_774 = arith.mulf %get3A_772, %get3A_772 : vector<16xf32>
      %add3A_775 = arith.addf %add3A_766, %mul3A_774 : vector<16xf32>
      %max3A_776 = arith.maximumf %max3A_767, %get3A_772 : vector<16xf32>
      %get3A_777 = arith.constant 8 : i32
      %get3A_778 = arith.index_cast %get3A_777 : i32 to index
      %get3A_779 = arith.constant 48 : index
      %get3A_780 = tpu.vector_load %arg12[%get3A_778, %get3A_779] {strides = array<i32>} : memref<24x128xf32, #tpu.memory_space<vmem>>, vector<1x16xf32>,
      %get3A_781 = vector.shape_cast %get3A_780 : vector<1x16xf32> to vector<16xf32>
      %add3A_782 = arith.addf %add3A_773, %get3A_781 : vector<16xf32>
      %mul3A_783 = arith.mulf %get3A_781, %get3A_781 : vector<16xf32>
      %add3A_784 = arith.addf %add3A_775, %mul3A_783 : vector<16xf32>
      %max3A_785 = arith.maximumf %max3A_776, %get3A_781 : vector<16xf32>
      %get3A_786 = arith.constant 9 : i32
      %get3A_787 = arith.index_cast %get3A_786 : i32 to index
      %get3A_788 = arith.constant 48 : index
      %get3A_789 = tpu.vector_load %arg12[%get3A_787, %get3A_788] {strides = array<i32>} : memref<24x128xf32, #tpu.memory_space<vmem>>, vector<1x16xf32>,
      %get3A_790 = vector.shape_cast %get3A_789 : vector<1x16xf32> to vector<16xf32>
      %add3A_791 = arith.addf %add3A_782, %get3A_790 : vector<16xf32>
      %mul3A_792 = arith.mulf %get3A_790, %get3A_790 : vector<16xf32>
      %add3A_793 = arith.addf %add3A_784, %mul3A_792 : vector<16xf32>
      %max3A_794 = arith.maximumf %max3A_785, %get3A_790 : vector<16xf32>
      %get3A_795 = arith.constant 10 : i32
      %get3A_796 = arith.index_cast %get3A_795 : i32 to index
      %get3A_797 = arith.constant 48 : index
      %get3A_798 = tpu.vector_load %arg12[%get3A_796, %get3A_797] {strides = array<i32>} : memref<24x128xf32, #tpu.memory_space<vmem>>, vector<1x16xf32>,
      %get3A_799 = vector.shape_cast %get3A_798 : vector<1x16xf32> to vector<16xf32>
      %add3A_800 = arith.addf %add3A_791, %get3A_799 : vector<16xf32>
      %mul3A_801 = arith.mulf %get3A_799, %get3A_799 : vector<16xf32>
      %add3A_802 = arith.addf %add3A_793, %mul3A_801 : vector<16xf32>
      %max3A_803 = arith.maximumf %max3A_794, %get3A_799 : vector<16xf32>
      %get3A_804 = arith.constant 11 : i32
      %get3A_805 = arith.index_cast %get3A_804 : i32 to index
      %get3A_806 = arith.constant 48 : index
      %get3A_807 = tpu.vector_load %arg12[%get3A_805, %get3A_806] {strides = array<i32>} : memref<24x128xf32, #tpu.memory_space<vmem>>, vector<1x16xf32>,
      %get3A_808 = vector.shape_cast %get3A_807 : vector<1x16xf32> to vector<16xf32>
      %add3A_809 = arith.addf %add3A_800, %get3A_808 : vector<16xf32>
      %mul3A_810 = arith.mulf %get3A_808, %get3A_808 : vector<16xf32>
      %add3A_811 = arith.addf %add3A_802, %mul3A_810 : vector<16xf32>
      %max3A_812 = arith.maximumf %max3A_803, %get3A_808 : vector<16xf32>
      %get3A_813 = arith.constant 12 : i32
      %get3A_814 = arith.index_cast %get3A_813 : i32 to index
      %get3A_815 = arith.constant 48 : index
      %get3A_816 = tpu.vector_load %arg12[%get3A_814, %get3A_815] {strides = array<i32>} : memref<24x128xf32, #tpu.memory_space<vmem>>, vector<1x16xf32>,
      %get3A_817 = vector.shape_cast %get3A_816 : vector<1x16xf32> to vector<16xf32>
      %add3A_818 = arith.addf %add3A_809, %get3A_817 : vector<16xf32>
      %mul3A_819 = arith.mulf %get3A_817, %get3A_817 : vector<16xf32>
      %add3A_820 = arith.addf %add3A_811, %mul3A_819 : vector<16xf32>
      %max3A_821 = arith.maximumf %max3A_812, %get3A_817 : vector<16xf32>
      %get3A_822 = arith.constant 13 : i32
      %get3A_823 = arith.index_cast %get3A_822 : i32 to index
      %get3A_824 = arith.constant 48 : index
      %get3A_825 = tpu.vector_load %arg12[%get3A_823, %get3A_824] {strides = array<i32>} : memref<24x128xf32, #tpu.memory_space<vmem>>, vector<1x16xf32>,
      %get3A_826 = vector.shape_cast %get3A_825 : vector<1x16xf32> to vector<16xf32>
      %add3A_827 = arith.addf %add3A_818, %get3A_826 : vector<16xf32>
      %mul3A_828 = arith.mulf %get3A_826, %get3A_826 : vector<16xf32>
      %add3A_829 = arith.addf %add3A_820, %mul3A_828 : vector<16xf32>
      %max3A_830 = arith.maximumf %max3A_821, %get3A_826 : vector<16xf32>
      %get3A_831 = arith.constant 14 : i32
      %get3A_832 = arith.index_cast %get3A_831 : i32 to index
      %get3A_833 = arith.constant 48 : index
      %get3A_834 = tpu.vector_load %arg12[%get3A_832, %get3A_833] {strides = array<i32>} : memref<24x128xf32, #tpu.memory_space<vmem>>, vector<1x16xf32>,
      %get3A_835 = vector.shape_cast %get3A_834 : vector<1x16xf32> to vector<16xf32>
      %add3A_836 = arith.addf %add3A_827, %get3A_835 : vector<16xf32>
      %mul3A_837 = arith.mulf %get3A_835, %get3A_835 : vector<16xf32>
      %add3A_838 = arith.addf %add3A_829, %mul3A_837 : vector<16xf32>
      %max3A_839 = arith.maximumf %max3A_830, %get3A_835 : vector<16xf32>
      %get3A_840 = arith.constant 15 : i32
      %get3A_841 = arith.index_cast %get3A_840 : i32 to index
      %get3A_842 = arith.constant 48 : index
      %get3A_843 = tpu.vector_load %arg12[%get3A_841, %get3A_842] {strides = array<i32>} : memref<24x128xf32, #tpu.memory_space<vmem>>, vector<1x16xf32>,
      %get3A_844 = vector.shape_cast %get3A_843 : vector<1x16xf32> to vector<16xf32>
      %add3A_845 = arith.addf %add3A_836, %get3A_844 : vector<16xf32>
      %mul3A_846 = arith.mulf %get3A_844, %get3A_844 : vector<16xf32>
      %add3A_847 = arith.addf %add3A_838, %mul3A_846 : vector<16xf32>
      %max3A_848 = arith.maximumf %max3A_839, %get3A_844 : vector<16xf32>
      %get3A_849 = arith.constant 16 : i32
      %get3A_850 = arith.index_cast %get3A_849 : i32 to index
      %get3A_851 = arith.constant 48 : index
      %get3A_852 = tpu.vector_load %arg12[%get3A_850, %get3A_851] {strides = array<i32>} : memref<24x128xf32, #tpu.memory_space<vmem>>, vector<1x16xf32>,
      %get3A_853 = vector.shape_cast %get3A_852 : vector<1x16xf32> to vector<16xf32>
      %add3A_854 = arith.addf %add3A_845, %get3A_853 : vector<16xf32>
      %mul3A_855 = arith.mulf %get3A_853, %get3A_853 : vector<16xf32>
      %add3A_856 = arith.addf %add3A_847, %mul3A_855 : vector<16xf32>
      %max3A_857 = arith.maximumf %max3A_848, %get3A_853 : vector<16xf32>
      %get3A_858 = arith.constant 17 : i32
      %get3A_859 = arith.index_cast %get3A_858 : i32 to index
      %get3A_860 = arith.constant 48 : index
      %get3A_861 = tpu.vector_load %arg12[%get3A_859, %get3A_860] {strides = array<i32>} : memref<24x128xf32, #tpu.memory_space<vmem>>, vector<1x16xf32>,
      %get3A_862 = vector.shape_cast %get3A_861 : vector<1x16xf32> to vector<16xf32>
      %add3A_863 = arith.addf %add3A_854, %get3A_862 : vector<16xf32>
      %mul3A_864 = arith.mulf %get3A_862, %get3A_862 : vector<16xf32>
      %add3A_865 = arith.addf %add3A_856, %mul3A_864 : vector<16xf32>
      %max3A_866 = arith.maximumf %max3A_857, %get3A_862 : vector<16xf32>
      %get3A_867 = arith.constant 18 : i32
      %get3A_868 = arith.index_cast %get3A_867 : i32 to index
      %get3A_869 = arith.constant 48 : index
      %get3A_870 = tpu.vector_load %arg12[%get3A_868, %get3A_869] {strides = array<i32>} : memref<24x128xf32, #tpu.memory_space<vmem>>, vector<1x16xf32>,
      %get3A_871 = vector.shape_cast %get3A_870 : vector<1x16xf32> to vector<16xf32>
      %add3A_872 = arith.addf %add3A_863, %get3A_871 : vector<16xf32>
      %mul3A_873 = arith.mulf %get3A_871, %get3A_871 : vector<16xf32>
      %add3A_874 = arith.addf %add3A_865, %mul3A_873 : vector<16xf32>
      %max3A_875 = arith.maximumf %max3A_866, %get3A_871 : vector<16xf32>
      %get3A_876 = arith.constant 19 : i32
      %get3A_877 = arith.index_cast %get3A_876 : i32 to index
      %get3A_878 = arith.constant 48 : index
      %get3A_879 = tpu.vector_load %arg12[%get3A_877, %get3A_878] {strides = array<i32>} : memref<24x128xf32, #tpu.memory_space<vmem>>, vector<1x16xf32>,
      %get3A_880 = vector.shape_cast %get3A_879 : vector<1x16xf32> to vector<16xf32>
      %add3A_881 = arith.addf %add3A_872, %get3A_880 : vector<16xf32>
      %mul3A_882 = arith.mulf %get3A_880, %get3A_880 : vector<16xf32>
      %add3A_883 = arith.addf %add3A_874, %mul3A_882 : vector<16xf32>
      %max3A_884 = arith.maximumf %max3A_875, %get3A_880 : vector<16xf32>
      %get3A_885 = arith.constant 20 : i32
      %get3A_886 = arith.index_cast %get3A_885 : i32 to index
      %get3A_887 = arith.constant 48 : index
      %get3A_888 = tpu.vector_load %arg12[%get3A_886, %get3A_887] {strides = array<i32>} : memref<24x128xf32, #tpu.memory_space<vmem>>, vector<1x16xf32>,
      %get3A_889 = vector.shape_cast %get3A_888 : vector<1x16xf32> to vector<16xf32>
      %add3A_890 = arith.addf %add3A_881, %get3A_889 : vector<16xf32>
      %mul3A_891 = arith.mulf %get3A_889, %get3A_889 : vector<16xf32>
      %add3A_892 = arith.addf %add3A_883, %mul3A_891 : vector<16xf32>
      %max3A_893 = arith.maximumf %max3A_884, %get3A_889 : vector<16xf32>
      %get3A_894 = arith.constant 21 : i32
      %get3A_895 = arith.index_cast %get3A_894 : i32 to index
      %get3A_896 = arith.constant 48 : index
      %get3A_897 = tpu.vector_load %arg12[%get3A_895, %get3A_896] {strides = array<i32>} : memref<24x128xf32, #tpu.memory_space<vmem>>, vector<1x16xf32>,
      %get3A_898 = vector.shape_cast %get3A_897 : vector<1x16xf32> to vector<16xf32>
      %add3A_899 = arith.addf %add3A_890, %get3A_898 : vector<16xf32>
      %mul3A_900 = arith.mulf %get3A_898, %get3A_898 : vector<16xf32>
      %add3A_901 = arith.addf %add3A_892, %mul3A_900 : vector<16xf32>
      %max3A_902 = arith.maximumf %max3A_893, %get3A_898 : vector<16xf32>
      %get3A_903 = arith.constant 22 : i32
      %get3A_904 = arith.index_cast %get3A_903 : i32 to index
      %get3A_905 = arith.constant 48 : index
      %get3A_906 = tpu.vector_load %arg12[%get3A_904, %get3A_905] {strides = array<i32>} : memref<24x128xf32, #tpu.memory_space<vmem>>, vector<1x16xf32>,
      %get3A_907 = vector.shape_cast %get3A_906 : vector<1x16xf32> to vector<16xf32>
      %add3A_908 = arith.addf %add3A_899, %get3A_907 : vector<16xf32>
      %mul3A_909 = arith.mulf %get3A_907, %get3A_907 : vector<16xf32>
      %add3A_910 = arith.addf %add3A_901, %mul3A_909 : vector<16xf32>
      %max3A_911 = arith.maximumf %max3A_902, %get3A_907 : vector<16xf32>
      %get3A_912 = arith.constant 23 : i32
      %get3A_913 = arith.index_cast %get3A_912 : i32 to index
      %get3A_914 = arith.constant 48 : index
      %get3A_915 = tpu.vector_load %arg12[%get3A_913, %get3A_914] {strides = array<i32>} : memref<24x128xf32, #tpu.memory_space<vmem>>, vector<1x16xf32>,
      %get3A_916 = vector.shape_cast %get3A_915 : vector<1x16xf32> to vector<16xf32>
      %add3A_917 = arith.addf %add3A_908, %get3A_916 : vector<16xf32>
      %mul3A_918 = arith.mulf %get3A_916, %get3A_916 : vector<16xf32>
      %add3A_919 = arith.addf %add3A_910, %mul3A_918 : vector<16xf32>
      %max3A_920 = arith.maximumf %max3A_911, %get3A_916 : vector<16xf32>
      %swap3A_921 = arith.index_cast %scan3A_15 : i32 to index
      %swap3A_922 = arith.constant 48 : index
      %swap3A_923 = tpu.vector_load %arg13[%swap3A_921, %swap3A_922] {strides = array<i32>} : memref<128x128xf32, #tpu.memory_space<vmem>>, vector<1x16xf32>,
      %swap3A_924 = vector.shape_cast %swap3A_923 : vector<1x16xf32> to vector<16xf32>
      %swap3A_925 = vector.shape_cast %add3A_917 : vector<16xf32> to vector<1x16xf32>
      tpu.vector_store %arg13[%swap3A_921, %swap3A_922], %swap3A_925 {strides = array<i32>} : memref<128x128xf32, #tpu.memory_space<vmem>>, vector<1x16xf32>,
      %swap3A_926 = arith.index_cast %scan3A_15 : i32 to index
      %swap3A_927 = arith.constant 48 : index
      %swap3A_928 = tpu.vector_load %arg14[%swap3A_926, %swap3A_927] {strides = array<i32>} : memref<128x128xf32, #tpu.memory_space<vmem>>, vector<1x16xf32>,
      %swap3A_929 = vector.shape_cast %swap3A_928 : vector<1x16xf32> to vector<16xf32>
      %swap3A_930 = vector.shape_cast %add3A_919 : vector<16xf32> to vector<1x16xf32>
      tpu.vector_store %arg14[%swap3A_926, %swap3A_927], %swap3A_930 {strides = array<i32>} : memref<128x128xf32, #tpu.memory_space<vmem>>, vector<1x16xf32>,
      %swap3A_931 = arith.index_cast %scan3A_15 : i32 to index
      %swap3A_932 = arith.constant 48 : index
      %swap3A_933 = tpu.vector_load %arg15[%swap3A_931, %swap3A_932] {strides = array<i32>} : memref<128x128xf32, #tpu.memory_space<vmem>>, vector<1x16xf32>,
      %swap3A_934 = vector.shape_cast %swap3A_933 : vector<1x16xf32> to vector<16xf32>
      %swap3A_935 = vector.shape_cast %max3A_920 : vector<16xf32> to vector<1x16xf32>
      tpu.vector_store %arg15[%swap3A_931, %swap3A_932], %swap3A_935 {strides = array<i32>} : memref<128x128xf32, #tpu.memory_space<vmem>>, vector<1x16xf32>,
      %get3A_936 = arith.constant 0 : i32
      %get3A_937 = arith.index_cast %get3A_936 : i32 to index
      %get3A_938 = arith.constant 64 : index
      %get3A_939 = tpu.vector_load %arg12[%get3A_937, %get3A_938] {strides = array<i32>} : memref<24x128xf32, #tpu.memory_space<vmem>>, vector<1x16xf32>,
      %get3A_940 = vector.shape_cast %get3A_939 : vector<1x16xf32> to vector<16xf32>
      %mul3A_941 = arith.mulf %get3A_940, %get3A_940 : vector<16xf32>
      %get3A_942 = arith.constant 1 : i32
      %get3A_943 = arith.index_cast %get3A_942 : i32 to index
      %get3A_944 = arith.constant 64 : index
      %get3A_945 = tpu.vector_load %arg12[%get3A_943, %get3A_944] {strides = array<i32>} : memref<24x128xf32, #tpu.memory_space<vmem>>, vector<1x16xf32>,
      %get3A_946 = vector.shape_cast %get3A_945 : vector<1x16xf32> to vector<16xf32>
      %add3A_947 = arith.addf %get3A_940, %get3A_946 : vector<16xf32>
      %mul3A_948 = arith.mulf %get3A_946, %get3A_946 : vector<16xf32>
      %add3A_949 = arith.addf %mul3A_941, %mul3A_948 : vector<16xf32>
      %max3A_950 = arith.maximumf %get3A_940, %get3A_946 : vector<16xf32>
      %get3A_951 = arith.constant 2 : i32
      %get3A_952 = arith.index_cast %get3A_951 : i32 to index
      %get3A_953 = arith.constant 64 : index
      %get3A_954 = tpu.vector_load %arg12[%get3A_952, %get3A_953] {strides = array<i32>} : memref<24x128xf32, #tpu.memory_space<vmem>>, vector<1x16xf32>,
      %get3A_955 = vector.shape_cast %get3A_954 : vector<1x16xf32> to vector<16xf32>
      %add3A_956 = arith.addf %add3A_947, %get3A_955 : vector<16xf32>
      %mul3A_957 = arith.mulf %get3A_955, %get3A_955 : vector<16xf32>
      %add3A_958 = arith.addf %add3A_949, %mul3A_957 : vector<16xf32>
      %max3A_959 = arith.maximumf %max3A_950, %get3A_955 : vector<16xf32>
      %get3A_960 = arith.constant 3 : i32
      %get3A_961 = arith.index_cast %get3A_960 : i32 to index
      %get3A_962 = arith.constant 64 : index
      %get3A_963 = tpu.vector_load %arg12[%get3A_961, %get3A_962] {strides = array<i32>} : memref<24x128xf32, #tpu.memory_space<vmem>>, vector<1x16xf32>,
      %get3A_964 = vector.shape_cast %get3A_963 : vector<1x16xf32> to vector<16xf32>
      %add3A_965 = arith.addf %add3A_956, %get3A_964 : vector<16xf32>
      %mul3A_966 = arith.mulf %get3A_964, %get3A_964 : vector<16xf32>
      %add3A_967 = arith.addf %add3A_958, %mul3A_966 : vector<16xf32>
      %max3A_968 = arith.maximumf %max3A_959, %get3A_964 : vector<16xf32>
      %get3A_969 = arith.constant 4 : i32
      %get3A_970 = arith.index_cast %get3A_969 : i32 to index
      %get3A_971 = arith.constant 64 : index
      %get3A_972 = tpu.vector_load %arg12[%get3A_970, %get3A_971] {strides = array<i32>} : memref<24x128xf32, #tpu.memory_space<vmem>>, vector<1x16xf32>,
      %get3A_973 = vector.shape_cast %get3A_972 : vector<1x16xf32> to vector<16xf32>
      %add3A_974 = arith.addf %add3A_965, %get3A_973 : vector<16xf32>
      %mul3A_975 = arith.mulf %get3A_973, %get3A_973 : vector<16xf32>
      %add3A_976 = arith.addf %add3A_967, %mul3A_975 : vector<16xf32>
      %max3A_977 = arith.maximumf %max3A_968, %get3A_973 : vector<16xf32>
      %get3A_978 = arith.constant 5 : i32
      %get3A_979 = arith.index_cast %get3A_978 : i32 to index
      %get3A_980 = arith.constant 64 : index
      %get3A_981 = tpu.vector_load %arg12[%get3A_979, %get3A_980] {strides = array<i32>} : memref<24x128xf32, #tpu.memory_space<vmem>>, vector<1x16xf32>,
      %get3A_982 = vector.shape_cast %get3A_981 : vector<1x16xf32> to vector<16xf32>
      %add3A_983 = arith.addf %add3A_974, %get3A_982 : vector<16xf32>
      %mul3A_984 = arith.mulf %get3A_982, %get3A_982 : vector<16xf32>
      %add3A_985 = arith.addf %add3A_976, %mul3A_984 : vector<16xf32>
      %max3A_986 = arith.maximumf %max3A_977, %get3A_982 : vector<16xf32>
      %get3A_987 = arith.constant 6 : i32
      %get3A_988 = arith.index_cast %get3A_987 : i32 to index
      %get3A_989 = arith.constant 64 : index
      %get3A_990 = tpu.vector_load %arg12[%get3A_988, %get3A_989] {strides = array<i32>} : memref<24x128xf32, #tpu.memory_space<vmem>>, vector<1x16xf32>,
      %get3A_991 = vector.shape_cast %get3A_990 : vector<1x16xf32> to vector<16xf32>
      %add3A_992 = arith.addf %add3A_983, %get3A_991 : vector<16xf32>
      %mul3A_993 = arith.mulf %get3A_991, %get3A_991 : vector<16xf32>
      %add3A_994 = arith.addf %add3A_985, %mul3A_993 : vector<16xf32>
      %max3A_995 = arith.maximumf %max3A_986, %get3A_991 : vector<16xf32>
      %get3A_996 = arith.constant 7 : i32
      %get3A_997 = arith.index_cast %get3A_996 : i32 to index
      %get3A_998 = arith.constant 64 : index
      %get3A_999 = tpu.vector_load %arg12[%get3A_997, %get3A_998] {strides = array<i32>} : memref<24x128xf32, #tpu.memory_space<vmem>>, vector<1x16xf32>,
      %get3A_1000 = vector.shape_cast %get3A_999 : vector<1x16xf32> to vector<16xf32>
      %add3A_1001 = arith.addf %add3A_992, %get3A_1000 : vector<16xf32>
      %mul3A_1002 = arith.mulf %get3A_1000, %get3A_1000 : vector<16xf32>
      %add3A_1003 = arith.addf %add3A_994, %mul3A_1002 : vector<16xf32>
      %max3A_1004 = arith.maximumf %max3A_995, %get3A_1000 : vector<16xf32>
      %get3A_1005 = arith.constant 8 : i32
      %get3A_1006 = arith.index_cast %get3A_1005 : i32 to index
      %get3A_1007 = arith.constant 64 : index
      %get3A_1008 = tpu.vector_load %arg12[%get3A_1006, %get3A_1007] {strides = array<i32>} : memref<24x128xf32, #tpu.memory_space<vmem>>, vector<1x16xf32>,
      %get3A_1009 = vector.shape_cast %get3A_1008 : vector<1x16xf32> to vector<16xf32>
      %add3A_1010 = arith.addf %add3A_1001, %get3A_1009 : vector<16xf32>
      %mul3A_1011 = arith.mulf %get3A_1009, %get3A_1009 : vector<16xf32>
      %add3A_1012 = arith.addf %add3A_1003, %mul3A_1011 : vector<16xf32>
      %max3A_1013 = arith.maximumf %max3A_1004, %get3A_1009 : vector<16xf32>
      %get3A_1014 = arith.constant 9 : i32
      %get3A_1015 = arith.index_cast %get3A_1014 : i32 to index
      %get3A_1016 = arith.constant 64 : index
      %get3A_1017 = tpu.vector_load %arg12[%get3A_1015, %get3A_1016] {strides = array<i32>} : memref<24x128xf32, #tpu.memory_space<vmem>>, vector<1x16xf32>,
      %get3A_1018 = vector.shape_cast %get3A_1017 : vector<1x16xf32> to vector<16xf32>
      %add3A_1019 = arith.addf %add3A_1010, %get3A_1018 : vector<16xf32>
      %mul3A_1020 = arith.mulf %get3A_1018, %get3A_1018 : vector<16xf32>
      %add3A_1021 = arith.addf %add3A_1012, %mul3A_1020 : vector<16xf32>
      %max3A_1022 = arith.maximumf %max3A_1013, %get3A_1018 : vector<16xf32>
      %get3A_1023 = arith.constant 10 : i32
      %get3A_1024 = arith.index_cast %get3A_1023 : i32 to index
      %get3A_1025 = arith.constant 64 : index
      %get3A_1026 = tpu.vector_load %arg12[%get3A_1024, %get3A_1025] {strides = array<i32>} : memref<24x128xf32, #tpu.memory_space<vmem>>, vector<1x16xf32>,
      %get3A_1027 = vector.shape_cast %get3A_1026 : vector<1x16xf32> to vector<16xf32>
      %add3A_1028 = arith.addf %add3A_1019, %get3A_1027 : vector<16xf32>
      %mul3A_1029 = arith.mulf %get3A_1027, %get3A_1027 : vector<16xf32>
      %add3A_1030 = arith.addf %add3A_1021, %mul3A_1029 : vector<16xf32>
      %max3A_1031 = arith.maximumf %max3A_1022, %get3A_1027 : vector<16xf32>
      %get3A_1032 = arith.constant 11 : i32
      %get3A_1033 = arith.index_cast %get3A_1032 : i32 to index
      %get3A_1034 = arith.constant 64 : index
      %get3A_1035 = tpu.vector_load %arg12[%get3A_1033, %get3A_1034] {strides = array<i32>} : memref<24x128xf32, #tpu.memory_space<vmem>>, vector<1x16xf32>,
      %get3A_1036 = vector.shape_cast %get3A_1035 : vector<1x16xf32> to vector<16xf32>
      %add3A_1037 = arith.addf %add3A_1028, %get3A_1036 : vector<16xf32>
      %mul3A_1038 = arith.mulf %get3A_1036, %get3A_1036 : vector<16xf32>
      %add3A_1039 = arith.addf %add3A_1030, %mul3A_1038 : vector<16xf32>
      %max3A_1040 = arith.maximumf %max3A_1031, %get3A_1036 : vector<16xf32>
      %get3A_1041 = arith.constant 12 : i32
      %get3A_1042 = arith.index_cast %get3A_1041 : i32 to index
      %get3A_1043 = arith.constant 64 : index
      %get3A_1044 = tpu.vector_load %arg12[%get3A_1042, %get3A_1043] {strides = array<i32>} : memref<24x128xf32, #tpu.memory_space<vmem>>, vector<1x16xf32>,
      %get3A_1045 = vector.shape_cast %get3A_1044 : vector<1x16xf32> to vector<16xf32>
      %add3A_1046 = arith.addf %add3A_1037, %get3A_1045 : vector<16xf32>
      %mul3A_1047 = arith.mulf %get3A_1045, %get3A_1045 : vector<16xf32>
      %add3A_1048 = arith.addf %add3A_1039, %mul3A_1047 : vector<16xf32>
      %max3A_1049 = arith.maximumf %max3A_1040, %get3A_1045 : vector<16xf32>
      %get3A_1050 = arith.constant 13 : i32
      %get3A_1051 = arith.index_cast %get3A_1050 : i32 to index
      %get3A_1052 = arith.constant 64 : index
      %get3A_1053 = tpu.vector_load %arg12[%get3A_1051, %get3A_1052] {strides = array<i32>} : memref<24x128xf32, #tpu.memory_space<vmem>>, vector<1x16xf32>,
      %get3A_1054 = vector.shape_cast %get3A_1053 : vector<1x16xf32> to vector<16xf32>
      %add3A_1055 = arith.addf %add3A_1046, %get3A_1054 : vector<16xf32>
      %mul3A_1056 = arith.mulf %get3A_1054, %get3A_1054 : vector<16xf32>
      %add3A_1057 = arith.addf %add3A_1048, %mul3A_1056 : vector<16xf32>
      %max3A_1058 = arith.maximumf %max3A_1049, %get3A_1054 : vector<16xf32>
      %get3A_1059 = arith.constant 14 : i32
      %get3A_1060 = arith.index_cast %get3A_1059 : i32 to index
      %get3A_1061 = arith.constant 64 : index
      %get3A_1062 = tpu.vector_load %arg12[%get3A_1060, %get3A_1061] {strides = array<i32>} : memref<24x128xf32, #tpu.memory_space<vmem>>, vector<1x16xf32>,
      %get3A_1063 = vector.shape_cast %get3A_1062 : vector<1x16xf32> to vector<16xf32>
      %add3A_1064 = arith.addf %add3A_1055, %get3A_1063 : vector<16xf32>
      %mul3A_1065 = arith.mulf %get3A_1063, %get3A_1063 : vector<16xf32>
      %add3A_1066 = arith.addf %add3A_1057, %mul3A_1065 : vector<16xf32>
      %max3A_1067 = arith.maximumf %max3A_1058, %get3A_1063 : vector<16xf32>
      %get3A_1068 = arith.constant 15 : i32
      %get3A_1069 = arith.index_cast %get3A_1068 : i32 to index
      %get3A_1070 = arith.constant 64 : index
      %get3A_1071 = tpu.vector_load %arg12[%get3A_1069, %get3A_1070] {strides = array<i32>} : memref<24x128xf32, #tpu.memory_space<vmem>>, vector<1x16xf32>,
      %get3A_1072 = vector.shape_cast %get3A_1071 : vector<1x16xf32> to vector<16xf32>
      %add3A_1073 = arith.addf %add3A_1064, %get3A_1072 : vector<16xf32>
      %mul3A_1074 = arith.mulf %get3A_1072, %get3A_1072 : vector<16xf32>
      %add3A_1075 = arith.addf %add3A_1066, %mul3A_1074 : vector<16xf32>
      %max3A_1076 = arith.maximumf %max3A_1067, %get3A_1072 : vector<16xf32>
      %get3A_1077 = arith.constant 16 : i32
      %get3A_1078 = arith.index_cast %get3A_1077 : i32 to index
      %get3A_1079 = arith.constant 64 : index
      %get3A_1080 = tpu.vector_load %arg12[%get3A_1078, %get3A_1079] {strides = array<i32>} : memref<24x128xf32, #tpu.memory_space<vmem>>, vector<1x16xf32>,
      %get3A_1081 = vector.shape_cast %get3A_1080 : vector<1x16xf32> to vector<16xf32>
      %add3A_1082 = arith.addf %add3A_1073, %get3A_1081 : vector<16xf32>
      %mul3A_1083 = arith.mulf %get3A_1081, %get3A_1081 : vector<16xf32>
      %add3A_1084 = arith.addf %add3A_1075, %mul3A_1083 : vector<16xf32>
      %max3A_1085 = arith.maximumf %max3A_1076, %get3A_1081 : vector<16xf32>
      %get3A_1086 = arith.constant 17 : i32
      %get3A_1087 = arith.index_cast %get3A_1086 : i32 to index
      %get3A_1088 = arith.constant 64 : index
      %get3A_1089 = tpu.vector_load %arg12[%get3A_1087, %get3A_1088] {strides = array<i32>} : memref<24x128xf32, #tpu.memory_space<vmem>>, vector<1x16xf32>,
      %get3A_1090 = vector.shape_cast %get3A_1089 : vector<1x16xf32> to vector<16xf32>
      %add3A_1091 = arith.addf %add3A_1082, %get3A_1090 : vector<16xf32>
      %mul3A_1092 = arith.mulf %get3A_1090, %get3A_1090 : vector<16xf32>
      %add3A_1093 = arith.addf %add3A_1084, %mul3A_1092 : vector<16xf32>
      %max3A_1094 = arith.maximumf %max3A_1085, %get3A_1090 : vector<16xf32>
      %get3A_1095 = arith.constant 18 : i32
      %get3A_1096 = arith.index_cast %get3A_1095 : i32 to index
      %get3A_1097 = arith.constant 64 : index
      %get3A_1098 = tpu.vector_load %arg12[%get3A_1096, %get3A_1097] {strides = array<i32>} : memref<24x128xf32, #tpu.memory_space<vmem>>, vector<1x16xf32>,
      %get3A_1099 = vector.shape_cast %get3A_1098 : vector<1x16xf32> to vector<16xf32>
      %add3A_1100 = arith.addf %add3A_1091, %get3A_1099 : vector<16xf32>
      %mul3A_1101 = arith.mulf %get3A_1099, %get3A_1099 : vector<16xf32>
      %add3A_1102 = arith.addf %add3A_1093, %mul3A_1101 : vector<16xf32>
      %max3A_1103 = arith.maximumf %max3A_1094, %get3A_1099 : vector<16xf32>
      %get3A_1104 = arith.constant 19 : i32
      %get3A_1105 = arith.index_cast %get3A_1104 : i32 to index
      %get3A_1106 = arith.constant 64 : index
      %get3A_1107 = tpu.vector_load %arg12[%get3A_1105, %get3A_1106] {strides = array<i32>} : memref<24x128xf32, #tpu.memory_space<vmem>>, vector<1x16xf32>,
      %get3A_1108 = vector.shape_cast %get3A_1107 : vector<1x16xf32> to vector<16xf32>
      %add3A_1109 = arith.addf %add3A_1100, %get3A_1108 : vector<16xf32>
      %mul3A_1110 = arith.mulf %get3A_1108, %get3A_1108 : vector<16xf32>
      %add3A_1111 = arith.addf %add3A_1102, %mul3A_1110 : vector<16xf32>
      %max3A_1112 = arith.maximumf %max3A_1103, %get3A_1108 : vector<16xf32>
      %get3A_1113 = arith.constant 20 : i32
      %get3A_1114 = arith.index_cast %get3A_1113 : i32 to index
      %get3A_1115 = arith.constant 64 : index
      %get3A_1116 = tpu.vector_load %arg12[%get3A_1114, %get3A_1115] {strides = array<i32>} : memref<24x128xf32, #tpu.memory_space<vmem>>, vector<1x16xf32>,
      %get3A_1117 = vector.shape_cast %get3A_1116 : vector<1x16xf32> to vector<16xf32>
      %add3A_1118 = arith.addf %add3A_1109, %get3A_1117 : vector<16xf32>
      %mul3A_1119 = arith.mulf %get3A_1117, %get3A_1117 : vector<16xf32>
      %add3A_1120 = arith.addf %add3A_1111, %mul3A_1119 : vector<16xf32>
      %max3A_1121 = arith.maximumf %max3A_1112, %get3A_1117 : vector<16xf32>
      %get3A_1122 = arith.constant 21 : i32
      %get3A_1123 = arith.index_cast %get3A_1122 : i32 to index
      %get3A_1124 = arith.constant 64 : index
      %get3A_1125 = tpu.vector_load %arg12[%get3A_1123, %get3A_1124] {strides = array<i32>} : memref<24x128xf32, #tpu.memory_space<vmem>>, vector<1x16xf32>,
      %get3A_1126 = vector.shape_cast %get3A_1125 : vector<1x16xf32> to vector<16xf32>
      %add3A_1127 = arith.addf %add3A_1118, %get3A_1126 : vector<16xf32>
      %mul3A_1128 = arith.mulf %get3A_1126, %get3A_1126 : vector<16xf32>
      %add3A_1129 = arith.addf %add3A_1120, %mul3A_1128 : vector<16xf32>
      %max3A_1130 = arith.maximumf %max3A_1121, %get3A_1126 : vector<16xf32>
      %get3A_1131 = arith.constant 22 : i32
      %get3A_1132 = arith.index_cast %get3A_1131 : i32 to index
      %get3A_1133 = arith.constant 64 : index
      %get3A_1134 = tpu.vector_load %arg12[%get3A_1132, %get3A_1133] {strides = array<i32>} : memref<24x128xf32, #tpu.memory_space<vmem>>, vector<1x16xf32>,
      %get3A_1135 = vector.shape_cast %get3A_1134 : vector<1x16xf32> to vector<16xf32>
      %add3A_1136 = arith.addf %add3A_1127, %get3A_1135 : vector<16xf32>
      %mul3A_1137 = arith.mulf %get3A_1135, %get3A_1135 : vector<16xf32>
      %add3A_1138 = arith.addf %add3A_1129, %mul3A_1137 : vector<16xf32>
      %max3A_1139 = arith.maximumf %max3A_1130, %get3A_1135 : vector<16xf32>
      %get3A_1140 = arith.constant 23 : i32
      %get3A_1141 = arith.index_cast %get3A_1140 : i32 to index
      %get3A_1142 = arith.constant 64 : index
      %get3A_1143 = tpu.vector_load %arg12[%get3A_1141, %get3A_1142] {strides = array<i32>} : memref<24x128xf32, #tpu.memory_space<vmem>>, vector<1x16xf32>,
      %get3A_1144 = vector.shape_cast %get3A_1143 : vector<1x16xf32> to vector<16xf32>
      %add3A_1145 = arith.addf %add3A_1136, %get3A_1144 : vector<16xf32>
      %mul3A_1146 = arith.mulf %get3A_1144, %get3A_1144 : vector<16xf32>
      %add3A_1147 = arith.addf %add3A_1138, %mul3A_1146 : vector<16xf32>
      %max3A_1148 = arith.maximumf %max3A_1139, %get3A_1144 : vector<16xf32>
      %swap3A_1149 = arith.index_cast %scan3A_15 : i32 to index
      %swap3A_1150 = arith.constant 64 : index
      %swap3A_1151 = tpu.vector_load %arg13[%swap3A_1149, %swap3A_1150] {strides = array<i32>} : memref<128x128xf32, #tpu.memory_space<vmem>>, vector<1x16xf32>,
      %swap3A_1152 = vector.shape_cast %swap3A_1151 : vector<1x16xf32> to vector<16xf32>
      %swap3A_1153 = vector.shape_cast %add3A_1145 : vector<16xf32> to vector<1x16xf32>
      tpu.vector_store %arg13[%swap3A_1149, %swap3A_1150], %swap3A_1153 {strides = array<i32>} : memref<128x128xf32, #tpu.memory_space<vmem>>, vector<1x16xf32>,
      %swap3A_1154 = arith.index_cast %scan3A_15 : i32 to index
      %swap3A_1155 = arith.constant 64 : index
      %swap3A_1156 = tpu.vector_load %arg14[%swap3A_1154, %swap3A_1155] {strides = array<i32>} : memref<128x128xf32, #tpu.memory_space<vmem>>, vector<1x16xf32>,
      %swap3A_1157 = vector.shape_cast %swap3A_1156 : vector<1x16xf32> to vector<16xf32>
      %swap3A_1158 = vector.shape_cast %add3A_1147 : vector<16xf32> to vector<1x16xf32>
      tpu.vector_store %arg14[%swap3A_1154, %swap3A_1155], %swap3A_1158 {strides = array<i32>} : memref<128x128xf32, #tpu.memory_space<vmem>>, vector<1x16xf32>,
      %swap3A_1159 = arith.index_cast %scan3A_15 : i32 to index
      %swap3A_1160 = arith.constant 64 : index
      %swap3A_1161 = tpu.vector_load %arg15[%swap3A_1159, %swap3A_1160] {strides = array<i32>} : memref<128x128xf32, #tpu.memory_space<vmem>>, vector<1x16xf32>,
      %swap3A_1162 = vector.shape_cast %swap3A_1161 : vector<1x16xf32> to vector<16xf32>
      %swap3A_1163 = vector.shape_cast %max3A_1148 : vector<16xf32> to vector<1x16xf32>
      tpu.vector_store %arg15[%swap3A_1159, %swap3A_1160], %swap3A_1163 {strides = array<i32>} : memref<128x128xf32, #tpu.memory_space<vmem>>, vector<1x16xf32>,
      %get3A_1164 = arith.constant 0 : i32
      %get3A_1165 = arith.index_cast %get3A_1164 : i32 to index
      %get3A_1166 = arith.constant 80 : index
      %get3A_1167 = tpu.vector_load %arg12[%get3A_1165, %get3A_1166] {strides = array<i32>} : memref<24x128xf32, #tpu.memory_space<vmem>>, vector<1x16xf32>,
      %get3A_1168 = vector.shape_cast %get3A_1167 : vector<1x16xf32> to vector<16xf32>
      %mul3A_1169 = arith.mulf %get3A_1168, %get3A_1168 : vector<16xf32>
      %get3A_1170 = arith.constant 1 : i32
      %get3A_1171 = arith.index_cast %get3A_1170 : i32 to index
      %get3A_1172 = arith.constant 80 : index
      %get3A_1173 = tpu.vector_load %arg12[%get3A_1171, %get3A_1172] {strides = array<i32>} : memref<24x128xf32, #tpu.memory_space<vmem>>, vector<1x16xf32>,
      %get3A_1174 = vector.shape_cast %get3A_1173 : vector<1x16xf32> to vector<16xf32>
      %add3A_1175 = arith.addf %get3A_1168, %get3A_1174 : vector<16xf32>
      %mul3A_1176 = arith.mulf %get3A_1174, %get3A_1174 : vector<16xf32>
      %add3A_1177 = arith.addf %mul3A_1169, %mul3A_1176 : vector<16xf32>
      %max3A_1178 = arith.maximumf %get3A_1168, %get3A_1174 : vector<16xf32>
      %get3A_1179 = arith.constant 2 : i32
      %get3A_1180 = arith.index_cast %get3A_1179 : i32 to index
      %get3A_1181 = arith.constant 80 : index
      %get3A_1182 = tpu.vector_load %arg12[%get3A_1180, %get3A_1181] {strides = array<i32>} : memref<24x128xf32, #tpu.memory_space<vmem>>, vector<1x16xf32>,
      %get3A_1183 = vector.shape_cast %get3A_1182 : vector<1x16xf32> to vector<16xf32>
      %add3A_1184 = arith.addf %add3A_1175, %get3A_1183 : vector<16xf32>
      %mul3A_1185 = arith.mulf %get3A_1183, %get3A_1183 : vector<16xf32>
      %add3A_1186 = arith.addf %add3A_1177, %mul3A_1185 : vector<16xf32>
      %max3A_1187 = arith.maximumf %max3A_1178, %get3A_1183 : vector<16xf32>
      %get3A_1188 = arith.constant 3 : i32
      %get3A_1189 = arith.index_cast %get3A_1188 : i32 to index
      %get3A_1190 = arith.constant 80 : index
      %get3A_1191 = tpu.vector_load %arg12[%get3A_1189, %get3A_1190] {strides = array<i32>} : memref<24x128xf32, #tpu.memory_space<vmem>>, vector<1x16xf32>,
      %get3A_1192 = vector.shape_cast %get3A_1191 : vector<1x16xf32> to vector<16xf32>
      %add3A_1193 = arith.addf %add3A_1184, %get3A_1192 : vector<16xf32>
      %mul3A_1194 = arith.mulf %get3A_1192, %get3A_1192 : vector<16xf32>
      %add3A_1195 = arith.addf %add3A_1186, %mul3A_1194 : vector<16xf32>
      %max3A_1196 = arith.maximumf %max3A_1187, %get3A_1192 : vector<16xf32>
      %get3A_1197 = arith.constant 4 : i32
      %get3A_1198 = arith.index_cast %get3A_1197 : i32 to index
      %get3A_1199 = arith.constant 80 : index
      %get3A_1200 = tpu.vector_load %arg12[%get3A_1198, %get3A_1199] {strides = array<i32>} : memref<24x128xf32, #tpu.memory_space<vmem>>, vector<1x16xf32>,
      %get3A_1201 = vector.shape_cast %get3A_1200 : vector<1x16xf32> to vector<16xf32>
      %add3A_1202 = arith.addf %add3A_1193, %get3A_1201 : vector<16xf32>
      %mul3A_1203 = arith.mulf %get3A_1201, %get3A_1201 : vector<16xf32>
      %add3A_1204 = arith.addf %add3A_1195, %mul3A_1203 : vector<16xf32>
      %max3A_1205 = arith.maximumf %max3A_1196, %get3A_1201 : vector<16xf32>
      %get3A_1206 = arith.constant 5 : i32
      %get3A_1207 = arith.index_cast %get3A_1206 : i32 to index
      %get3A_1208 = arith.constant 80 : index
      %get3A_1209 = tpu.vector_load %arg12[%get3A_1207, %get3A_1208] {strides = array<i32>} : memref<24x128xf32, #tpu.memory_space<vmem>>, vector<1x16xf32>,
      %get3A_1210 = vector.shape_cast %get3A_1209 : vector<1x16xf32> to vector<16xf32>
      %add3A_1211 = arith.addf %add3A_1202, %get3A_1210 : vector<16xf32>
      %mul3A_1212 = arith.mulf %get3A_1210, %get3A_1210 : vector<16xf32>
      %add3A_1213 = arith.addf %add3A_1204, %mul3A_1212 : vector<16xf32>
      %max3A_1214 = arith.maximumf %max3A_1205, %get3A_1210 : vector<16xf32>
      %get3A_1215 = arith.constant 6 : i32
      %get3A_1216 = arith.index_cast %get3A_1215 : i32 to index
      %get3A_1217 = arith.constant 80 : index
      %get3A_1218 = tpu.vector_load %arg12[%get3A_1216, %get3A_1217] {strides = array<i32>} : memref<24x128xf32, #tpu.memory_space<vmem>>, vector<1x16xf32>,
      %get3A_1219 = vector.shape_cast %get3A_1218 : vector<1x16xf32> to vector<16xf32>
      %add3A_1220 = arith.addf %add3A_1211, %get3A_1219 : vector<16xf32>
      %mul3A_1221 = arith.mulf %get3A_1219, %get3A_1219 : vector<16xf32>
      %add3A_1222 = arith.addf %add3A_1213, %mul3A_1221 : vector<16xf32>
      %max3A_1223 = arith.maximumf %max3A_1214, %get3A_1219 : vector<16xf32>
      %get3A_1224 = arith.constant 7 : i32
      %get3A_1225 = arith.index_cast %get3A_1224 : i32 to index
      %get3A_1226 = arith.constant 80 : index
      %get3A_1227 = tpu.vector_load %arg12[%get3A_1225, %get3A_1226] {strides = array<i32>} : memref<24x128xf32, #tpu.memory_space<vmem>>, vector<1x16xf32>,
      %get3A_1228 = vector.shape_cast %get3A_1227 : vector<1x16xf32> to vector<16xf32>
      %add3A_1229 = arith.addf %add3A_1220, %get3A_1228 : vector<16xf32>
      %mul3A_1230 = arith.mulf %get3A_1228, %get3A_1228 : vector<16xf32>
      %add3A_1231 = arith.addf %add3A_1222, %mul3A_1230 : vector<16xf32>
      %max3A_1232 = arith.maximumf %max3A_1223, %get3A_1228 : vector<16xf32>
      %get3A_1233 = arith.constant 8 : i32
      %get3A_1234 = arith.index_cast %get3A_1233 : i32 to index
      %get3A_1235 = arith.constant 80 : index
      %get3A_1236 = tpu.vector_load %arg12[%get3A_1234, %get3A_1235] {strides = array<i32>} : memref<24x128xf32, #tpu.memory_space<vmem>>, vector<1x16xf32>,
      %get3A_1237 = vector.shape_cast %get3A_1236 : vector<1x16xf32> to vector<16xf32>
      %add3A_1238 = arith.addf %add3A_1229, %get3A_1237 : vector<16xf32>
      %mul3A_1239 = arith.mulf %get3A_1237, %get3A_1237 : vector<16xf32>
      %add3A_1240 = arith.addf %add3A_1231, %mul3A_1239 : vector<16xf32>
      %max3A_1241 = arith.maximumf %max3A_1232, %get3A_1237 : vector<16xf32>
      %get3A_1242 = arith.constant 9 : i32
      %get3A_1243 = arith.index_cast %get3A_1242 : i32 to index
      %get3A_1244 = arith.constant 80 : index
      %get3A_1245 = tpu.vector_load %arg12[%get3A_1243, %get3A_1244] {strides = array<i32>} : memref<24x128xf32, #tpu.memory_space<vmem>>, vector<1x16xf32>,
      %get3A_1246 = vector.shape_cast %get3A_1245 : vector<1x16xf32> to vector<16xf32>
      %add3A_1247 = arith.addf %add3A_1238, %get3A_1246 : vector<16xf32>
      %mul3A_1248 = arith.mulf %get3A_1246, %get3A_1246 : vector<16xf32>
      %add3A_1249 = arith.addf %add3A_1240, %mul3A_1248 : vector<16xf32>
      %max3A_1250 = arith.maximumf %max3A_1241, %get3A_1246 : vector<16xf32>
      %get3A_1251 = arith.constant 10 : i32
      %get3A_1252 = arith.index_cast %get3A_1251 : i32 to index
      %get3A_1253 = arith.constant 80 : index
      %get3A_1254 = tpu.vector_load %arg12[%get3A_1252, %get3A_1253] {strides = array<i32>} : memref<24x128xf32, #tpu.memory_space<vmem>>, vector<1x16xf32>,
      %get3A_1255 = vector.shape_cast %get3A_1254 : vector<1x16xf32> to vector<16xf32>
      %add3A_1256 = arith.addf %add3A_1247, %get3A_1255 : vector<16xf32>
      %mul3A_1257 = arith.mulf %get3A_1255, %get3A_1255 : vector<16xf32>
      %add3A_1258 = arith.addf %add3A_1249, %mul3A_1257 : vector<16xf32>
      %max3A_1259 = arith.maximumf %max3A_1250, %get3A_1255 : vector<16xf32>
      %get3A_1260 = arith.constant 11 : i32
      %get3A_1261 = arith.index_cast %get3A_1260 : i32 to index
      %get3A_1262 = arith.constant 80 : index
      %get3A_1263 = tpu.vector_load %arg12[%get3A_1261, %get3A_1262] {strides = array<i32>} : memref<24x128xf32, #tpu.memory_space<vmem>>, vector<1x16xf32>,
      %get3A_1264 = vector.shape_cast %get3A_1263 : vector<1x16xf32> to vector<16xf32>
      %add3A_1265 = arith.addf %add3A_1256, %get3A_1264 : vector<16xf32>
      %mul3A_1266 = arith.mulf %get3A_1264, %get3A_1264 : vector<16xf32>
      %add3A_1267 = arith.addf %add3A_1258, %mul3A_1266 : vector<16xf32>
      %max3A_1268 = arith.maximumf %max3A_1259, %get3A_1264 : vector<16xf32>
      %get3A_1269 = arith.constant 12 : i32
      %get3A_1270 = arith.index_cast %get3A_1269 : i32 to index
      %get3A_1271 = arith.constant 80 : index
      %get3A_1272 = tpu.vector_load %arg12[%get3A_1270, %get3A_1271] {strides = array<i32>} : memref<24x128xf32, #tpu.memory_space<vmem>>, vector<1x16xf32>,
      %get3A_1273 = vector.shape_cast %get3A_1272 : vector<1x16xf32> to vector<16xf32>
      %add3A_1274 = arith.addf %add3A_1265, %get3A_1273 : vector<16xf32>
      %mul3A_1275 = arith.mulf %get3A_1273, %get3A_1273 : vector<16xf32>
      %add3A_1276 = arith.addf %add3A_1267, %mul3A_1275 : vector<16xf32>
      %max3A_1277 = arith.maximumf %max3A_1268, %get3A_1273 : vector<16xf32>
      %get3A_1278 = arith.constant 13 : i32
      %get3A_1279 = arith.index_cast %get3A_1278 : i32 to index
      %get3A_1280 = arith.constant 80 : index
      %get3A_1281 = tpu.vector_load %arg12[%get3A_1279, %get3A_1280] {strides = array<i32>} : memref<24x128xf32, #tpu.memory_space<vmem>>, vector<1x16xf32>,
      %get3A_1282 = vector.shape_cast %get3A_1281 : vector<1x16xf32> to vector<16xf32>
      %add3A_1283 = arith.addf %add3A_1274, %get3A_1282 : vector<16xf32>
      %mul3A_1284 = arith.mulf %get3A_1282, %get3A_1282 : vector<16xf32>
      %add3A_1285 = arith.addf %add3A_1276, %mul3A_1284 : vector<16xf32>
      %max3A_1286 = arith.maximumf %max3A_1277, %get3A_1282 : vector<16xf32>
      %get3A_1287 = arith.constant 14 : i32
      %get3A_1288 = arith.index_cast %get3A_1287 : i32 to index
      %get3A_1289 = arith.constant 80 : index
      %get3A_1290 = tpu.vector_load %arg12[%get3A_1288, %get3A_1289] {strides = array<i32>} : memref<24x128xf32, #tpu.memory_space<vmem>>, vector<1x16xf32>,
      %get3A_1291 = vector.shape_cast %get3A_1290 : vector<1x16xf32> to vector<16xf32>
      %add3A_1292 = arith.addf %add3A_1283, %get3A_1291 : vector<16xf32>
      %mul3A_1293 = arith.mulf %get3A_1291, %get3A_1291 : vector<16xf32>
      %add3A_1294 = arith.addf %add3A_1285, %mul3A_1293 : vector<16xf32>
      %max3A_1295 = arith.maximumf %max3A_1286, %get3A_1291 : vector<16xf32>
      %get3A_1296 = arith.constant 15 : i32
      %get3A_1297 = arith.index_cast %get3A_1296 : i32 to index
      %get3A_1298 = arith.constant 80 : index
      %get3A_1299 = tpu.vector_load %arg12[%get3A_1297, %get3A_1298] {strides = array<i32>} : memref<24x128xf32, #tpu.memory_space<vmem>>, vector<1x16xf32>,
      %get3A_1300 = vector.shape_cast %get3A_1299 : vector<1x16xf32> to vector<16xf32>
      %add3A_1301 = arith.addf %add3A_1292, %get3A_1300 : vector<16xf32>
      %mul3A_1302 = arith.mulf %get3A_1300, %get3A_1300 : vector<16xf32>
      %add3A_1303 = arith.addf %add3A_1294, %mul3A_1302 : vector<16xf32>
      %max3A_1304 = arith.maximumf %max3A_1295, %get3A_1300 : vector<16xf32>
      %get3A_1305 = arith.constant 16 : i32
      %get3A_1306 = arith.index_cast %get3A_1305 : i32 to index
      %get3A_1307 = arith.constant 80 : index
      %get3A_1308 = tpu.vector_load %arg12[%get3A_1306, %get3A_1307] {strides = array<i32>} : memref<24x128xf32, #tpu.memory_space<vmem>>, vector<1x16xf32>,
      %get3A_1309 = vector.shape_cast %get3A_1308 : vector<1x16xf32> to vector<16xf32>
      %add3A_1310 = arith.addf %add3A_1301, %get3A_1309 : vector<16xf32>
      %mul3A_1311 = arith.mulf %get3A_1309, %get3A_1309 : vector<16xf32>
      %add3A_1312 = arith.addf %add3A_1303, %mul3A_1311 : vector<16xf32>
      %max3A_1313 = arith.maximumf %max3A_1304, %get3A_1309 : vector<16xf32>
      %get3A_1314 = arith.constant 17 : i32
      %get3A_1315 = arith.index_cast %get3A_1314 : i32 to index
      %get3A_1316 = arith.constant 80 : index
      %get3A_1317 = tpu.vector_load %arg12[%get3A_1315, %get3A_1316] {strides = array<i32>} : memref<24x128xf32, #tpu.memory_space<vmem>>, vector<1x16xf32>,
      %get3A_1318 = vector.shape_cast %get3A_1317 : vector<1x16xf32> to vector<16xf32>
      %add3A_1319 = arith.addf %add3A_1310, %get3A_1318 : vector<16xf32>
      %mul3A_1320 = arith.mulf %get3A_1318, %get3A_1318 : vector<16xf32>
      %add3A_1321 = arith.addf %add3A_1312, %mul3A_1320 : vector<16xf32>
      %max3A_1322 = arith.maximumf %max3A_1313, %get3A_1318 : vector<16xf32>
      %get3A_1323 = arith.constant 18 : i32
      %get3A_1324 = arith.index_cast %get3A_1323 : i32 to index
      %get3A_1325 = arith.constant 80 : index
      %get3A_1326 = tpu.vector_load %arg12[%get3A_1324, %get3A_1325] {strides = array<i32>} : memref<24x128xf32, #tpu.memory_space<vmem>>, vector<1x16xf32>,
      %get3A_1327 = vector.shape_cast %get3A_1326 : vector<1x16xf32> to vector<16xf32>
      %add3A_1328 = arith.addf %add3A_1319, %get3A_1327 : vector<16xf32>
      %mul3A_1329 = arith.mulf %get3A_1327, %get3A_1327 : vector<16xf32>
      %add3A_1330 = arith.addf %add3A_1321, %mul3A_1329 : vector<16xf32>
      %max3A_1331 = arith.maximumf %max3A_1322, %get3A_1327 : vector<16xf32>
      %get3A_1332 = arith.constant 19 : i32
      %get3A_1333 = arith.index_cast %get3A_1332 : i32 to index
      %get3A_1334 = arith.constant 80 : index
      %get3A_1335 = tpu.vector_load %arg12[%get3A_1333, %get3A_1334] {strides = array<i32>} : memref<24x128xf32, #tpu.memory_space<vmem>>, vector<1x16xf32>,
      %get3A_1336 = vector.shape_cast %get3A_1335 : vector<1x16xf32> to vector<16xf32>
      %add3A_1337 = arith.addf %add3A_1328, %get3A_1336 : vector<16xf32>
      %mul3A_1338 = arith.mulf %get3A_1336, %get3A_1336 : vector<16xf32>
      %add3A_1339 = arith.addf %add3A_1330, %mul3A_1338 : vector<16xf32>
      %max3A_1340 = arith.maximumf %max3A_1331, %get3A_1336 : vector<16xf32>
      %get3A_1341 = arith.constant 20 : i32
      %get3A_1342 = arith.index_cast %get3A_1341 : i32 to index
      %get3A_1343 = arith.constant 80 : index
      %get3A_1344 = tpu.vector_load %arg12[%get3A_1342, %get3A_1343] {strides = array<i32>} : memref<24x128xf32, #tpu.memory_space<vmem>>, vector<1x16xf32>,
      %get3A_1345 = vector.shape_cast %get3A_1344 : vector<1x16xf32> to vector<16xf32>
      %add3A_1346 = arith.addf %add3A_1337, %get3A_1345 : vector<16xf32>
      %mul3A_1347 = arith.mulf %get3A_1345, %get3A_1345 : vector<16xf32>
      %add3A_1348 = arith.addf %add3A_1339, %mul3A_1347 : vector<16xf32>
      %max3A_1349 = arith.maximumf %max3A_1340, %get3A_1345 : vector<16xf32>
      %get3A_1350 = arith.constant 21 : i32
      %get3A_1351 = arith.index_cast %get3A_1350 : i32 to index
      %get3A_1352 = arith.constant 80 : index
      %get3A_1353 = tpu.vector_load %arg12[%get3A_1351, %get3A_1352] {strides = array<i32>} : memref<24x128xf32, #tpu.memory_space<vmem>>, vector<1x16xf32>,
      %get3A_1354 = vector.shape_cast %get3A_1353 : vector<1x16xf32> to vector<16xf32>
      %add3A_1355 = arith.addf %add3A_1346, %get3A_1354 : vector<16xf32>
      %mul3A_1356 = arith.mulf %get3A_1354, %get3A_1354 : vector<16xf32>
      %add3A_1357 = arith.addf %add3A_1348, %mul3A_1356 : vector<16xf32>
      %max3A_1358 = arith.maximumf %max3A_1349, %get3A_1354 : vector<16xf32>
      %get3A_1359 = arith.constant 22 : i32
      %get3A_1360 = arith.index_cast %get3A_1359 : i32 to index
      %get3A_1361 = arith.constant 80 : index
      %get3A_1362 = tpu.vector_load %arg12[%get3A_1360, %get3A_1361] {strides = array<i32>} : memref<24x128xf32, #tpu.memory_space<vmem>>, vector<1x16xf32>,
      %get3A_1363 = vector.shape_cast %get3A_1362 : vector<1x16xf32> to vector<16xf32>
      %add3A_1364 = arith.addf %add3A_1355, %get3A_1363 : vector<16xf32>
      %mul3A_1365 = arith.mulf %get3A_1363, %get3A_1363 : vector<16xf32>
      %add3A_1366 = arith.addf %add3A_1357, %mul3A_1365 : vector<16xf32>
      %max3A_1367 = arith.maximumf %max3A_1358, %get3A_1363 : vector<16xf32>
      %get3A_1368 = arith.constant 23 : i32
      %get3A_1369 = arith.index_cast %get3A_1368 : i32 to index
      %get3A_1370 = arith.constant 80 : index
      %get3A_1371 = tpu.vector_load %arg12[%get3A_1369, %get3A_1370] {strides = array<i32>} : memref<24x128xf32, #tpu.memory_space<vmem>>, vector<1x16xf32>,
      %get3A_1372 = vector.shape_cast %get3A_1371 : vector<1x16xf32> to vector<16xf32>
      %add3A_1373 = arith.addf %add3A_1364, %get3A_1372 : vector<16xf32>
      %mul3A_1374 = arith.mulf %get3A_1372, %get3A_1372 : vector<16xf32>
      %add3A_1375 = arith.addf %add3A_1366, %mul3A_1374 : vector<16xf32>
      %max3A_1376 = arith.maximumf %max3A_1367, %get3A_1372 : vector<16xf32>
      %swap3A_1377 = arith.index_cast %scan3A_15 : i32 to index
      %swap3A_1378 = arith.constant 80 : index
      %swap3A_1379 = tpu.vector_load %arg13[%swap3A_1377, %swap3A_1378] {strides = array<i32>} : memref<128x128xf32, #tpu.memory_space<vmem>>, vector<1x16xf32>,
      %swap3A_1380 = vector.shape_cast %swap3A_1379 : vector<1x16xf32> to vector<16xf32>
      %swap3A_1381 = vector.shape_cast %add3A_1373 : vector<16xf32> to vector<1x16xf32>
      tpu.vector_store %arg13[%swap3A_1377, %swap3A_1378], %swap3A_1381 {strides = array<i32>} : memref<128x128xf32, #tpu.memory_space<vmem>>, vector<1x16xf32>,
      %swap3A_1382 = arith.index_cast %scan3A_15 : i32 to index
      %swap3A_1383 = arith.constant 80 : index
      %swap3A_1384 = tpu.vector_load %arg14[%swap3A_1382, %swap3A_1383] {strides = array<i32>} : memref<128x128xf32, #tpu.memory_space<vmem>>, vector<1x16xf32>,
      %swap3A_1385 = vector.shape_cast %swap3A_1384 : vector<1x16xf32> to vector<16xf32>
      %swap3A_1386 = vector.shape_cast %add3A_1375 : vector<16xf32> to vector<1x16xf32>
      tpu.vector_store %arg14[%swap3A_1382, %swap3A_1383], %swap3A_1386 {strides = array<i32>} : memref<128x128xf32, #tpu.memory_space<vmem>>, vector<1x16xf32>,
      %swap3A_1387 = arith.index_cast %scan3A_15 : i32 to index
      %swap3A_1388 = arith.constant 80 : index
      %swap3A_1389 = tpu.vector_load %arg15[%swap3A_1387, %swap3A_1388] {strides = array<i32>} : memref<128x128xf32, #tpu.memory_space<vmem>>, vector<1x16xf32>,
      %swap3A_1390 = vector.shape_cast %swap3A_1389 : vector<1x16xf32> to vector<16xf32>
      %swap3A_1391 = vector.shape_cast %max3A_1376 : vector<16xf32> to vector<1x16xf32>
      tpu.vector_store %arg15[%swap3A_1387, %swap3A_1388], %swap3A_1391 {strides = array<i32>} : memref<128x128xf32, #tpu.memory_space<vmem>>, vector<1x16xf32>,
      %get3A_1392 = arith.constant 0 : i32
      %get3A_1393 = arith.index_cast %get3A_1392 : i32 to index
      %get3A_1394 = arith.constant 96 : index
      %get3A_1395 = tpu.vector_load %arg12[%get3A_1393, %get3A_1394] {strides = array<i32>} : memref<24x128xf32, #tpu.memory_space<vmem>>, vector<1x16xf32>,
      %get3A_1396 = vector.shape_cast %get3A_1395 : vector<1x16xf32> to vector<16xf32>
      %mul3A_1397 = arith.mulf %get3A_1396, %get3A_1396 : vector<16xf32>
      %get3A_1398 = arith.constant 1 : i32
      %get3A_1399 = arith.index_cast %get3A_1398 : i32 to index
      %get3A_1400 = arith.constant 96 : index
      %get3A_1401 = tpu.vector_load %arg12[%get3A_1399, %get3A_1400] {strides = array<i32>} : memref<24x128xf32, #tpu.memory_space<vmem>>, vector<1x16xf32>,
      %get3A_1402 = vector.shape_cast %get3A_1401 : vector<1x16xf32> to vector<16xf32>
      %add3A_1403 = arith.addf %get3A_1396, %get3A_1402 : vector<16xf32>
      %mul3A_1404 = arith.mulf %get3A_1402, %get3A_1402 : vector<16xf32>
      %add3A_1405 = arith.addf %mul3A_1397, %mul3A_1404 : vector<16xf32>
      %max3A_1406 = arith.maximumf %get3A_1396, %get3A_1402 : vector<16xf32>
      %get3A_1407 = arith.constant 2 : i32
      %get3A_1408 = arith.index_cast %get3A_1407 : i32 to index
      %get3A_1409 = arith.constant 96 : index
      %get3A_1410 = tpu.vector_load %arg12[%get3A_1408, %get3A_1409] {strides = array<i32>} : memref<24x128xf32, #tpu.memory_space<vmem>>, vector<1x16xf32>,
      %get3A_1411 = vector.shape_cast %get3A_1410 : vector<1x16xf32> to vector<16xf32>
      %add3A_1412 = arith.addf %add3A_1403, %get3A_1411 : vector<16xf32>
      %mul3A_1413 = arith.mulf %get3A_1411, %get3A_1411 : vector<16xf32>
      %add3A_1414 = arith.addf %add3A_1405, %mul3A_1413 : vector<16xf32>
      %max3A_1415 = arith.maximumf %max3A_1406, %get3A_1411 : vector<16xf32>
      %get3A_1416 = arith.constant 3 : i32
      %get3A_1417 = arith.index_cast %get3A_1416 : i32 to index
      %get3A_1418 = arith.constant 96 : index
      %get3A_1419 = tpu.vector_load %arg12[%get3A_1417, %get3A_1418] {strides = array<i32>} : memref<24x128xf32, #tpu.memory_space<vmem>>, vector<1x16xf32>,
      %get3A_1420 = vector.shape_cast %get3A_1419 : vector<1x16xf32> to vector<16xf32>
      %add3A_1421 = arith.addf %add3A_1412, %get3A_1420 : vector<16xf32>
      %mul3A_1422 = arith.mulf %get3A_1420, %get3A_1420 : vector<16xf32>
      %add3A_1423 = arith.addf %add3A_1414, %mul3A_1422 : vector<16xf32>
      %max3A_1424 = arith.maximumf %max3A_1415, %get3A_1420 : vector<16xf32>
      %get3A_1425 = arith.constant 4 : i32
      %get3A_1426 = arith.index_cast %get3A_1425 : i32 to index
      %get3A_1427 = arith.constant 96 : index
      %get3A_1428 = tpu.vector_load %arg12[%get3A_1426, %get3A_1427] {strides = array<i32>} : memref<24x128xf32, #tpu.memory_space<vmem>>, vector<1x16xf32>,
      %get3A_1429 = vector.shape_cast %get3A_1428 : vector<1x16xf32> to vector<16xf32>
      %add3A_1430 = arith.addf %add3A_1421, %get3A_1429 : vector<16xf32>
      %mul3A_1431 = arith.mulf %get3A_1429, %get3A_1429 : vector<16xf32>
      %add3A_1432 = arith.addf %add3A_1423, %mul3A_1431 : vector<16xf32>
      %max3A_1433 = arith.maximumf %max3A_1424, %get3A_1429 : vector<16xf32>
      %get3A_1434 = arith.constant 5 : i32
      %get3A_1435 = arith.index_cast %get3A_1434 : i32 to index
      %get3A_1436 = arith.constant 96 : index
      %get3A_1437 = tpu.vector_load %arg12[%get3A_1435, %get3A_1436] {strides = array<i32>} : memref<24x128xf32, #tpu.memory_space<vmem>>, vector<1x16xf32>,
      %get3A_1438 = vector.shape_cast %get3A_1437 : vector<1x16xf32> to vector<16xf32>
      %add3A_1439 = arith.addf %add3A_1430, %get3A_1438 : vector<16xf32>
      %mul3A_1440 = arith.mulf %get3A_1438, %get3A_1438 : vector<16xf32>
      %add3A_1441 = arith.addf %add3A_1432, %mul3A_1440 : vector<16xf32>
      %max3A_1442 = arith.maximumf %max3A_1433, %get3A_1438 : vector<16xf32>
      %get3A_1443 = arith.constant 6 : i32
      %get3A_1444 = arith.index_cast %get3A_1443 : i32 to index
      %get3A_1445 = arith.constant 96 : index
      %get3A_1446 = tpu.vector_load %arg12[%get3A_1444, %get3A_1445] {strides = array<i32>} : memref<24x128xf32, #tpu.memory_space<vmem>>, vector<1x16xf32>,
      %get3A_1447 = vector.shape_cast %get3A_1446 : vector<1x16xf32> to vector<16xf32>
      %add3A_1448 = arith.addf %add3A_1439, %get3A_1447 : vector<16xf32>
      %mul3A_1449 = arith.mulf %get3A_1447, %get3A_1447 : vector<16xf32>
      %add3A_1450 = arith.addf %add3A_1441, %mul3A_1449 : vector<16xf32>
      %max3A_1451 = arith.maximumf %max3A_1442, %get3A_1447 : vector<16xf32>
      %get3A_1452 = arith.constant 7 : i32
      %get3A_1453 = arith.index_cast %get3A_1452 : i32 to index
      %get3A_1454 = arith.constant 96 : index
      %get3A_1455 = tpu.vector_load %arg12[%get3A_1453, %get3A_1454] {strides = array<i32>} : memref<24x128xf32, #tpu.memory_space<vmem>>, vector<1x16xf32>,
      %get3A_1456 = vector.shape_cast %get3A_1455 : vector<1x16xf32> to vector<16xf32>
      %add3A_1457 = arith.addf %add3A_1448, %get3A_1456 : vector<16xf32>
      %mul3A_1458 = arith.mulf %get3A_1456, %get3A_1456 : vector<16xf32>
      %add3A_1459 = arith.addf %add3A_1450, %mul3A_1458 : vector<16xf32>
      %max3A_1460 = arith.maximumf %max3A_1451, %get3A_1456 : vector<16xf32>
      %get3A_1461 = arith.constant 8 : i32
      %get3A_1462 = arith.index_cast %get3A_1461 : i32 to index
      %get3A_1463 = arith.constant 96 : index
      %get3A_1464 = tpu.vector_load %arg12[%get3A_1462, %get3A_1463] {strides = array<i32>} : memref<24x128xf32, #tpu.memory_space<vmem>>, vector<1x16xf32>,
      %get3A_1465 = vector.shape_cast %get3A_1464 : vector<1x16xf32> to vector<16xf32>
      %add3A_1466 = arith.addf %add3A_1457, %get3A_1465 : vector<16xf32>
      %mul3A_1467 = arith.mulf %get3A_1465, %get3A_1465 : vector<16xf32>
      %add3A_1468 = arith.addf %add3A_1459, %mul3A_1467 : vector<16xf32>
      %max3A_1469 = arith.maximumf %max3A_1460, %get3A_1465 : vector<16xf32>
      %get3A_1470 = arith.constant 9 : i32
      %get3A_1471 = arith.index_cast %get3A_1470 : i32 to index
      %get3A_1472 = arith.constant 96 : index
      %get3A_1473 = tpu.vector_load %arg12[%get3A_1471, %get3A_1472] {strides = array<i32>} : memref<24x128xf32, #tpu.memory_space<vmem>>, vector<1x16xf32>,
      %get3A_1474 = vector.shape_cast %get3A_1473 : vector<1x16xf32> to vector<16xf32>
      %add3A_1475 = arith.addf %add3A_1466, %get3A_1474 : vector<16xf32>
      %mul3A_1476 = arith.mulf %get3A_1474, %get3A_1474 : vector<16xf32>
      %add3A_1477 = arith.addf %add3A_1468, %mul3A_1476 : vector<16xf32>
      %max3A_1478 = arith.maximumf %max3A_1469, %get3A_1474 : vector<16xf32>
      %get3A_1479 = arith.constant 10 : i32
      %get3A_1480 = arith.index_cast %get3A_1479 : i32 to index
      %get3A_1481 = arith.constant 96 : index
      %get3A_1482 = tpu.vector_load %arg12[%get3A_1480, %get3A_1481] {strides = array<i32>} : memref<24x128xf32, #tpu.memory_space<vmem>>, vector<1x16xf32>,
      %get3A_1483 = vector.shape_cast %get3A_1482 : vector<1x16xf32> to vector<16xf32>
      %add3A_1484 = arith.addf %add3A_1475, %get3A_1483 : vector<16xf32>
      %mul3A_1485 = arith.mulf %get3A_1483, %get3A_1483 : vector<16xf32>
      %add3A_1486 = arith.addf %add3A_1477, %mul3A_1485 : vector<16xf32>
      %max3A_1487 = arith.maximumf %max3A_1478, %get3A_1483 : vector<16xf32>
      %get3A_1488 = arith.constant 11 : i32
      %get3A_1489 = arith.index_cast %get3A_1488 : i32 to index
      %get3A_1490 = arith.constant 96 : index
      %get3A_1491 = tpu.vector_load %arg12[%get3A_1489, %get3A_1490] {strides = array<i32>} : memref<24x128xf32, #tpu.memory_space<vmem>>, vector<1x16xf32>,
      %get3A_1492 = vector.shape_cast %get3A_1491 : vector<1x16xf32> to vector<16xf32>
      %add3A_1493 = arith.addf %add3A_1484, %get3A_1492 : vector<16xf32>
      %mul3A_1494 = arith.mulf %get3A_1492, %get3A_1492 : vector<16xf32>
      %add3A_1495 = arith.addf %add3A_1486, %mul3A_1494 : vector<16xf32>
      %max3A_1496 = arith.maximumf %max3A_1487, %get3A_1492 : vector<16xf32>
      %get3A_1497 = arith.constant 12 : i32
      %get3A_1498 = arith.index_cast %get3A_1497 : i32 to index
      %get3A_1499 = arith.constant 96 : index
      %get3A_1500 = tpu.vector_load %arg12[%get3A_1498, %get3A_1499] {strides = array<i32>} : memref<24x128xf32, #tpu.memory_space<vmem>>, vector<1x16xf32>,
      %get3A_1501 = vector.shape_cast %get3A_1500 : vector<1x16xf32> to vector<16xf32>
      %add3A_1502 = arith.addf %add3A_1493, %get3A_1501 : vector<16xf32>
      %mul3A_1503 = arith.mulf %get3A_1501, %get3A_1501 : vector<16xf32>
      %add3A_1504 = arith.addf %add3A_1495, %mul3A_1503 : vector<16xf32>
      %max3A_1505 = arith.maximumf %max3A_1496, %get3A_1501 : vector<16xf32>
      %get3A_1506 = arith.constant 13 : i32
      %get3A_1507 = arith.index_cast %get3A_1506 : i32 to index
      %get3A_1508 = arith.constant 96 : index
      %get3A_1509 = tpu.vector_load %arg12[%get3A_1507, %get3A_1508] {strides = array<i32>} : memref<24x128xf32, #tpu.memory_space<vmem>>, vector<1x16xf32>,
      %get3A_1510 = vector.shape_cast %get3A_1509 : vector<1x16xf32> to vector<16xf32>
      %add3A_1511 = arith.addf %add3A_1502, %get3A_1510 : vector<16xf32>
      %mul3A_1512 = arith.mulf %get3A_1510, %get3A_1510 : vector<16xf32>
      %add3A_1513 = arith.addf %add3A_1504, %mul3A_1512 : vector<16xf32>
      %max3A_1514 = arith.maximumf %max3A_1505, %get3A_1510 : vector<16xf32>
      %get3A_1515 = arith.constant 14 : i32
      %get3A_1516 = arith.index_cast %get3A_1515 : i32 to index
      %get3A_1517 = arith.constant 96 : index
      %get3A_1518 = tpu.vector_load %arg12[%get3A_1516, %get3A_1517] {strides = array<i32>} : memref<24x128xf32, #tpu.memory_space<vmem>>, vector<1x16xf32>,
      %get3A_1519 = vector.shape_cast %get3A_1518 : vector<1x16xf32> to vector<16xf32>
      %add3A_1520 = arith.addf %add3A_1511, %get3A_1519 : vector<16xf32>
      %mul3A_1521 = arith.mulf %get3A_1519, %get3A_1519 : vector<16xf32>
      %add3A_1522 = arith.addf %add3A_1513, %mul3A_1521 : vector<16xf32>
      %max3A_1523 = arith.maximumf %max3A_1514, %get3A_1519 : vector<16xf32>
      %get3A_1524 = arith.constant 15 : i32
      %get3A_1525 = arith.index_cast %get3A_1524 : i32 to index
      %get3A_1526 = arith.constant 96 : index
      %get3A_1527 = tpu.vector_load %arg12[%get3A_1525, %get3A_1526] {strides = array<i32>} : memref<24x128xf32, #tpu.memory_space<vmem>>, vector<1x16xf32>,
      %get3A_1528 = vector.shape_cast %get3A_1527 : vector<1x16xf32> to vector<16xf32>
      %add3A_1529 = arith.addf %add3A_1520, %get3A_1528 : vector<16xf32>
      %mul3A_1530 = arith.mulf %get3A_1528, %get3A_1528 : vector<16xf32>
      %add3A_1531 = arith.addf %add3A_1522, %mul3A_1530 : vector<16xf32>
      %max3A_1532 = arith.maximumf %max3A_1523, %get3A_1528 : vector<16xf32>
      %get3A_1533 = arith.constant 16 : i32
      %get3A_1534 = arith.index_cast %get3A_1533 : i32 to index
      %get3A_1535 = arith.constant 96 : index
      %get3A_1536 = tpu.vector_load %arg12[%get3A_1534, %get3A_1535] {strides = array<i32>} : memref<24x128xf32, #tpu.memory_space<vmem>>, vector<1x16xf32>,
      %get3A_1537 = vector.shape_cast %get3A_1536 : vector<1x16xf32> to vector<16xf32>
      %add3A_1538 = arith.addf %add3A_1529, %get3A_1537 : vector<16xf32>
      %mul3A_1539 = arith.mulf %get3A_1537, %get3A_1537 : vector<16xf32>
      %add3A_1540 = arith.addf %add3A_1531, %mul3A_1539 : vector<16xf32>
      %max3A_1541 = arith.maximumf %max3A_1532, %get3A_1537 : vector<16xf32>
      %get3A_1542 = arith.constant 17 : i32
      %get3A_1543 = arith.index_cast %get3A_1542 : i32 to index
      %get3A_1544 = arith.constant 96 : index
      %get3A_1545 = tpu.vector_load %arg12[%get3A_1543, %get3A_1544] {strides = array<i32>} : memref<24x128xf32, #tpu.memory_space<vmem>>, vector<1x16xf32>,
      %get3A_1546 = vector.shape_cast %get3A_1545 : vector<1x16xf32> to vector<16xf32>
      %add3A_1547 = arith.addf %add3A_1538, %get3A_1546 : vector<16xf32>
      %mul3A_1548 = arith.mulf %get3A_1546, %get3A_1546 : vector<16xf32>
      %add3A_1549 = arith.addf %add3A_1540, %mul3A_1548 : vector<16xf32>
      %max3A_1550 = arith.maximumf %max3A_1541, %get3A_1546 : vector<16xf32>
      %get3A_1551 = arith.constant 18 : i32
      %get3A_1552 = arith.index_cast %get3A_1551 : i32 to index
      %get3A_1553 = arith.constant 96 : index
      %get3A_1554 = tpu.vector_load %arg12[%get3A_1552, %get3A_1553] {strides = array<i32>} : memref<24x128xf32, #tpu.memory_space<vmem>>, vector<1x16xf32>,
      %get3A_1555 = vector.shape_cast %get3A_1554 : vector<1x16xf32> to vector<16xf32>
      %add3A_1556 = arith.addf %add3A_1547, %get3A_1555 : vector<16xf32>
      %mul3A_1557 = arith.mulf %get3A_1555, %get3A_1555 : vector<16xf32>
      %add3A_1558 = arith.addf %add3A_1549, %mul3A_1557 : vector<16xf32>
      %max3A_1559 = arith.maximumf %max3A_1550, %get3A_1555 : vector<16xf32>
      %get3A_1560 = arith.constant 19 : i32
      %get3A_1561 = arith.index_cast %get3A_1560 : i32 to index
      %get3A_1562 = arith.constant 96 : index
      %get3A_1563 = tpu.vector_load %arg12[%get3A_1561, %get3A_1562] {strides = array<i32>} : memref<24x128xf32, #tpu.memory_space<vmem>>, vector<1x16xf32>,
      %get3A_1564 = vector.shape_cast %get3A_1563 : vector<1x16xf32> to vector<16xf32>
      %add3A_1565 = arith.addf %add3A_1556, %get3A_1564 : vector<16xf32>
      %mul3A_1566 = arith.mulf %get3A_1564, %get3A_1564 : vector<16xf32>
      %add3A_1567 = arith.addf %add3A_1558, %mul3A_1566 : vector<16xf32>
      %max3A_1568 = arith.maximumf %max3A_1559, %get3A_1564 : vector<16xf32>
      %get3A_1569 = arith.constant 20 : i32
      %get3A_1570 = arith.index_cast %get3A_1569 : i32 to index
      %get3A_1571 = arith.constant 96 : index
      %get3A_1572 = tpu.vector_load %arg12[%get3A_1570, %get3A_1571] {strides = array<i32>} : memref<24x128xf32, #tpu.memory_space<vmem>>, vector<1x16xf32>,
      %get3A_1573 = vector.shape_cast %get3A_1572 : vector<1x16xf32> to vector<16xf32>
      %add3A_1574 = arith.addf %add3A_1565, %get3A_1573 : vector<16xf32>
      %mul3A_1575 = arith.mulf %get3A_1573, %get3A_1573 : vector<16xf32>
      %add3A_1576 = arith.addf %add3A_1567, %mul3A_1575 : vector<16xf32>
      %max3A_1577 = arith.maximumf %max3A_1568, %get3A_1573 : vector<16xf32>
      %get3A_1578 = arith.constant 21 : i32
      %get3A_1579 = arith.index_cast %get3A_1578 : i32 to index
      %get3A_1580 = arith.constant 96 : index
      %get3A_1581 = tpu.vector_load %arg12[%get3A_1579, %get3A_1580] {strides = array<i32>} : memref<24x128xf32, #tpu.memory_space<vmem>>, vector<1x16xf32>,
      %get3A_1582 = vector.shape_cast %get3A_1581 : vector<1x16xf32> to vector<16xf32>
      %add3A_1583 = arith.addf %add3A_1574, %get3A_1582 : vector<16xf32>
      %mul3A_1584 = arith.mulf %get3A_1582, %get3A_1582 : vector<16xf32>
      %add3A_1585 = arith.addf %add3A_1576, %mul3A_1584 : vector<16xf32>
      %max3A_1586 = arith.maximumf %max3A_1577, %get3A_1582 : vector<16xf32>
      %get3A_1587 = arith.constant 22 : i32
      %get3A_1588 = arith.index_cast %get3A_1587 : i32 to index
      %get3A_1589 = arith.constant 96 : index
      %get3A_1590 = tpu.vector_load %arg12[%get3A_1588, %get3A_1589] {strides = array<i32>} : memref<24x128xf32, #tpu.memory_space<vmem>>, vector<1x16xf32>,
      %get3A_1591 = vector.shape_cast %get3A_1590 : vector<1x16xf32> to vector<16xf32>
      %add3A_1592 = arith.addf %add3A_1583, %get3A_1591 : vector<16xf32>
      %mul3A_1593 = arith.mulf %get3A_1591, %get3A_1591 : vector<16xf32>
      %add3A_1594 = arith.addf %add3A_1585, %mul3A_1593 : vector<16xf32>
      %max3A_1595 = arith.maximumf %max3A_1586, %get3A_1591 : vector<16xf32>
      %get3A_1596 = arith.constant 23 : i32
      %get3A_1597 = arith.index_cast %get3A_1596 : i32 to index
      %get3A_1598 = arith.constant 96 : index
      %get3A_1599 = tpu.vector_load %arg12[%get3A_1597, %get3A_1598] {strides = array<i32>} : memref<24x128xf32, #tpu.memory_space<vmem>>, vector<1x16xf32>,
      %get3A_1600 = vector.shape_cast %get3A_1599 : vector<1x16xf32> to vector<16xf32>
      %add3A_1601 = arith.addf %add3A_1592, %get3A_1600 : vector<16xf32>
      %mul3A_1602 = arith.mulf %get3A_1600, %get3A_1600 : vector<16xf32>
      %add3A_1603 = arith.addf %add3A_1594, %mul3A_1602 : vector<16xf32>
      %max3A_1604 = arith.maximumf %max3A_1595, %get3A_1600 : vector<16xf32>
      %swap3A_1605 = arith.index_cast %scan3A_15 : i32 to index
      %swap3A_1606 = arith.constant 96 : index
      %swap3A_1607 = tpu.vector_load %arg13[%swap3A_1605, %swap3A_1606] {strides = array<i32>} : memref<128x128xf32, #tpu.memory_space<vmem>>, vector<1x16xf32>,
      %swap3A_1608 = vector.shape_cast %swap3A_1607 : vector<1x16xf32> to vector<16xf32>
      %swap3A_1609 = vector.shape_cast %add3A_1601 : vector<16xf32> to vector<1x16xf32>
      tpu.vector_store %arg13[%swap3A_1605, %swap3A_1606], %swap3A_1609 {strides = array<i32>} : memref<128x128xf32, #tpu.memory_space<vmem>>, vector<1x16xf32>,
      %swap3A_1610 = arith.index_cast %scan3A_15 : i32 to index
      %swap3A_1611 = arith.constant 96 : index
      %swap3A_1612 = tpu.vector_load %arg14[%swap3A_1610, %swap3A_1611] {strides = array<i32>} : memref<128x128xf32, #tpu.memory_space<vmem>>, vector<1x16xf32>,
      %swap3A_1613 = vector.shape_cast %swap3A_1612 : vector<1x16xf32> to vector<16xf32>
      %swap3A_1614 = vector.shape_cast %add3A_1603 : vector<16xf32> to vector<1x16xf32>
      tpu.vector_store %arg14[%swap3A_1610, %swap3A_1611], %swap3A_1614 {strides = array<i32>} : memref<128x128xf32, #tpu.memory_space<vmem>>, vector<1x16xf32>,
      %swap3A_1615 = arith.index_cast %scan3A_15 : i32 to index
      %swap3A_1616 = arith.constant 96 : index
      %swap3A_1617 = tpu.vector_load %arg15[%swap3A_1615, %swap3A_1616] {strides = array<i32>} : memref<128x128xf32, #tpu.memory_space<vmem>>, vector<1x16xf32>,
      %swap3A_1618 = vector.shape_cast %swap3A_1617 : vector<1x16xf32> to vector<16xf32>
      %swap3A_1619 = vector.shape_cast %max3A_1604 : vector<16xf32> to vector<1x16xf32>
      tpu.vector_store %arg15[%swap3A_1615, %swap3A_1616], %swap3A_1619 {strides = array<i32>} : memref<128x128xf32, #tpu.memory_space<vmem>>, vector<1x16xf32>,
      %get3A_1620 = arith.constant 0 : i32
      %get3A_1621 = arith.index_cast %get3A_1620 : i32 to index
      %get3A_1622 = arith.constant 112 : index
      %get3A_1623 = tpu.vector_load %arg12[%get3A_1621, %get3A_1622] {strides = array<i32>} : memref<24x128xf32, #tpu.memory_space<vmem>>, vector<1x16xf32>,
      %get3A_1624 = vector.shape_cast %get3A_1623 : vector<1x16xf32> to vector<16xf32>
      %mul3A_1625 = arith.mulf %get3A_1624, %get3A_1624 : vector<16xf32>
      %get3A_1626 = arith.constant 1 : i32
      %get3A_1627 = arith.index_cast %get3A_1626 : i32 to index
      %get3A_1628 = arith.constant 112 : index
      %get3A_1629 = tpu.vector_load %arg12[%get3A_1627, %get3A_1628] {strides = array<i32>} : memref<24x128xf32, #tpu.memory_space<vmem>>, vector<1x16xf32>,
      %get3A_1630 = vector.shape_cast %get3A_1629 : vector<1x16xf32> to vector<16xf32>
      %add3A_1631 = arith.addf %get3A_1624, %get3A_1630 : vector<16xf32>
      %mul3A_1632 = arith.mulf %get3A_1630, %get3A_1630 : vector<16xf32>
      %add3A_1633 = arith.addf %mul3A_1625, %mul3A_1632 : vector<16xf32>
      %max3A_1634 = arith.maximumf %get3A_1624, %get3A_1630 : vector<16xf32>
      %get3A_1635 = arith.constant 2 : i32
      %get3A_1636 = arith.index_cast %get3A_1635 : i32 to index
      %get3A_1637 = arith.constant 112 : index
      %get3A_1638 = tpu.vector_load %arg12[%get3A_1636, %get3A_1637] {strides = array<i32>} : memref<24x128xf32, #tpu.memory_space<vmem>>, vector<1x16xf32>,
      %get3A_1639 = vector.shape_cast %get3A_1638 : vector<1x16xf32> to vector<16xf32>
      %add3A_1640 = arith.addf %add3A_1631, %get3A_1639 : vector<16xf32>
      %mul3A_1641 = arith.mulf %get3A_1639, %get3A_1639 : vector<16xf32>
      %add3A_1642 = arith.addf %add3A_1633, %mul3A_1641 : vector<16xf32>
      %max3A_1643 = arith.maximumf %max3A_1634, %get3A_1639 : vector<16xf32>
      %get3A_1644 = arith.constant 3 : i32
      %get3A_1645 = arith.index_cast %get3A_1644 : i32 to index
      %get3A_1646 = arith.constant 112 : index
      %get3A_1647 = tpu.vector_load %arg12[%get3A_1645, %get3A_1646] {strides = array<i32>} : memref<24x128xf32, #tpu.memory_space<vmem>>, vector<1x16xf32>,
      %get3A_1648 = vector.shape_cast %get3A_1647 : vector<1x16xf32> to vector<16xf32>
      %add3A_1649 = arith.addf %add3A_1640, %get3A_1648 : vector<16xf32>
      %mul3A_1650 = arith.mulf %get3A_1648, %get3A_1648 : vector<16xf32>
      %add3A_1651 = arith.addf %add3A_1642, %mul3A_1650 : vector<16xf32>
      %max3A_1652 = arith.maximumf %max3A_1643, %get3A_1648 : vector<16xf32>
      %get3A_1653 = arith.constant 4 : i32
      %get3A_1654 = arith.index_cast %get3A_1653 : i32 to index
      %get3A_1655 = arith.constant 112 : index
      %get3A_1656 = tpu.vector_load %arg12[%get3A_1654, %get3A_1655] {strides = array<i32>} : memref<24x128xf32, #tpu.memory_space<vmem>>, vector<1x16xf32>,
      %get3A_1657 = vector.shape_cast %get3A_1656 : vector<1x16xf32> to vector<16xf32>
      %add3A_1658 = arith.addf %add3A_1649, %get3A_1657 : vector<16xf32>
      %mul3A_1659 = arith.mulf %get3A_1657, %get3A_1657 : vector<16xf32>
      %add3A_1660 = arith.addf %add3A_1651, %mul3A_1659 : vector<16xf32>
      %max3A_1661 = arith.maximumf %max3A_1652, %get3A_1657 : vector<16xf32>
      %get3A_1662 = arith.constant 5 : i32
      %get3A_1663 = arith.index_cast %get3A_1662 : i32 to index
      %get3A_1664 = arith.constant 112 : index
      %get3A_1665 = tpu.vector_load %arg12[%get3A_1663, %get3A_1664] {strides = array<i32>} : memref<24x128xf32, #tpu.memory_space<vmem>>, vector<1x16xf32>,
      %get3A_1666 = vector.shape_cast %get3A_1665 : vector<1x16xf32> to vector<16xf32>
      %add3A_1667 = arith.addf %add3A_1658, %get3A_1666 : vector<16xf32>
      %mul3A_1668 = arith.mulf %get3A_1666, %get3A_1666 : vector<16xf32>
      %add3A_1669 = arith.addf %add3A_1660, %mul3A_1668 : vector<16xf32>
      %max3A_1670 = arith.maximumf %max3A_1661, %get3A_1666 : vector<16xf32>
      %get3A_1671 = arith.constant 6 : i32
      %get3A_1672 = arith.index_cast %get3A_1671 : i32 to index
      %get3A_1673 = arith.constant 112 : index
      %get3A_1674 = tpu.vector_load %arg12[%get3A_1672, %get3A_1673] {strides = array<i32>} : memref<24x128xf32, #tpu.memory_space<vmem>>, vector<1x16xf32>,
      %get3A_1675 = vector.shape_cast %get3A_1674 : vector<1x16xf32> to vector<16xf32>
      %add3A_1676 = arith.addf %add3A_1667, %get3A_1675 : vector<16xf32>
      %mul3A_1677 = arith.mulf %get3A_1675, %get3A_1675 : vector<16xf32>
      %add3A_1678 = arith.addf %add3A_1669, %mul3A_1677 : vector<16xf32>
      %max3A_1679 = arith.maximumf %max3A_1670, %get3A_1675 : vector<16xf32>
      %get3A_1680 = arith.constant 7 : i32
      %get3A_1681 = arith.index_cast %get3A_1680 : i32 to index
      %get3A_1682 = arith.constant 112 : index
      %get3A_1683 = tpu.vector_load %arg12[%get3A_1681, %get3A_1682] {strides = array<i32>} : memref<24x128xf32, #tpu.memory_space<vmem>>, vector<1x16xf32>,
      %get3A_1684 = vector.shape_cast %get3A_1683 : vector<1x16xf32> to vector<16xf32>
      %add3A_1685 = arith.addf %add3A_1676, %get3A_1684 : vector<16xf32>
      %mul3A_1686 = arith.mulf %get3A_1684, %get3A_1684 : vector<16xf32>
      %add3A_1687 = arith.addf %add3A_1678, %mul3A_1686 : vector<16xf32>
      %max3A_1688 = arith.maximumf %max3A_1679, %get3A_1684 : vector<16xf32>
      %get3A_1689 = arith.constant 8 : i32
      %get3A_1690 = arith.index_cast %get3A_1689 : i32 to index
      %get3A_1691 = arith.constant 112 : index
      %get3A_1692 = tpu.vector_load %arg12[%get3A_1690, %get3A_1691] {strides = array<i32>} : memref<24x128xf32, #tpu.memory_space<vmem>>, vector<1x16xf32>,
      %get3A_1693 = vector.shape_cast %get3A_1692 : vector<1x16xf32> to vector<16xf32>
      %add3A_1694 = arith.addf %add3A_1685, %get3A_1693 : vector<16xf32>
      %mul3A_1695 = arith.mulf %get3A_1693, %get3A_1693 : vector<16xf32>
      %add3A_1696 = arith.addf %add3A_1687, %mul3A_1695 : vector<16xf32>
      %max3A_1697 = arith.maximumf %max3A_1688, %get3A_1693 : vector<16xf32>
      %get3A_1698 = arith.constant 9 : i32
      %get3A_1699 = arith.index_cast %get3A_1698 : i32 to index
      %get3A_1700 = arith.constant 112 : index
      %get3A_1701 = tpu.vector_load %arg12[%get3A_1699, %get3A_1700] {strides = array<i32>} : memref<24x128xf32, #tpu.memory_space<vmem>>, vector<1x16xf32>,
      %get3A_1702 = vector.shape_cast %get3A_1701 : vector<1x16xf32> to vector<16xf32>
      %add3A_1703 = arith.addf %add3A_1694, %get3A_1702 : vector<16xf32>
      %mul3A_1704 = arith.mulf %get3A_1702, %get3A_1702 : vector<16xf32>
      %add3A_1705 = arith.addf %add3A_1696, %mul3A_1704 : vector<16xf32>
      %max3A_1706 = arith.maximumf %max3A_1697, %get3A_1702 : vector<16xf32>
      %get3A_1707 = arith.constant 10 : i32
      %get3A_1708 = arith.index_cast %get3A_1707 : i32 to index
      %get3A_1709 = arith.constant 112 : index
      %get3A_1710 = tpu.vector_load %arg12[%get3A_1708, %get3A_1709] {strides = array<i32>} : memref<24x128xf32, #tpu.memory_space<vmem>>, vector<1x16xf32>,
      %get3A_1711 = vector.shape_cast %get3A_1710 : vector<1x16xf32> to vector<16xf32>
      %add3A_1712 = arith.addf %add3A_1703, %get3A_1711 : vector<16xf32>
      %mul3A_1713 = arith.mulf %get3A_1711, %get3A_1711 : vector<16xf32>
      %add3A_1714 = arith.addf %add3A_1705, %mul3A_1713 : vector<16xf32>
      %max3A_1715 = arith.maximumf %max3A_1706, %get3A_1711 : vector<16xf32>
      %get3A_1716 = arith.constant 11 : i32
      %get3A_1717 = arith.index_cast %get3A_1716 : i32 to index
      %get3A_1718 = arith.constant 112 : index
      %get3A_1719 = tpu.vector_load %arg12[%get3A_1717, %get3A_1718] {strides = array<i32>} : memref<24x128xf32, #tpu.memory_space<vmem>>, vector<1x16xf32>,
      %get3A_1720 = vector.shape_cast %get3A_1719 : vector<1x16xf32> to vector<16xf32>
      %add3A_1721 = arith.addf %add3A_1712, %get3A_1720 : vector<16xf32>
      %mul3A_1722 = arith.mulf %get3A_1720, %get3A_1720 : vector<16xf32>
      %add3A_1723 = arith.addf %add3A_1714, %mul3A_1722 : vector<16xf32>
      %max3A_1724 = arith.maximumf %max3A_1715, %get3A_1720 : vector<16xf32>
      %get3A_1725 = arith.constant 12 : i32
      %get3A_1726 = arith.index_cast %get3A_1725 : i32 to index
      %get3A_1727 = arith.constant 112 : index
      %get3A_1728 = tpu.vector_load %arg12[%get3A_1726, %get3A_1727] {strides = array<i32>} : memref<24x128xf32, #tpu.memory_space<vmem>>, vector<1x16xf32>,
      %get3A_1729 = vector.shape_cast %get3A_1728 : vector<1x16xf32> to vector<16xf32>
      %add3A_1730 = arith.addf %add3A_1721, %get3A_1729 : vector<16xf32>
      %mul3A_1731 = arith.mulf %get3A_1729, %get3A_1729 : vector<16xf32>
      %add3A_1732 = arith.addf %add3A_1723, %mul3A_1731 : vector<16xf32>
      %max3A_1733 = arith.maximumf %max3A_1724, %get3A_1729 : vector<16xf32>
      %get3A_1734 = arith.constant 13 : i32
      %get3A_1735 = arith.index_cast %get3A_1734 : i32 to index
      %get3A_1736 = arith.constant 112 : index
      %get3A_1737 = tpu.vector_load %arg12[%get3A_1735, %get3A_1736] {strides = array<i32>} : memref<24x128xf32, #tpu.memory_space<vmem>>, vector<1x16xf32>,
      %get3A_1738 = vector.shape_cast %get3A_1737 : vector<1x16xf32> to vector<16xf32>
      %add3A_1739 = arith.addf %add3A_1730, %get3A_1738 : vector<16xf32>
      %mul3A_1740 = arith.mulf %get3A_1738, %get3A_1738 : vector<16xf32>
      %add3A_1741 = arith.addf %add3A_1732, %mul3A_1740 : vector<16xf32>
      %max3A_1742 = arith.maximumf %max3A_1733, %get3A_1738 : vector<16xf32>
      %get3A_1743 = arith.constant 14 : i32
      %get3A_1744 = arith.index_cast %get3A_1743 : i32 to index
      %get3A_1745 = arith.constant 112 : index
      %get3A_1746 = tpu.vector_load %arg12[%get3A_1744, %get3A_1745] {strides = array<i32>} : memref<24x128xf32, #tpu.memory_space<vmem>>, vector<1x16xf32>,
      %get3A_1747 = vector.shape_cast %get3A_1746 : vector<1x16xf32> to vector<16xf32>
      %add3A_1748 = arith.addf %add3A_1739, %get3A_1747 : vector<16xf32>
      %mul3A_1749 = arith.mulf %get3A_1747, %get3A_1747 : vector<16xf32>
      %add3A_1750 = arith.addf %add3A_1741, %mul3A_1749 : vector<16xf32>
      %max3A_1751 = arith.maximumf %max3A_1742, %get3A_1747 : vector<16xf32>
      %get3A_1752 = arith.constant 15 : i32
      %get3A_1753 = arith.index_cast %get3A_1752 : i32 to index
      %get3A_1754 = arith.constant 112 : index
      %get3A_1755 = tpu.vector_load %arg12[%get3A_1753, %get3A_1754] {strides = array<i32>} : memref<24x128xf32, #tpu.memory_space<vmem>>, vector<1x16xf32>,
      %get3A_1756 = vector.shape_cast %get3A_1755 : vector<1x16xf32> to vector<16xf32>
      %add3A_1757 = arith.addf %add3A_1748, %get3A_1756 : vector<16xf32>
      %mul3A_1758 = arith.mulf %get3A_1756, %get3A_1756 : vector<16xf32>
      %add3A_1759 = arith.addf %add3A_1750, %mul3A_1758 : vector<16xf32>
      %max3A_1760 = arith.maximumf %max3A_1751, %get3A_1756 : vector<16xf32>
      %get3A_1761 = arith.constant 16 : i32
      %get3A_1762 = arith.index_cast %get3A_1761 : i32 to index
      %get3A_1763 = arith.constant 112 : index
      %get3A_1764 = tpu.vector_load %arg12[%get3A_1762, %get3A_1763] {strides = array<i32>} : memref<24x128xf32, #tpu.memory_space<vmem>>, vector<1x16xf32>,
      %get3A_1765 = vector.shape_cast %get3A_1764 : vector<1x16xf32> to vector<16xf32>
      %add3A_1766 = arith.addf %add3A_1757, %get3A_1765 : vector<16xf32>
      %mul3A_1767 = arith.mulf %get3A_1765, %get3A_1765 : vector<16xf32>
      %add3A_1768 = arith.addf %add3A_1759, %mul3A_1767 : vector<16xf32>
      %max3A_1769 = arith.maximumf %max3A_1760, %get3A_1765 : vector<16xf32>
      %get3A_1770 = arith.constant 17 : i32
      %get3A_1771 = arith.index_cast %get3A_1770 : i32 to index
      %get3A_1772 = arith.constant 112 : index
      %get3A_1773 = tpu.vector_load %arg12[%get3A_1771, %get3A_1772] {strides = array<i32>} : memref<24x128xf32, #tpu.memory_space<vmem>>, vector<1x16xf32>,
      %get3A_1774 = vector.shape_cast %get3A_1773 : vector<1x16xf32> to vector<16xf32>
      %add3A_1775 = arith.addf %add3A_1766, %get3A_1774 : vector<16xf32>
      %mul3A_1776 = arith.mulf %get3A_1774, %get3A_1774 : vector<16xf32>
      %add3A_1777 = arith.addf %add3A_1768, %mul3A_1776 : vector<16xf32>
      %max3A_1778 = arith.maximumf %max3A_1769, %get3A_1774 : vector<16xf32>
      %get3A_1779 = arith.constant 18 : i32
      %get3A_1780 = arith.index_cast %get3A_1779 : i32 to index
      %get3A_1781 = arith.constant 112 : index
      %get3A_1782 = tpu.vector_load %arg12[%get3A_1780, %get3A_1781] {strides = array<i32>} : memref<24x128xf32, #tpu.memory_space<vmem>>, vector<1x16xf32>,
      %get3A_1783 = vector.shape_cast %get3A_1782 : vector<1x16xf32> to vector<16xf32>
      %add3A_1784 = arith.addf %add3A_1775, %get3A_1783 : vector<16xf32>
      %mul3A_1785 = arith.mulf %get3A_1783, %get3A_1783 : vector<16xf32>
      %add3A_1786 = arith.addf %add3A_1777, %mul3A_1785 : vector<16xf32>
      %max3A_1787 = arith.maximumf %max3A_1778, %get3A_1783 : vector<16xf32>
      %get3A_1788 = arith.constant 19 : i32
      %get3A_1789 = arith.index_cast %get3A_1788 : i32 to index
      %get3A_1790 = arith.constant 112 : index
      %get3A_1791 = tpu.vector_load %arg12[%get3A_1789, %get3A_1790] {strides = array<i32>} : memref<24x128xf32, #tpu.memory_space<vmem>>, vector<1x16xf32>,
      %get3A_1792 = vector.shape_cast %get3A_1791 : vector<1x16xf32> to vector<16xf32>
      %add3A_1793 = arith.addf %add3A_1784, %get3A_1792 : vector<16xf32>
      %mul3A_1794 = arith.mulf %get3A_1792, %get3A_1792 : vector<16xf32>
      %add3A_1795 = arith.addf %add3A_1786, %mul3A_1794 : vector<16xf32>
      %max3A_1796 = arith.maximumf %max3A_1787, %get3A_1792 : vector<16xf32>
      %get3A_1797 = arith.constant 20 : i32
      %get3A_1798 = arith.index_cast %get3A_1797 : i32 to index
      %get3A_1799 = arith.constant 112 : index
      %get3A_1800 = tpu.vector_load %arg12[%get3A_1798, %get3A_1799] {strides = array<i32>} : memref<24x128xf32, #tpu.memory_space<vmem>>, vector<1x16xf32>,
      %get3A_1801 = vector.shape_cast %get3A_1800 : vector<1x16xf32> to vector<16xf32>
      %add3A_1802 = arith.addf %add3A_1793, %get3A_1801 : vector<16xf32>
      %mul3A_1803 = arith.mulf %get3A_1801, %get3A_1801 : vector<16xf32>
      %add3A_1804 = arith.addf %add3A_1795, %mul3A_1803 : vector<16xf32>
      %max3A_1805 = arith.maximumf %max3A_1796, %get3A_1801 : vector<16xf32>
      %get3A_1806 = arith.constant 21 : i32
      %get3A_1807 = arith.index_cast %get3A_1806 : i32 to index
      %get3A_1808 = arith.constant 112 : index
      %get3A_1809 = tpu.vector_load %arg12[%get3A_1807, %get3A_1808] {strides = array<i32>} : memref<24x128xf32, #tpu.memory_space<vmem>>, vector<1x16xf32>,
      %get3A_1810 = vector.shape_cast %get3A_1809 : vector<1x16xf32> to vector<16xf32>
      %add3A_1811 = arith.addf %add3A_1802, %get3A_1810 : vector<16xf32>
      %mul3A_1812 = arith.mulf %get3A_1810, %get3A_1810 : vector<16xf32>
      %add3A_1813 = arith.addf %add3A_1804, %mul3A_1812 : vector<16xf32>
      %max3A_1814 = arith.maximumf %max3A_1805, %get3A_1810 : vector<16xf32>
      %get3A_1815 = arith.constant 22 : i32
      %get3A_1816 = arith.index_cast %get3A_1815 : i32 to index
      %get3A_1817 = arith.constant 112 : index
      %get3A_1818 = tpu.vector_load %arg12[%get3A_1816, %get3A_1817] {strides = array<i32>} : memref<24x128xf32, #tpu.memory_space<vmem>>, vector<1x16xf32>,
      %get3A_1819 = vector.shape_cast %get3A_1818 : vector<1x16xf32> to vector<16xf32>
      %add3A_1820 = arith.addf %add3A_1811, %get3A_1819 : vector<16xf32>
      %mul3A_1821 = arith.mulf %get3A_1819, %get3A_1819 : vector<16xf32>
      %add3A_1822 = arith.addf %add3A_1813, %mul3A_1821 : vector<16xf32>
      %max3A_1823 = arith.maximumf %max3A_1814, %get3A_1819 : vector<16xf32>
      %get3A_1824 = arith.constant 23 : i32
      %get3A_1825 = arith.index_cast %get3A_1824 : i32 to index
      %get3A_1826 = arith.constant 112 : index
      %get3A_1827 = tpu.vector_load %arg12[%get3A_1825, %get3A_1826] {strides = array<i32>} : memref<24x128xf32, #tpu.memory_space<vmem>>, vector<1x16xf32>,
      %get3A_1828 = vector.shape_cast %get3A_1827 : vector<1x16xf32> to vector<16xf32>
      %add3A_1829 = arith.addf %add3A_1820, %get3A_1828 : vector<16xf32>
      %mul3A_1830 = arith.mulf %get3A_1828, %get3A_1828 : vector<16xf32>
      %add3A_1831 = arith.addf %add3A_1822, %mul3A_1830 : vector<16xf32>
      %max3A_1832 = arith.maximumf %max3A_1823, %get3A_1828 : vector<16xf32>
      %swap3A_1833 = arith.index_cast %scan3A_15 : i32 to index
      %swap3A_1834 = arith.constant 112 : index
      %swap3A_1835 = tpu.vector_load %arg13[%swap3A_1833, %swap3A_1834] {strides = array<i32>} : memref<128x128xf32, #tpu.memory_space<vmem>>, vector<1x16xf32>,
      %swap3A_1836 = vector.shape_cast %swap3A_1835 : vector<1x16xf32> to vector<16xf32>
      %swap3A_1837 = vector.shape_cast %add3A_1829 : vector<16xf32> to vector<1x16xf32>
      tpu.vector_store %arg13[%swap3A_1833, %swap3A_1834], %swap3A_1837 {strides = array<i32>} : memref<128x128xf32, #tpu.memory_space<vmem>>, vector<1x16xf32>,
      %swap3A_1838 = arith.index_cast %scan3A_15 : i32 to index
      %swap3A_1839 = arith.constant 112 : index
      %swap3A_1840 = tpu.vector_load %arg14[%swap3A_1838, %swap3A_1839] {strides = array<i32>} : memref<128x128xf32, #tpu.memory_space<vmem>>, vector<1x16xf32>,
      %swap3A_1841 = vector.shape_cast %swap3A_1840 : vector<1x16xf32> to vector<16xf32>
      %swap3A_1842 = vector.shape_cast %add3A_1831 : vector<16xf32> to vector<1x16xf32>
      tpu.vector_store %arg14[%swap3A_1838, %swap3A_1839], %swap3A_1842 {strides = array<i32>} : memref<128x128xf32, #tpu.memory_space<vmem>>, vector<1x16xf32>,
      %swap3A_1843 = arith.index_cast %scan3A_15 : i32 to index
      %swap3A_1844 = arith.constant 112 : index
      %swap3A_1845 = tpu.vector_load %arg15[%swap3A_1843, %swap3A_1844] {strides = array<i32>} : memref<128x128xf32, #tpu.memory_space<vmem>>, vector<1x16xf32>,
      %swap3A_1846 = vector.shape_cast %swap3A_1845 : vector<1x16xf32> to vector<16xf32>
      %swap3A_1847 = vector.shape_cast %max3A_1832 : vector<16xf32> to vector<1x16xf32>
      tpu.vector_store %arg15[%swap3A_1843, %swap3A_1844], %swap3A_1847 {strides = array<i32>} : memref<128x128xf32, #tpu.memory_space<vmem>>, vector<1x16xf32>,
      %scan3A_1848 = arith.constant 0 : i32
      scf.yield %scan3A_1848 : i32
    }
    %scan3A_14 = arith.constant 128 : i32
    "tpu.region"() ({
      %run_scoped3A = tpu.sem_alloc : memref<!tpu.dma_semaphore, #tpu.memory_space<semaphore_mem>>
      %dma_start3A_15 = arith.constant 0 : i32
      %dma_start3A_16 = tpu.memref_slice %arg6[%mul3A_2, %dma_start3A_15] : memref<4096x128xf32, #tpu.memory_space<hbm>> -> memref<128x128xf32, #tpu.memory_space<hbm>>
      %dma_start3A_17 = arith.constant 0 : i32
      %dma_start3A_18 = tpu.memref_slice %arg6[%mul3A_2, %dma_start3A_17] : memref<4096x128xf32, #tpu.memory_space<hbm>> -> memref<128x128xf32, #tpu.memory_space<hbm>>
      tpu.enqueue_dma source(%arg13 : memref<128x128xf32, #tpu.memory_space<vmem>>) target(%dma_start3A_18 : memref<128x128xf32, #tpu.memory_space<hbm>>) target_semaphore(%run_scoped3A : memref<!tpu.dma_semaphore, #tpu.memory_space<semaphore_mem>>)
      %dma_wait3A_19 = arith.constant 0 : i32
      %dma_wait3A_20 = tpu.memref_slice %arg6[%mul3A_2, %dma_wait3A_19] : memref<4096x128xf32, #tpu.memory_space<hbm>> -> memref<128x128xf32, #tpu.memory_space<hbm>>
      %dma_wait3A_21 = arith.constant 0 : i32
      %dma_wait3A_22 = tpu.memref_slice %arg6[%mul3A_2, %dma_wait3A_21] : memref<4096x128xf32, #tpu.memory_space<hbm>> -> memref<128x128xf32, #tpu.memory_space<hbm>>
      tpu.wait_dma2 semaphore(%run_scoped3A : memref<!tpu.dma_semaphore, #tpu.memory_space<semaphore_mem>>) src(%arg13 : memref<128x128xf32, #tpu.memory_space<vmem>>) dst(%dma_wait3A_22 : memref<128x128xf32, #tpu.memory_space<hbm>>)
      tpu.yield
    }) : () -> ()
    "tpu.region"() ({
      %run_scoped3A = tpu.sem_alloc : memref<!tpu.dma_semaphore, #tpu.memory_space<semaphore_mem>>
      %dma_start3A_15 = arith.constant 0 : i32
      %dma_start3A_16 = tpu.memref_slice %arg7[%mul3A_2, %dma_start3A_15] : memref<4096x128xf32, #tpu.memory_space<hbm>> -> memref<128x128xf32, #tpu.memory_space<hbm>>
      %dma_start3A_17 = arith.constant 0 : i32
      %dma_start3A_18 = tpu.memref_slice %arg7[%mul3A_2, %dma_start3A_17] : memref<4096x128xf32, #tpu.memory_space<hbm>> -> memref<128x128xf32, #tpu.memory_space<hbm>>
      tpu.enqueue_dma source(%arg14 : memref<128x128xf32, #tpu.memory_space<vmem>>) target(%dma_start3A_18 : memref<128x128xf32, #tpu.memory_space<hbm>>) target_semaphore(%run_scoped3A : memref<!tpu.dma_semaphore, #tpu.memory_space<semaphore_mem>>)
      %dma_wait3A_19 = arith.constant 0 : i32
      %dma_wait3A_20 = tpu.memref_slice %arg7[%mul3A_2, %dma_wait3A_19] : memref<4096x128xf32, #tpu.memory_space<hbm>> -> memref<128x128xf32, #tpu.memory_space<hbm>>
      %dma_wait3A_21 = arith.constant 0 : i32
      %dma_wait3A_22 = tpu.memref_slice %arg7[%mul3A_2, %dma_wait3A_21] : memref<4096x128xf32, #tpu.memory_space<hbm>> -> memref<128x128xf32, #tpu.memory_space<hbm>>
      tpu.wait_dma2 semaphore(%run_scoped3A : memref<!tpu.dma_semaphore, #tpu.memory_space<semaphore_mem>>) src(%arg14 : memref<128x128xf32, #tpu.memory_space<vmem>>) dst(%dma_wait3A_22 : memref<128x128xf32, #tpu.memory_space<hbm>>)
      tpu.yield
    }) : () -> ()
    "tpu.region"() ({
      %run_scoped3A = tpu.sem_alloc : memref<!tpu.dma_semaphore, #tpu.memory_space<semaphore_mem>>
      %dma_start3A_15 = arith.constant 0 : i32
      %dma_start3A_16 = tpu.memref_slice %arg8[%mul3A_2, %dma_start3A_15] : memref<4096x128xf32, #tpu.memory_space<hbm>> -> memref<128x128xf32, #tpu.memory_space<hbm>>
      %dma_start3A_17 = arith.constant 0 : i32
      %dma_start3A_18 = tpu.memref_slice %arg8[%mul3A_2, %dma_start3A_17] : memref<4096x128xf32, #tpu.memory_space<hbm>> -> memref<128x128xf32, #tpu.memory_space<hbm>>
      tpu.enqueue_dma source(%arg15 : memref<128x128xf32, #tpu.memory_space<vmem>>) target(%dma_start3A_18 : memref<128x128xf32, #tpu.memory_space<hbm>>) target_semaphore(%run_scoped3A : memref<!tpu.dma_semaphore, #tpu.memory_space<semaphore_mem>>)
      %dma_wait3A_19 = arith.constant 0 : i32
      %dma_wait3A_20 = tpu.memref_slice %arg8[%mul3A_2, %dma_wait3A_19] : memref<4096x128xf32, #tpu.memory_space<hbm>> -> memref<128x128xf32, #tpu.memory_space<hbm>>
      %dma_wait3A_21 = arith.constant 0 : i32
      %dma_wait3A_22 = tpu.memref_slice %arg8[%mul3A_2, %dma_wait3A_21] : memref<4096x128xf32, #tpu.memory_space<hbm>> -> memref<128x128xf32, #tpu.memory_space<hbm>>
      tpu.wait_dma2 semaphore(%run_scoped3A : memref<!tpu.dma_semaphore, #tpu.memory_space<semaphore_mem>>) src(%arg15 : memref<128x128xf32, #tpu.memory_space<vmem>>) dst(%dma_wait3A_22 : memref<128x128xf32, #tpu.memory_space<hbm>>)
      tpu.yield
    }) : () -> ()
    "tpu.region"() ({
      %run_scoped3A = tpu.sem_alloc : memref<!tpu.dma_semaphore, #tpu.memory_space<semaphore_mem>>
      %dma_start3A_15 = arith.constant 0 : i32
      %dma_start3A_16 = tpu.memref_slice %arg9[%mul3A_2, %dma_start3A_15] : memref<4096x128xf32, #tpu.memory_space<hbm>> -> memref<128x128xf32, #tpu.memory_space<hbm>>
      %dma_start3A_17 = arith.constant 0 : i32
      %dma_start3A_18 = tpu.memref_slice %arg9[%mul3A_2, %dma_start3A_17] : memref<4096x128xf32, #tpu.memory_space<hbm>> -> memref<128x128xf32, #tpu.memory_space<hbm>>
      tpu.enqueue_dma source(%arg16 : memref<128x128xf32, #tpu.memory_space<vmem>>) target(%dma_start3A_18 : memref<128x128xf32, #tpu.memory_space<hbm>>) target_semaphore(%run_scoped3A : memref<!tpu.dma_semaphore, #tpu.memory_space<semaphore_mem>>)
      %dma_wait3A_19 = arith.constant 0 : i32
      %dma_wait3A_20 = tpu.memref_slice %arg9[%mul3A_2, %dma_wait3A_19] : memref<4096x128xf32, #tpu.memory_space<hbm>> -> memref<128x128xf32, #tpu.memory_space<hbm>>
      %dma_wait3A_21 = arith.constant 0 : i32
      %dma_wait3A_22 = tpu.memref_slice %arg9[%mul3A_2, %dma_wait3A_21] : memref<4096x128xf32, #tpu.memory_space<hbm>> -> memref<128x128xf32, #tpu.memory_space<hbm>>
      tpu.wait_dma2 semaphore(%run_scoped3A : memref<!tpu.dma_semaphore, #tpu.memory_space<semaphore_mem>>) src(%arg16 : memref<128x128xf32, #tpu.memory_space<vmem>>) dst(%dma_wait3A_22 : memref<128x128xf32, #tpu.memory_space<hbm>>)
      tpu.yield
    }) : () -> ()
    return
  }
}

module attributes {stable_mosaic.version = 14 : i64} {
  func.func @_fps_body(%arg0: memref<24x2048xf32, #tpu.memory_space<vmem>>, %arg1: memref<8x512xi32, #tpu.memory_space<vmem>>) attributes {dimension_semantics = [], scalar_prefetch = 0 : i64, scratch_operands = 0 : i64, tpu.core_type = #tpu.core_type<tc>} {
    %iota3A = tpu.iota {dimensions = array<i32: 1>} : vector<8x2048xi32>
    %iota3A_0 = tpu.iota {dimensions = array<i32: 1>} : vector<8x512xi32>
    %iota3A_1 = tpu.iota {dimensions = array<i32: 1>} : vector<24x2048xi32>
    %get3A = arith.constant 0 : index
    %get3A_2 = arith.constant 0 : index
    %get3A_3 = vector.load %arg0[%get3A, %get3A_2] : memref<24x2048xf32, #tpu.memory_space<vmem>>, vector<24x2048xf32>
    %broadcast_in_dim3A = arith.constant 1.000000e+10 : f32
    %broadcast_in_dim3A_4 = vector.broadcast %broadcast_in_dim3A : f32 to vector<8x2048xf32>
    %broadcast_in_dim3A_5 = arith.constant 0 : i32
    %broadcast_in_dim3A_6 = vector.broadcast %broadcast_in_dim3A_5 : i32 to vector<8x1xi32>
    %broadcast_in_dim3A_7 = arith.constant 0 : i32
    %broadcast_in_dim3A_8 = vector.broadcast %broadcast_in_dim3A_7 : i32 to vector<8x512xi32>
    %swap3A = arith.constant 0 : index
    %swap3A_9 = arith.constant 0 : index
    %swap3A_10 = vector.load %arg1[%swap3A, %swap3A_9] : memref<8x512xi32, #tpu.memory_space<vmem>>, vector<8x512xi32>
    tpu.vector_store %arg1[%swap3A, %swap3A_9], %broadcast_in_dim3A_8 {strides = array<i32>} : memref<8x512xi32, #tpu.memory_space<vmem>>, vector<8x512xi32>,
    %scan3A = arith.constant 0 : i32
    %scan3A_11 = arith.constant 512 : i32
    %scan3A_12 = arith.addi %scan3A, %scan3A_11 : i32
    %scan3A_13 = arith.constant 1 : i32
    %scan3A_14:2 = scf.for %scan3A_16 = %scan3A to %scan3A_12 step %scan3A_13 iter_args(%scan3A_17 = %broadcast_in_dim3A_4, %scan3A_18 = %broadcast_in_dim3A_6) -> (vector<8x2048xf32>, vector<8x1xi32>)  : i32 {
      %get3A_19 = arith.constant 0 : index
      %get3A_20 = arith.constant 0 : index
      %get3A_21 = vector.load %arg1[%get3A_19, %get3A_20] : memref<8x512xi32, #tpu.memory_space<vmem>>, vector<8x512xi32>
      %eq3A = vector.broadcast %scan3A_16 : i32 to vector<8x512xi32>
      %eq3A_22 = arith.cmpi eq, %iota3A_0, %eq3A : vector<8x512xi32>
      %convert_element_type3A = arith.extui %eq3A_22 : vector<8x512xi1> to vector<8x512xi32>
      %mul3A = vector.broadcast %scan3A_18 : vector<8x1xi32> to vector<8x512xi32>
      %mul3A_23 = arith.muli %convert_element_type3A, %mul3A : vector<8x512xi32>
      %add3A = arith.addi %get3A_21, %mul3A_23 : vector<8x512xi32>
      %swap3A_24 = arith.constant 0 : index
      %swap3A_25 = arith.constant 0 : index
      %swap3A_26 = vector.load %arg1[%swap3A_24, %swap3A_25] : memref<8x512xi32, #tpu.memory_space<vmem>>, vector<8x512xi32>
      tpu.vector_store %arg1[%swap3A_24, %swap3A_25], %add3A {strides = array<i32>} : memref<8x512xi32, #tpu.memory_space<vmem>>, vector<8x512xi32>,
      %concatenate3A = tpu.concatenate %scan3A_18, %scan3A_18, %scan3A_18 in 0 : vector<8x1xi32>, vector<8x1xi32>, vector<8x1xi32> -> vector<24x1xi32>
      %eq3A_27 = vector.broadcast %concatenate3A : vector<24x1xi32> to vector<24x2048xi32>
      %eq3A_28 = arith.cmpi eq, %iota3A_1, %eq3A_27 : vector<24x2048xi32>
      %jit3A = arith.constant 0.000000e+00 : f32
      %broadcast_in_dim3A_29 = vector.broadcast %jit3A : f32 to vector<24x2048xf32>
      %select_n3A = arith.select %eq3A_28, %get3A_3, %broadcast_in_dim3A_29 : vector<24x2048xi1>, vector<24x2048xf32>
      %reduce_sum3A = arith.constant dense<0.000000e+00> : vector<24xf32>
      %reduce_sum3A_30 = vector.multi_reduction <add>, %select_n3A, %reduce_sum3A [1] : vector<24x2048xf32> to vector<24xf32>
      %broadcast_in_dim3A_31 = vector.shape_cast %reduce_sum3A_30 : vector<24xf32> to vector<24x1xf32>
      %sub3A = vector.broadcast %broadcast_in_dim3A_31 : vector<24x1xf32> to vector<24x2048xf32>
      %sub3A_32 = arith.subf %get3A_3, %sub3A : vector<24x2048xf32>
      %mul3A_33 = arith.mulf %sub3A_32, %sub3A_32 : vector<24x2048xf32>
      %slice3A = vector.extract_strided_slice %mul3A_33 {offsets = [0, 0], sizes = [8, 2048], strides = [1, 1]} : vector<24x2048xf32> to vector<8x2048xf32>
      %slice3A_34 = vector.extract_strided_slice %mul3A_33 {offsets = [8, 0], sizes = [8, 2048], strides = [1, 1]} : vector<24x2048xf32> to vector<8x2048xf32>
      %add3A_35 = arith.addf %slice3A, %slice3A_34 : vector<8x2048xf32>
      %slice3A_36 = vector.extract_strided_slice %mul3A_33 {offsets = [16, 0], sizes = [8, 2048], strides = [1, 1]} : vector<24x2048xf32> to vector<8x2048xf32>
      %add3A_37 = arith.addf %add3A_35, %slice3A_36 : vector<8x2048xf32>
      %min3A = arith.minimumf %scan3A_17, %add3A_37 : vector<8x2048xf32>
      %reduce_max3A = arith.constant dense<0xFF800000> : vector<8xf32>
      %reduce_max3A_38 = vector.multi_reduction <maximumf>, %min3A, %reduce_max3A [1] : vector<8x2048xf32> to vector<8xf32>
      %broadcast_in_dim3A_39 = vector.shape_cast %reduce_max3A_38 : vector<8xf32> to vector<8x1xf32>
      %eq3A_40 = vector.broadcast %broadcast_in_dim3A_39 : vector<8x1xf32> to vector<8x2048xf32>
      %eq3A_41 = arith.cmpf oeq, %min3A, %eq3A_40 : vector<8x2048xf32>
      %jit3A_42 = arith.constant 2048 : i32
      %broadcast_in_dim3A_43 = vector.broadcast %jit3A_42 : i32 to vector<8x2048xi32>
      %select_n3A_44 = arith.select %eq3A_41, %iota3A, %broadcast_in_dim3A_43 : vector<8x2048xi1>, vector<8x2048xi32>
      %reduce_min3A = arith.constant dense<2147483647> : vector<8xi32>
      %reduce_min3A_45 = vector.multi_reduction <minsi>, %select_n3A_44, %reduce_min3A [1] : vector<8x2048xi32> to vector<8xi32>
      %broadcast_in_dim3A_46 = vector.shape_cast %reduce_min3A_45 : vector<8xi32> to vector<8x1xi32>
      scf.yield %min3A, %broadcast_in_dim3A_46 : vector<8x2048xf32>, vector<8x1xi32>
    }
    %scan3A_15 = arith.constant 512 : i32
    return
  }
}

module attributes {stable_mosaic.version = 14 : i64} {
  func.func @_knn_body(%arg0: i32, %arg1: i32, %arg2: memref<1x512x2048xf32, #tpu.memory_space<vmem>>, %arg3: memref<1x512x128xi32, #tpu.memory_space<vmem>>) attributes {dimension_semantics = [#tpu.dimension_semantics<arbitrary>, #tpu.dimension_semantics<arbitrary>], iteration_bounds = array<i64: 8, 1>, scalar_prefetch = 0 : i64, scratch_operands = 0 : i64, tpu.core_type = #tpu.core_type<tc>, window_params = [{transform_indices = @transform_0, window_bounds = array<i64: 1, 512, 2048>}, {transform_indices = @transform_1, window_bounds = array<i64: 1, 512, 128>}]} {
    %get3A = arith.constant 0 : index
    %get3A_0 = arith.constant 0 : index
    %get3A_1 = arith.constant 0 : index
    %get3A_2 = vector.load %arg2[%get3A, %get3A_0, %get3A_1] : memref<1x512x2048xf32, #tpu.memory_space<vmem>>, vector<1x512x2048xf32>
    %get3A_3 = vector.shape_cast %get3A_2 : vector<1x512x2048xf32> to vector<512x2048xf32>
    %iota3A = tpu.iota {dimensions = array<i32: 1>} : vector<512x2048xi32>
    %iota3A_4 = tpu.iota {dimensions = array<i32: 1>} : vector<512x128xi32>
    %broadcast_in_dim3A = arith.constant 0 : i32
    %broadcast_in_dim3A_5 = vector.broadcast %broadcast_in_dim3A : i32 to vector<512x128xi32>
    %scan3A = arith.constant 0 : i32
    %scan3A_6 = arith.constant 24 : i32
    %scan3A_7 = arith.addi %scan3A, %scan3A_6 : i32
    %scan3A_8 = arith.constant 1 : i32
    %scan3A_9:2 = scf.for %scan3A_16 = %scan3A to %scan3A_7 step %scan3A_8 iter_args(%scan3A_17 = %get3A_3, %scan3A_18 = %broadcast_in_dim3A_5) -> (vector<512x2048xf32>, vector<512x128xi32>)  : i32 {
      %reduce_min3A = arith.constant dense<0x7F800000> : vector<512xf32>
      %reduce_min3A_19 = vector.multi_reduction <minimumf>, %scan3A_17, %reduce_min3A [1] : vector<512x2048xf32> to vector<512xf32>
      %broadcast_in_dim3A_20 = vector.shape_cast %reduce_min3A_19 : vector<512xf32> to vector<512x1xf32>
      %eq3A = vector.broadcast %broadcast_in_dim3A_20 : vector<512x1xf32> to vector<512x2048xf32>
      %eq3A_21 = arith.cmpf oeq, %scan3A_17, %eq3A : vector<512x2048xf32>
      %jit3A = arith.constant 2048 : i32
      %broadcast_in_dim3A_22 = vector.broadcast %jit3A : i32 to vector<512x2048xi32>
      %select_n3A = arith.select %eq3A_21, %iota3A, %broadcast_in_dim3A_22 : vector<512x2048xi1>, vector<512x2048xi32>
      %reduce_min3A_23 = arith.constant dense<2147483647> : vector<512xi32>
      %reduce_min3A_24 = vector.multi_reduction <minsi>, %select_n3A, %reduce_min3A_23 [1] : vector<512x2048xi32> to vector<512xi32>
      %broadcast_in_dim3A_25 = vector.shape_cast %reduce_min3A_24 : vector<512xi32> to vector<512x1xi32>
      %eq3A_26 = vector.broadcast %scan3A_16 : i32 to vector<512x128xi32>
      %eq3A_27 = arith.cmpi eq, %iota3A_4, %eq3A_26 : vector<512x128xi32>
      %broadcast_in_dim3A_28 = vector.shape_cast %broadcast_in_dim3A_25 : vector<512x1xi32> to vector<512x1xi32>
      %broadcast_in_dim3A_29 = vector.broadcast %broadcast_in_dim3A_28 : vector<512x1xi32> to vector<512x128xi32>
      %select_n3A_30 = arith.select %eq3A_27, %broadcast_in_dim3A_29, %scan3A_18 : vector<512x128xi1>, vector<512x128xi32>
      %eq3A_31 = vector.broadcast %broadcast_in_dim3A_25 : vector<512x1xi32> to vector<512x2048xi32>
      %eq3A_32 = arith.cmpi eq, %iota3A, %eq3A_31 : vector<512x2048xi32>
      %jit3A_33 = arith.constant 0x7F800000 : f32
      %broadcast_in_dim3A_34 = vector.broadcast %jit3A_33 : f32 to vector<512x2048xf32>
      %select_n3A_35 = arith.select %eq3A_32, %broadcast_in_dim3A_34, %scan3A_17 : vector<512x2048xi1>, vector<512x2048xf32>
      scf.yield %select_n3A_35, %select_n3A_30 : vector<512x2048xf32>, vector<512x128xi32>
    }
    %scan3A_10 = arith.constant 24 : i32
    %swap3A = arith.constant 0 : index
    %swap3A_11 = arith.constant 0 : index
    %swap3A_12 = arith.constant 0 : index
    %swap3A_13 = vector.load %arg3[%swap3A, %swap3A_11, %swap3A_12] : memref<1x512x128xi32, #tpu.memory_space<vmem>>, vector<1x512x128xi32>
    %swap3A_14 = vector.shape_cast %swap3A_13 : vector<1x512x128xi32> to vector<512x128xi32>
    %swap3A_15 = vector.shape_cast %scan3A_9#1 : vector<512x128xi32> to vector<1x512x128xi32>
    tpu.vector_store %arg3[%swap3A, %swap3A_11, %swap3A_12], %swap3A_15 {strides = array<i32>} : memref<1x512x128xi32, #tpu.memory_space<vmem>>, vector<1x512x128xi32>,
    return
  }
  func.func @transform_0(%arg0: i32, %arg1: i32) -> (i32, i32, i32) {
    %c0_i32 = arith.constant 0 : i32
    %c0_i32_0 = arith.constant 0 : i32
    return %arg0, %arg1, %c0_i32 : i32, i32, i32
  }
  func.func @transform_1(%arg0: i32, %arg1: i32) -> (i32, i32, i32) {
    %c0_i32 = arith.constant 0 : i32
    %c0_i32_0 = arith.constant 0 : i32
    return %arg0, %arg1, %c0_i32 : i32, i32, i32
  }
}

</mosaic_0001>

<sc_bundles>
// kernel: gather_offload_async_start
scs
__scs_entry_jumppad:
0x0: {  	(pc) =	sbr.rel $0x88, $3  }
0x1: {  	(tag) =	ssettag $0x0;
	lr =	simm.s32 $0x1  }
0x2: {  	[smem:$0x3F9C] =	sst lr;
	_ =	strace $0xD0000000  }
0x3: {  	_ = 	snop  }
0x4: {  	_ = 	snop  }
0x5: {  	_ = 	snop  }
0x6: {  	_ = 	snop  }
0x7: {  	_ = 	snop  }
__scs_overlays_trampoline_lowered:
0x8: {  	[smem:$0x3FAB] =	sst s0  }
0x9: {  	[smem:$0x3FAC] =	sst s1  }
0xa: {  	[smem:$0x3FAD] =	sst s2  }
0xb: {  	[smem:$0x3FAE] =	sst s3  }
0xc: {  	[smem:$0x3FAF] =	sst s4  }
0xd: {  	[smem:$0x3FB0] =	sst s5  }
0xe: {  	[smem:$0x3FB1] =	sst s6  }
0xf: {  	[smem:$0x3FB2] =	sst s7  }
0x10: {  	[smem:$0x3FB3] =	sst s8  }
0x11: {  	[smem:$0x3FB4] =	sst s9;
	s0 =	simm.s32 @!p0 $0x0  }
0x12: {  	s1 =	sld [smem:$0x3F9A];
	s0 =	simm.s32 @p0 $0x1  }
0x13: {  	[smem:$0x3FB5] =	sst s0;
	s0 =	simm.s32 @!p1 $0x0  }
0x14: {  	s2 =	sld [smem:$0x3F99];
	s0 =	simm.s32 @p1 $0x1  }
0x15: {  	[smem:$0x3FB6] =	sst s0;
	s0 =	simm.s32 @!p2 $0x0  }
0x16: {  	s3 =	sld [smem:$0x3FDB];
	s0 =	simm.s32 @p2 $0x1  }
0x17: {  	s4 =	simm.s32 $0x1BF5;
	[smem:$0x3FB8] =	sst s0  }
0x18: {  	s0 =	sld [smem:$0x3F9B];
	_ =	swait.ge [sflag:s4], $0x0  }
0x19: {  	s7 =	sld [smem:$0x3F9C]  }
0x1a: {  	s8 =	sadd.s32 $0xFFFFE003, lr  }
0x1b: {  	s9 =	sadd.s32 $0xFFFFFEF7, lr;
	s5 =	simm.s32 $0xFFFFFFFF;
	p2 =	slt.u32 s8, $0xFFFFF086  }
0x1c: {  	p1 =	slt.u32 s9, $0xF7A;
	s5 =	simm.s32 @!p2 $0x0  }
0x1d: {  	s5 =	simm.s32 @p1 $0x1;
	p0 =	seq.s32 s7, s2  }
0x1e: {  	s7 =	smul.u32 @!p0 $0xF7A, s2;
	p2 =	seq.s32 @!p0 s5, $0x0  }
0x1f: {  	s9 =	smul.u32 $0xF7A, s1;
	s8 =	simm.s32 @!p0 $0x1BF5;
	p2 =	por !p2, p0  }
0x20: {  	[sflag:s8] =	ssyncset.s32 @!p0 $0xFFFFF086;
	s6 =	sadd.s32 @!p0 s3, s7;
	s7 =	simm.s32 @!p0 $0x108  }
0x21: {  	s3 =	sadd.s32 s3, s9;
	s6 =	sadd.s32 @!p0 $0x88, s6;
	s7 =	simm.s32 @p2 $0x1082  }
0x22: {  	[simem:s7], [sflag:s8] =	dma.local @!p0 [hbm:s6], $0xF7A  }
0x23: {  	s9 =	sor.u32 $0xD0000000, s2;
	s6 =	simm.s32 $0x108;
	_ =	swait.ge @!p0 [sflag:s8], $0x0  }
0x24: {  	s3 =	sadd.s32 $0x88, s3;
	s6 =	simm.s32 @!p1 $0x1082;
	[sflag:s4] =	ssyncset.s32 $0xFFFFF086  }
0x25: {  	[simem:s6], [sflag:s4] =	dma.local [hbm:s3], $0xF7A  }
0x26: {  	[smem:$0x3F9C] =	sst s1;
	(tag) =	ssettag s2;
	_ =	strace s9  }
0x27: {  	s1 =	sld [smem:$0x3FAC]  }
0x28: {  	s2 =	sld [smem:$0x3FAD]  }
0x29: {  	s4 =	sld [smem:$0x3FAF]  }
0x2a: {  	p0 =	seq.s32 s5, $0x0;
	s5 =	sld [smem:$0x3FB0]  }
0x2b: {  	s6 =	sld [smem:$0x3FB1]  }
0x2c: {  	s7 =	sld [smem:$0x3FB2]  }
0x2d: {  	s3 =	simm.s32 $0x108;
	s8 =	sld [smem:$0x3FB3]  }
0x2e: {  	s3 =	simm.s32 @!p0 $0x1082;
	s9 =	sld [smem:$0x3FB4]  }
0x2f: {  	lr =	sadd.s32 s0, s3;
	s0 =	sld [smem:$0x3FAB]  }
0x30: {  	s3 =	sld [smem:$0x3FAE]  }
0x31: {  	[smem:$0x3FB7] =	sst s10  }
0x32: {  	s10 =	sld [smem:$0x3FB5];
	_ =	sdelay $0x3  }
0x33: {  	p0 =	seq.s32 s10, $0x1;
	s10 =	sld [smem:$0x3FB7];
	_ =	sdelay $0x3  }
0x34: {  	[smem:$0x3FB7] =	sst s10  }
0x35: {  	s10 =	sld [smem:$0x3FB6];
	_ =	sdelay $0x3  }
0x36: {  	p1 =	seq.s32 s10, $0x1;
	s10 =	sld [smem:$0x3FB7];
	_ =	sdelay $0x3  }
0x37: {  	[smem:$0x3FB7] =	sst s10  }
0x38: {  	s10 =	sld [smem:$0x3FB8]  }
0x39: {  	_ = 	snop;
	(pc) =	sbr.ind lr, $3  }
0x3a: {  	_ = 	snop  }
0x3b: {  	_ = 	snop  }
0x3c: {  	p2 =	seq.s32 s10, $0x1;
	s10 =	sld [smem:$0x3FB7]  }
0x3d: {  	_ =	shalt  }
0x3e: {  	_ =	shalt  }
0x3f: {  	_ =	shalt  }
0x40: {  	_ =	shalt  }
0x41: {  	_ =	shalt  }
0x42: {  	_ =	shalt  }
0x43: {  	_ =	shalt  }
0x44: {  	_ =	shalt  }
0x45: {  	_ =	shalt  }
0x46: {  	_ =	shalt  }
0x47: {  	_ =	shalt  }
0x48: {  	_ =	shalt  }
0x49: {  	_ =	shalt  }
0x4a: {  	_ =	shalt  }
0x4b: {  	_ =	shalt  }
0x4c: {  	_ =	shalt  }
0x4d: {  	_ =	shalt  }
0x4e: {  	_ =	shalt  }
0x4f: {  	_ =	shalt  }
0x50: {  	_ =	shalt  }
0x51: {  	_ =	shalt  }
0x52: {  	_ =	shalt  }
0x53: {  	_ =	shalt  }
0x54: {  	_ =	shalt  }
0x55: {  	_ =	shalt  }
0x56: {  	_ =	shalt  }
0x57: {  	_ =	shalt  }
0x58: {  	_ =	shalt  }
0x59: {  	_ =	shalt  }
0x5a: {  	_ =	shalt  }
0x5b: {  	_ =	shalt  }
0x5c: {  	_ =	shalt  }
0x5d: {  	_ =	shalt  }
0x5e: {  	_ =	shalt  }
0x5f: {  	_ =	shalt  }
0x60: {  	_ =	shalt  }
0x61: {  	_ =	shalt  }
0x62: {  	_ =	shalt  }
0x63: {  	_ =	shalt  }
0x64: {  	_ =	shalt  }
0x65: {  	_ =	shalt  }
0x66: {  	_ =	shalt  }
0x67: {  	_ =	shalt  }
0x68: {  	_ =	shalt  }
0x69: {  	_ =	shalt  }
0x6a: {  	_ =	shalt  }
0x6b: {  	_ =	shalt  }
0x6c: {  	_ =	shalt  }
0x6d: {  	_ =	shalt  }
0x6e: {  	_ =	shalt  }
0x6f: {  	_ =	shalt  }
0x70: {  	_ =	shalt  }
0x71: {  	_ =	shalt  }
0x72: {  	_ =	shalt  }
0x73: {  	_ =	shalt  }
0x74: {  	_ =	shalt  }
0x75: {  	_ =	shalt  }
0x76: {  	_ =	shalt  }
0x77: {  	_ =	shalt  }
0x78: {  	_ =	shalt  }
0x79: {  	_ =	shalt  }
0x7a: {  	_ =	shalt  }
0x7b: {  	_ =	shalt  }
0x7c: {  	_ =	shalt  }
0x7d: {  	_ =	shalt  }
0x7e: {  	_ =	shalt  }
0x7f: {  	_ =	shalt  }
0x80: {  	_ =	shalt  }
0x81: {  	_ =	shalt  }
0x82: {  	_ =	shalt  }
0x83: {  	_ =	shalt  }
0x84: {  	_ =	shalt  }
0x85: {  	_ =	shalt  }
0x86: {  	_ =	shalt  }
0x87: {  	_ =	shalt  }
.Lfunc_end0:
.L_simem_size_0:
called_computation_lowered:
.L_overlay_start_0:
0x88: {  	s2 =	sld [smem:$0x3FD9]  }
0x89: {  	s3 =	sld [smem:$0x3FFE];
	_ =	sdelay $0x1  }
0x8a: {  	s1 =	srdreg.scid  }
0x8b: {  	s0 =	sand.u32 $0x1, s1  }
0x8c: {  	s17 =	sshll.u32 s0, $0xA;
	s2 =	sadd.s32 s3, s2  }
0x8d: {  	s2 =	sadd.s32 s2, s17  }
0x8e: {  	[smem:$0x3FC3] =	sst s2  }
0x8f: {  	_ = 	snop  }
0x90: {  	s2 =	sld [smem:$0x3FD0];
	(tm) =	ssettm $0x1  }
0x91: {  	s18 =	sld [smem:$0x3FFB];
	_ =	sdelay $0x3  }
0x92: {  	_ =	strace s18  }
0x93: {  	s3 =	sld [smem:$0x3FFC];
	_ =	sdelay $0x3  }
0x94: {  	_ =	strace s3  }
0x95: {  	s3 =	sld [smem:$0x3FFD];
	_ =	sdelay $0x3  }
0x96: {  	_ =	strace s3  }
0x97: {  	_ =	strace $0x8FFFFFFF  }
0x98: {  	s19 =	sld [smem:$0x3FDB];
	_ =	sdelay $0x1  }
0x99: {  	s4 =	simm.s32 $_scs_section_size  }
0x9a: {  	s5 =	simm.s32 $_size__tile_overlayer_lowered;
	s6 =	simm.s32 $_tile_overlayer_lowered  }
0x9b: {  	s22 =	simm.s32 $0x1BFF;
	s21 =	sshll.u32 s6, $0x1;
	s3 =	sadd.s32 s4, s19  }
0x9c: {  	s7 =	simm.s32 $0x0;
	s20 =	sshll.u32 s5, $0x1;
	s5 =	sadd.s32 s21, s3  }
0x9d: {  	[timem:s7], [sflag:s22] =	dma.local [hbm:s5], s20  }
0x9e: {  	_ =	swait.ge [sflag:s22], s20  }
0x9f: {  	s4 =	ssub.s32 $0x0, s20;
	[sflag:s22] =	ssyncset.done $0x0  }
0xa0: {  	[sflag:s22] =	ssyncadd.s32 s4;
	_ =	sdelay $0x1  }
0xa1: {  	s23 =	simm.s32 $0x1B8B  }
0xa2: {  	_ =	swait.ge [sflag:s23], $0x1  }
0xa3: {  	[sflag:s23] =	ssyncset.done $0x0  }
0xa4: {  	s25 =	simm.s32 $0x1B8E;
	s24 =	sld [smem:$0x3FFE];
	[sflag:s23] =	ssyncadd.s32 $0xFFFFFFFF  }
0xa5: {  	s26 =	simm.s32 $execute0_lowered;
	[smem:$0x3FD2] =	sst s25  }
0xa6: {  	s5 =	sshll.u32 s26, $0x1;
	_ =	strace $0x80000046;
	[dreg:$0x1] =	wrdreg $0xFFFFFFFF  }
0xa7: {  	s28 =	simm.s32 $_size_execute0_lowered;
	s3 =	sadd.s32 s3, s5;
	[dreg:$0x0] =	wrdreg $0x0  }
0xa8: {  	s5 =	sshll.u32 s28, $0x1;
	[dreg:$0x2] =	wrdreg s3  }
0xa9: {  	[dreg:$0x3] =	wrdreg s5  }
0xaa: {  	[dreg:$0x4] =	wrdreg $0xC0  }
0xab: {  	_ =	task [dreg:s7], $0x5FFFF  }
0xac: {  	[dreg:$0x1] =	wrdreg $0xFFFFFFFF  }
0xad: {  	[dreg:$0x0] =	wrdreg $0x60  }
0xae: {  	[dreg:$0x2] =	wrdreg s24  }
0xaf: {  	[dreg:$0x3] =	wrdreg s2  }
0xb0: {  	[dreg:$0x4] =	wrdreg $0x9  }
0xb1: {  	_ =	task.clear_ibuf [dreg:s7], $0x5FFFF;
	_ =	strace $0x90000046  }
0xb2: {  	s29 =	simm.s32 $0x9;
	_ =	strace $0x80000048  }
0xb3: {  	_ =	swait.ge [sflag:s29], $0x1  }
0xb4: {  	[sflag:s29] =	ssyncadd.s32 $0xFFFFFFFF  }
0xb5: {  	_ =	strace $0x90000048  }
0xb6: {  	_ =	sfence  }
0xb7: {  	s30 =	sld [smem:$0x0];
	_ =	sdelay $0x2  }
0xb8: {  	s31 =	sshll.u32 s1, $0xD;
	s1 =	sshrl.u32 s1, $0x2  }
0xb9: {  	s3 =	sand.u32 $0x4000, s31;
	s1 =	sadd.s32 s1, s30  }
0xba: {  	s0 =	sor.u32 s3, s0;
	s1 =	sshll.u32 s1, $0x11  }
0xbb: {  	s0 =	sor.u32 s1, s0  }
0xbc: {  	s0 =	sadd.s32 $0x8F2B, s0  }
0xbd: {  	[sflag:s0] =	ssyncadd.remote.s32 $0x1  }
0xbe: {  	_ =	sfence.sel $0xFFFF  }
0xbf: {  	[dreg:$0x0] =	wrdreg $0xFFFFFFFF;
	(pc) =	sbr.abs _section_cstart, $3  }
0xc0: {  	[dreg:$0x1] =	wrdreg $0xFFFFFFFF  }
0xc1: {  	_ =	task.clear_ibuf [dreg:s7], $0x2FFFF;
	_ =	strace $0x9FFFFFFF  }
0xc2: {  	(tm) =	ssettm $0x7FFFFFFF  }
0xc3: {  	_ =	shalt  }
tec
execute0_lowered:
.L_overlay_start_1:
0x0: {  	(tag) =	ssettag $0x1  }
0x1: {  	s7 =	rddreg [dreg:$0x0]  }
0x2: {  	s2 =	rddreg [dreg:$0x1]  }
0x3: {  	s0 =	rddreg [dreg:$0x2]  }
0x4: {  	s1 =	srdreg.scid;
	_ =	strace $0x80000047;
	s4 =	simm.s32 $0x1  }
0x5: {  	s9 =	simm.s32 $0x3;
	s12 =	simm.s32 $0x0;
	s5 =	sshll.u32 s1, $0x4  }
.Ltmp0:
0x6: {  	s1 =	stileid.u32;
	s5 =	sand.u32 $0x10, s5;
	(pc) =	sbr.rel .LBB2_1-.Ltmp0, $4  }
0x7: {  	s10 =	simm.s32 $0x0;
	s3 =	sadd.s32 $0x1000, s7;
	s6 =	sor.u32 s1, s5  }
0x8: {  	[sflag:s4] =	ssyncpa.u1 $0x0;
	s5 =	simm.s32 $0x2;
	s6 =	sshll.u32 s6, $0x7  }
0x9: {  	s7 =	sadd.s32 $0x41000, s7;
	[sflag:s5] =	ssyncpa.u1 $0x0;
	s8 =	sadd.s32 $0x80, s6  }
0xa: {  	vm0 =	vmmov $0xff;
	vm1 =	vcmask $0x3F20;
	[sflag:s9] =	ssyncpa.u1 $0x0;
	s9 =	simm.s32 $0x80;
	s11 =	smov.u32 s6  }
.LBB2_9:
0xb: {  	p0 =	seq.s32 s10, $0x2  }
.Ltmp1:
0xc: {  	_ = 	snop;
	(pc) =	sbr.rel @p0 .LBB2_11-.Ltmp1, $1  }
0xd: {  	_ =	sdelay $0x3  }
.LBB2_10:
0xe: {  	s12 =	sadd.s32 $0x80, s11  }
0xf: {  	s13 =	smov.u32 s6;
	p0 =	slt.s32 s12, s8  }
0x10: {  	s13 =	smov.u32 @p0 s12  }
0x11: {  	s10 =	sadd.s32 $0x1, s10;
	s12 =	smov.u32 s11;
	s11 =	smov.u32 s13  }
.LBB2_1:
0x12: {  	p0 =	sne.s32 s10, $0x0  }
.Ltmp2:
0x13: {  	_ = 	snop;
	(pc) =	sbr.rel @!p0 .LBB2_2-.Ltmp2, $1  }
0x14: {  	_ =	sdelay $0x3  }
0x15: {  	s13 =	sand.u32 $0x1, s10  }
0x16: {  	p0 =	seq.s32 s13, $0x0  }
.Ltmp3:
0x17: {  	_ = 	snop;
	(pc) =	sbr.rel @p0 .LBB2_9-.Ltmp3, $1  }
0x18: {  	_ =	sdelay $0x3  }
0x19: {  	_ =	swait.ge [sflag:s5], $0x80  }
0x1a: {  	[sflag:s5] =	ssyncset.done $0x0  }
0x1b: {  	s13 =	simm.s32 $0x0;
	[sflag:s5] =	ssyncadd.s32 $0xFFFFFF80  }
0x1c: {  	v0 =	vld.msk [tilespmem:s13+$0x80 ss:$0x1], $0xffff;
	_ =	sdelay $0x4  }
0x1d: {  	v1 =	vshll.u32 v0, $0x4  }
0x1e: {  	vm2 =	veq.s32 v0, $0x80000000;
	v0 =	vshll.u32 v0, $0x12;
	v1 =	vand.u32 $0x3FF80, v1  }
0x1f: {  	v0 =	vand.u32 $0x1C0000, v0;
	v1 =	vsel vm2, $0xFFFFFF80, v1  }
0x20: {  	v0 =	vsel vm2, $0xFFFC0000, v0;
	v2 =	vand.u32 $0xFFFFFC00, v1  }
0x21: {  	v1 =	vand.u32 $0x380, v1;
	v0 =	vadd.s32 v0, v2  }
0x22: {  	v0 =	vor.u32 v1, v0  }
0x23: {  	v0 =	vshrl.u32 v0, $0x3;
	_ =	sdelay $0x3  }
0x24: {  	s13 =	simm.s32 $0x4100  }
0x25: {  	[tilespmem:s13], [sflag:$0x1] =	stream.indirect_vreg.gather [hbm:s3], $0x80, v0, vm0, $0x38;
	[tilespmem:$0x8100] =	vst v63  }
0x26: {  	s14 =	simm.s32 $0x4500;
	s31 =	simm.s32 $0x10  }
0x27: {  	[tilespmem:s14], [sflag:$0x1] =	stream.indirect_vreg.gather [hbm:s3], $0x80, v0, vm1, $0x38;
	[tilespmem:$0x8100] =	vst v63  }
0x28: {  	s14 =	simm.s32 $0x80;
	v0 =	vld.msk [tilespmem:s31+$0x80 ss:$0x1], $0xffff  }
.LBB2_5:
0x29: {  	p0 =	sne.s32 s14, $0x1C0;
	_ =	sdelay $0x4  }
0x2a: {  	v1 =	vshll.u32 v0, $0x4  }
0x2b: {  	vm2 =	veq.s32 v0, $0x80000000;
	v0 =	vshll.u32 v0, $0x12;
	v1 =	vand.u32 $0x3FF80, v1  }
0x2c: {  	v0 =	vand.u32 $0x1C0000, v0;
	v1 =	vsel vm2, $0xFFFFFF80, v1  }
0x2d: {  	v0 =	vsel vm2, $0xFFFC0000, v0;
	v2 =	vand.u32 $0xFFFFFC00, v1  }
0x2e: {  	v1 =	vand.u32 $0x380, v1;
	v0 =	vadd.s32 v0, v2  }
0x2f: {  	v0 =	vor.u32 v1, v0  }
0x30: {  	v0 =	vshrl.u32 v0, $0x3;
	_ =	sdelay $0x3  }
.Ltmp4:
0x31: {  	s13 =	sadd.s32 $0x800, s13;
	(pc) =	sbr.rel @p0 .LBB2_5-.Ltmp4, $4  }
0x32: {  	[tilespmem:s13], [sflag:$0x1] =	stream.indirect_vreg.gather [hbm:s3], $0x80, v0, vm0, $0x38;
	[tilespmem:$0x8100] =	vst v63  }
0x33: {  	s15 =	sshra.s32 s14, $0x2;
	s16 =	sadd.s32 $0x400, s13  }
0x34: {  	[tilespmem:s16], [sflag:$0x1] =	stream.indirect_vreg.gather [hbm:s3], $0x80, v0, vm1, $0x38;
	[tilespmem:$0x8100] =	vst v63  }
0x35: {  	s14 =	sadd.s32 $0x40, s14;
	v0 =	vld.msk [tilespmem:s15+$0x80 ss:$0x1], $0xffff  }
0x36: {  	_ =	sdelay $0x3  }
0x37: {  	v1 =	vshll.u32 v0, $0x4  }
0x38: {  	vm2 =	veq.s32 v0, $0x80000000;
	v63 =	vshll.u32 v0, $0x12;
	v1 =	vand.u32 $0x3FF80, v1  }
0x39: {  	v0 =	vand.u32 $0x1C0000, v63;
	v1 =	vsel vm2, $0xFFFFFF80, v1  }
0x3a: {  	v0 =	vsel vm2, $0xFFFC0000, v0;
	v2 =	vand.u32 $0xFFFFFC00, v1  }
0x3b: {  	v1 =	vand.u32 $0x380, v1;
	v0 =	vadd.s32 v0, v2  }
0x3c: {  	v0 =	vor.u32 v1, v0  }
0x3d: {  	v0 =	vshrl.u32 v0, $0x3;
	_ =	sdelay $0x3  }
0x3e: {  	s13 =	sadd.s32 $0x800, s13  }
0x3f: {  	[tilespmem:s13], [sflag:$0x1] =	stream.indirect_vreg.gather [hbm:s3], $0x80, v0, vm0, $0x38;
	[tilespmem:$0x8100] =	vst v63  }
0x40: {  	s13 =	sadd.s32 $0x400, s13  }
0x41: {  	[tilespmem:s13], [sflag:$0x1] =	stream.indirect_vreg.gather [hbm:s3], $0x80, v0, vm1, $0x38;
	[tilespmem:$0x8100] =	vst v63  }
0x42: {  	s12 =	sshll.u32 s12, $0x4;
	s14 =	simm.s32 $0x80;
	_ =	swait.ge [sflag:s4], $0x4000  }
0x43: {  	s15 =	simm.s32 $0x4500;
	s12 =	sadd.s32 s12, s2;
	[sflag:s4] =	ssyncset.done $0x0  }
0x44: {  	s16 =	sadd.s32 $0x0, s12;
	s13 =	simm.s32 $0x4100;
	[sflag:s4] =	ssyncadd.s32 $0xFFFFC000  }
.LBB2_7:
0x45: {  	[hbm:s16] =	stream.linear.scatter [tilespmem:s13], [sflag:$0x3], $0x400, $0x38;
	[tilespmem:$0x8100] =	vst v63  }
0x46: {  	s16 =	smov.u32 s14;
	s13 =	smov.u32 s15;
	p0 =	sne.s32 s14, $0x780  }
.Ltmp5:
0x47: {  	s14 =	sadd.s32 $0x80, s14;
	(pc) =	sbr.rel @p0 .LBB2_7-.Ltmp5, $2  }
0x48: {  	_ =	sdelay $0x2  }
0x49: {  	s15 =	sadd.s32 $0x400, s15;
	s16 =	sadd.s32 s16, s12  }
.Ltmp6:
0x4a: {  	(pc) =	sbr.rel .LBB2_9-.Ltmp6, $2  }
0x4b: {  	_ =	sdelay $0x2  }
0x4c: {  	[hbm:s16] =	stream.linear.scatter [tilespmem:s13], [sflag:$0x3], $0x400, $0x38;
	[tilespmem:$0x8100] =	vst v63  }
.LBB2_2:
.Ltmp7:
0x4d: {  	(pc) =	sbr.rel .LBB2_10-.Ltmp7, $4  }
0x4e: {  	_ = 	snop  }
0x4f: {  	s12 =	sshrl.u32 s11, $0x3  }
0x50: {  	s13 =	sand.u32 $0x7, s11;
	s12 =	sadd.s32 s7, s12  }
0x51: {  	[tilespmem:s9], [sflag:$0x2] =	stream.linear.gather [hbm4b:s12+s13], $0x80, $0x38;
	[tilespmem:$0x8100] =	vst v63  }
.LBB2_11:
0x52: {  	s2 =	simm.s32 $0x3  }
0x53: {  	_ =	swait.ge [sflag:s2], $0x4000  }
0x54: {  	[sflag:s2] =	ssyncset.done $0x0  }
0x55: {  	[sflag:s2] =	ssyncadd.s32 $0xFFFFC000  }
0x56: {  	_ =	sfence.sel $0x180000  }
0x57: {  	s3 =	simm.s32 $0x2;
	[bflag:$0x0] =	sbarrier.arrive $0xFFFF  }
0x58: {  	[sflag:s3] =	ssyncpa.u1 $0x1  }
0x59: {  	s31 =	simm.s32 $0x1;
	[sflag:s2] =	ssyncpa.u1 $0x1  }
0x5a: {  	[sflag:s31] =	ssyncpa.u1 $0x1  }
0x5b: {  	p0 =	sne.s32 s1, $0x0;
	_ =	strace $0x90000047  }
0x5c: {  	s0 =	sadd.s32 @!p0 $0x100000, s0;
	[bflag:$0x2] =	sbarrier.arrive $0xFFFF  }
0x5d: {  	[sflag:s0] =	ssyncadd.tile.s32 @!p0 $0x1;
	_ =	shalt  }
.Lfunc_end2:
_tile_overlayer_lowered:
.L_overlay_start_2:
0x5e: {  	(tag) =	ssettag $0x2  }
0x5f: {  	s0 =	rddreg [dreg:$0x0];
	s2 =	stileid.u32  }
0x60: {  	s1 =	rddreg [dreg:$0x1];
	p0 =	sne.s32 s2, $0x0  }
0x61: {  	s3 =	rddreg [dreg:$0x2];
	[bflag:$0x3] =	sbarrier.arrive $0xFFFF;
	s2 =	simm.s32 @!p0 $0x1C01  }
0x62: {  	[timem:s3], [sflag:s2] =	dma.local @!p0 [hbm:s0], s1  }
0x63: {  	s0 =	simm.s32 @!p0 $0x1  }
0x64: {  	_ =	swait.ge @!p0 [sflag:s0], s1  }
0x65: {  	s1 =	ssub.s32 @!p0 $0x0, s1;
	[sflag:s0] =	ssyncset.done @!p0 $0x0  }
0x66: {  	[sflag:s0] =	ssyncadd.s32 @!p0 s1  }
0x67: {  	[bflag:$0x3] =	sbarrier.arrive $0xFFFF  }
0x68: {  	_ =	shalt  }

// kernel: kernel.5.cloned.1.call-start
scs
__scs_entry_jumppad:
0x0: {  	(pc) =	sbr.rel $0x88, $3  }
0x1: {  	(tag) =	ssettag $0x0;
	lr =	simm.s32 $0x1  }
0x2: {  	[smem:$0x3F9C] =	sst lr;
	_ =	strace $0xD0000000  }
0x3: {  	_ = 	snop  }
0x4: {  	_ = 	snop  }
0x5: {  	_ = 	snop  }
0x6: {  	_ = 	snop  }
0x7: {  	_ = 	snop  }
__scs_overlays_trampoline_lowered:
0x8: {  	[smem:$0x3FAB] =	sst s0  }
0x9: {  	[smem:$0x3FAC] =	sst s1  }
0xa: {  	[smem:$0x3FAD] =	sst s2  }
0xb: {  	[smem:$0x3FAE] =	sst s3  }
0xc: {  	[smem:$0x3FAF] =	sst s4  }
0xd: {  	[smem:$0x3FB0] =	sst s5  }
0xe: {  	[smem:$0x3FB1] =	sst s6  }
0xf: {  	[smem:$0x3FB2] =	sst s7  }
0x10: {  	[smem:$0x3FB3] =	sst s8  }
0x11: {  	[smem:$0x3FB4] =	sst s9;
	s0 =	simm.s32 @!p0 $0x0  }
0x12: {  	s1 =	sld [smem:$0x3F9A];
	s0 =	simm.s32 @p0 $0x1  }
0x13: {  	[smem:$0x3FB5] =	sst s0;
	s0 =	simm.s32 @!p1 $0x0  }
0x14: {  	s2 =	sld [smem:$0x3F99];
	s0 =	simm.s32 @p1 $0x1  }
0x15: {  	[smem:$0x3FB6] =	sst s0;
	s0 =	simm.s32 @!p2 $0x0  }
0x16: {  	s3 =	sld [smem:$0x3FDB];
	s0 =	simm.s32 @p2 $0x1  }
0x17: {  	s4 =	simm.s32 $0x1BF5;
	[smem:$0x3FB8] =	sst s0  }
0x18: {  	s0 =	sld [smem:$0x3F9B];
	_ =	swait.ge [sflag:s4], $0x0  }
0x19: {  	s7 =	sld [smem:$0x3F9C]  }
0x1a: {  	s8 =	sadd.s32 $0xFFFFE003, lr  }
0x1b: {  	s9 =	sadd.s32 $0xFFFFFEF7, lr;
	s5 =	simm.s32 $0xFFFFFFFF;
	p2 =	slt.u32 s8, $0xFFFFF086  }
0x1c: {  	p1 =	slt.u32 s9, $0xF7A;
	s5 =	simm.s32 @!p2 $0x0  }
0x1d: {  	s5 =	simm.s32 @p1 $0x1;
	p0 =	seq.s32 s7, s2  }
0x1e: {  	s7 =	smul.u32 @!p0 $0xF7A, s2;
	p2 =	seq.s32 @!p0 s5, $0x0  }
0x1f: {  	s9 =	smul.u32 $0xF7A, s1;
	s8 =	simm.s32 @!p0 $0x1BF5;
	p2 =	por !p2, p0  }
0x20: {  	[sflag:s8] =	ssyncset.s32 @!p0 $0xFFFFF086;
	s6 =	sadd.s32 @!p0 s3, s7;
	s7 =	simm.s32 @!p0 $0x108  }
0x21: {  	s3 =	sadd.s32 s3, s9;
	s6 =	sadd.s32 @!p0 $0x88, s6;
	s7 =	simm.s32 @p2 $0x1082  }
0x22: {  	[simem:s7], [sflag:s8] =	dma.local @!p0 [hbm:s6], $0xF7A  }
0x23: {  	s9 =	sor.u32 $0xD0000000, s2;
	s6 =	simm.s32 $0x108;
	_ =	swait.ge @!p0 [sflag:s8], $0x0  }
0x24: {  	s3 =	sadd.s32 $0x88, s3;
	s6 =	simm.s32 @!p1 $0x1082;
	[sflag:s4] =	ssyncset.s32 $0xFFFFF086  }
0x25: {  	[simem:s6], [sflag:s4] =	dma.local [hbm:s3], $0xF7A  }
0x26: {  	[smem:$0x3F9C] =	sst s1;
	(tag) =	ssettag s2;
	_ =	strace s9  }
0x27: {  	s1 =	sld [smem:$0x3FAC]  }
0x28: {  	s2 =	sld [smem:$0x3FAD]  }
0x29: {  	s4 =	sld [smem:$0x3FAF]  }
0x2a: {  	p0 =	seq.s32 s5, $0x0;
	s5 =	sld [smem:$0x3FB0]  }
0x2b: {  	s6 =	sld [smem:$0x3FB1]  }
0x2c: {  	s7 =	sld [smem:$0x3FB2]  }
0x2d: {  	s3 =	simm.s32 $0x108;
	s8 =	sld [smem:$0x3FB3]  }
0x2e: {  	s3 =	simm.s32 @!p0 $0x1082;
	s9 =	sld [smem:$0x3FB4]  }
0x2f: {  	lr =	sadd.s32 s0, s3;
	s0 =	sld [smem:$0x3FAB]  }
0x30: {  	s3 =	sld [smem:$0x3FAE]  }
0x31: {  	[smem:$0x3FB7] =	sst s10  }
0x32: {  	s10 =	sld [smem:$0x3FB5];
	_ =	sdelay $0x3  }
0x33: {  	p0 =	seq.s32 s10, $0x1;
	s10 =	sld [smem:$0x3FB7];
	_ =	sdelay $0x3  }
0x34: {  	[smem:$0x3FB7] =	sst s10  }
0x35: {  	s10 =	sld [smem:$0x3FB6];
	_ =	sdelay $0x3  }
0x36: {  	p1 =	seq.s32 s10, $0x1;
	s10 =	sld [smem:$0x3FB7];
	_ =	sdelay $0x3  }
0x37: {  	[smem:$0x3FB7] =	sst s10  }
0x38: {  	s10 =	sld [smem:$0x3FB8]  }
0x39: {  	_ = 	snop;
	(pc) =	sbr.ind lr, $3  }
0x3a: {  	_ = 	snop  }
0x3b: {  	_ = 	snop  }
0x3c: {  	p2 =	seq.s32 s10, $0x1;
	s10 =	sld [smem:$0x3FB7]  }
0x3d: {  	_ =	shalt  }
0x3e: {  	_ =	shalt  }
0x3f: {  	_ =	shalt  }
0x40: {  	_ =	shalt  }
0x41: {  	_ =	shalt  }
0x42: {  	_ =	shalt  }
0x43: {  	_ =	shalt  }
0x44: {  	_ =	shalt  }
0x45: {  	_ =	shalt  }
0x46: {  	_ =	shalt  }
0x47: {  	_ =	shalt  }
0x48: {  	_ =	shalt  }
0x49: {  	_ =	shalt  }
0x4a: {  	_ =	shalt  }
0x4b: {  	_ =	shalt  }
0x4c: {  	_ =	shalt  }
0x4d: {  	_ =	shalt  }
0x4e: {  	_ =	shalt  }
0x4f: {  	_ =	shalt  }
0x50: {  	_ =	shalt  }
0x51: {  	_ =	shalt  }
0x52: {  	_ =	shalt  }
0x53: {  	_ =	shalt  }
0x54: {  	_ =	shalt  }
0x55: {  	_ =	shalt  }
0x56: {  	_ =	shalt  }
0x57: {  	_ =	shalt  }
0x58: {  	_ =	shalt  }
0x59: {  	_ =	shalt  }
0x5a: {  	_ =	shalt  }
0x5b: {  	_ =	shalt  }
0x5c: {  	_ =	shalt  }
0x5d: {  	_ =	shalt  }
0x5e: {  	_ =	shalt  }
0x5f: {  	_ =	shalt  }
0x60: {  	_ =	shalt  }
0x61: {  	_ =	shalt  }
0x62: {  	_ =	shalt  }
0x63: {  	_ =	shalt  }
0x64: {  	_ =	shalt  }
0x65: {  	_ =	shalt  }
0x66: {  	_ =	shalt  }
0x67: {  	_ =	shalt  }
0x68: {  	_ =	shalt  }
0x69: {  	_ =	shalt  }
0x6a: {  	_ =	shalt  }
0x6b: {  	_ =	shalt  }
0x6c: {  	_ =	shalt  }
0x6d: {  	_ =	shalt  }
0x6e: {  	_ =	shalt  }
0x6f: {  	_ =	shalt  }
0x70: {  	_ =	shalt  }
0x71: {  	_ =	shalt  }
0x72: {  	_ =	shalt  }
0x73: {  	_ =	shalt  }
0x74: {  	_ =	shalt  }
0x75: {  	_ =	shalt  }
0x76: {  	_ =	shalt  }
0x77: {  	_ =	shalt  }
0x78: {  	_ =	shalt  }
0x79: {  	_ =	shalt  }
0x7a: {  	_ =	shalt  }
0x7b: {  	_ =	shalt  }
0x7c: {  	_ =	shalt  }
0x7d: {  	_ =	shalt  }
0x7e: {  	_ =	shalt  }
0x7f: {  	_ =	shalt  }
0x80: {  	_ =	shalt  }
0x81: {  	_ =	shalt  }
0x82: {  	_ =	shalt  }
0x83: {  	_ =	shalt  }
0x84: {  	_ =	shalt  }
0x85: {  	_ =	shalt  }
0x86: {  	_ =	shalt  }
0x87: {  	_ =	shalt  }
.Lfunc_end0:
.L_simem_size_0:
called_computation.1_lowered:
.L_overlay_start_0:
0x88: {  	s2 =	sld [smem:$0x3FD9]  }
0x89: {  	s3 =	sld [smem:$0x3FFE];
	_ =	sdelay $0x1  }
0x8a: {  	s1 =	srdreg.scid  }
0x8b: {  	s0 =	sand.u32 $0x1, s1  }
0x8c: {  	s17 =	sshll.u32 s0, $0xA;
	s2 =	sadd.s32 s3, s2  }
0x8d: {  	s2 =	sadd.s32 s2, s17  }
0x8e: {  	[smem:$0x3FC3] =	sst s2  }
0x8f: {  	_ = 	snop  }
0x90: {  	s2 =	sld [smem:$0x3FD0];
	(tm) =	ssettm $0x1  }
0x91: {  	s18 =	sld [smem:$0x3FFB];
	_ =	sdelay $0x3  }
0x92: {  	_ =	strace s18  }
0x93: {  	s3 =	sld [smem:$0x3FFC];
	_ =	sdelay $0x3  }
0x94: {  	_ =	strace s3  }
0x95: {  	s3 =	sld [smem:$0x3FFD];
	_ =	sdelay $0x3  }
0x96: {  	_ =	strace s3  }
0x97: {  	_ =	strace $0x8FFFFFFF  }
0x98: {  	s19 =	sld [smem:$0x3FDB];
	_ =	sdelay $0x1  }
0x99: {  	s4 =	simm.s32 $_scs_section_size  }
0x9a: {  	s5 =	simm.s32 $_size__tile_overlayer_lowered;
	s6 =	simm.s32 $_tile_overlayer_lowered  }
0x9b: {  	s22 =	simm.s32 $0x1BFF;
	s21 =	sshll.u32 s6, $0x1;
	s3 =	sadd.s32 s4, s19  }
0x9c: {  	s7 =	simm.s32 $0x0;
	s20 =	sshll.u32 s5, $0x1;
	s5 =	sadd.s32 s21, s3  }
0x9d: {  	[timem:s7], [sflag:s22] =	dma.local [hbm:s5], s20  }
0x9e: {  	_ =	swait.ge [sflag:s22], s20  }
0x9f: {  	s4 =	ssub.s32 $0x0, s20;
	[sflag:s22] =	ssyncset.done $0x0  }
0xa0: {  	[sflag:s22] =	ssyncadd.s32 s4;
	_ =	sdelay $0x1  }
0xa1: {  	s23 =	simm.s32 $0x1B8B  }
0xa2: {  	_ =	swait.ge [sflag:s23], $0x1  }
0xa3: {  	[sflag:s23] =	ssyncset.done $0x0  }
0xa4: {  	s25 =	simm.s32 $0x1B8E;
	s24 =	sld [smem:$0x3FFE];
	[sflag:s23] =	ssyncadd.s32 $0xFFFFFFFF  }
0xa5: {  	s26 =	simm.s32 $execute0_lowered;
	[smem:$0x3FD2] =	sst s25  }
0xa6: {  	s5 =	sshll.u32 s26, $0x1;
	_ =	strace $0x80000049;
	[dreg:$0x1] =	wrdreg $0xFFFFFFFF  }
0xa7: {  	s28 =	simm.s32 $_size_execute0_lowered;
	s3 =	sadd.s32 s3, s5;
	[dreg:$0x0] =	wrdreg $0x0  }
0xa8: {  	s5 =	sshll.u32 s28, $0x1;
	[dreg:$0x2] =	wrdreg s3  }
0xa9: {  	[dreg:$0x3] =	wrdreg s5  }
0xaa: {  	[dreg:$0x4] =	wrdreg $0xC0  }
0xab: {  	_ =	task [dreg:s7], $0x5FFFF  }
0xac: {  	[dreg:$0x1] =	wrdreg $0xFFFFFFFF  }
0xad: {  	[dreg:$0x0] =	wrdreg $0x60  }
0xae: {  	[dreg:$0x2] =	wrdreg s24  }
0xaf: {  	[dreg:$0x3] =	wrdreg s2  }
0xb0: {  	[dreg:$0x4] =	wrdreg $0x9  }
0xb1: {  	_ =	task.clear_ibuf [dreg:s7], $0x5FFFF;
	_ =	strace $0x90000049  }
0xb2: {  	s29 =	simm.s32 $0x9;
	_ =	strace $0x8000004B  }
0xb3: {  	_ =	swait.ge [sflag:s29], $0x1  }
0xb4: {  	[sflag:s29] =	ssyncadd.s32 $0xFFFFFFFF  }
0xb5: {  	_ =	strace $0x9000004B  }
0xb6: {  	_ =	sfence  }
0xb7: {  	s30 =	sld [smem:$0x0];
	_ =	sdelay $0x2  }
0xb8: {  	s31 =	sshll.u32 s1, $0xD;
	s1 =	sshrl.u32 s1, $0x2  }
0xb9: {  	s3 =	sand.u32 $0x4000, s31;
	s1 =	sadd.s32 s1, s30  }
0xba: {  	s0 =	sor.u32 s3, s0;
	s1 =	sshll.u32 s1, $0x11  }
0xbb: {  	s0 =	sor.u32 s1, s0  }
0xbc: {  	s0 =	sadd.s32 $0x8F2B, s0  }
0xbd: {  	[sflag:s0] =	ssyncadd.remote.s32 $0x1  }
0xbe: {  	_ =	sfence.sel $0xFFFF  }
0xbf: {  	[dreg:$0x0] =	wrdreg $0xFFFFFFFF;
	(pc) =	sbr.abs _section_cstart, $3  }
0xc0: {  	[dreg:$0x1] =	wrdreg $0xFFFFFFFF  }
0xc1: {  	_ =	task.clear_ibuf [dreg:s7], $0x2FFFF;
	_ =	strace $0x9FFFFFFF  }
0xc2: {  	(tm) =	ssettm $0x7FFFFFFF  }
0xc3: {  	_ =	shalt  }
tec
execute0_lowered:
.L_overlay_start_1:
0x0: {  	(tag) =	ssettag $0x1  }
0x1: {  	s5 =	rddreg [dreg:$0x0];
	s1 =	srdreg.scid  }
0x2: {  	s0 =	stileid.u32;
	s7 =	rddreg [dreg:$0x1]  }
0x3: {  	s2 =	simm.s32 $0x0;
	s13 =	simm.s32 $0xC00;
	s14 =	simm.s32 $0x80  }
0x4: {  	s15 =	simm.s32 $0xD880;
	s16 =	simm.s32 $0x1;
	s17 =	simm.s32 $0x18  }
0x5: {  	s18 =	simm.s32 $0xC80;
	s19 =	simm.s32 $0x1880;
	s20 =	simm.s32 $0x5880  }
0x6: {  	s21 =	simm.s32 $0x9880;
	s6 =	sand.u32 $0x1, s1;
	s1 =	rddreg [dreg:$0x2]  }
0x7: {  	s22 =	simm.s32 $0x0;
	s3 =	sshll.u32 s0, $0x1;
	[smem:$0x7FF] =	sst s2  }
0x8: {  	s4 =	sadd.s32 $0x81400, s5;
	s8 =	sor.u32 s6, s3;
	_ =	strace $0x8000004A  }
0x9: {  	s3 =	sadd.s32 $0x41200, s5;
	s6 =	ssub.s32 $0x2, s6;
	s9 =	smul.u32 $0x180, s8  }
0xa: {  	s10 =	sshll.u32 s8, $0x4;
	s8 =	sshll.u32 s8, $0xB;
	s11 =	sshrl.u32 s6, $0x1  }
0xb: {  	s10 =	sadd.s32 s10, s5;
	s12 =	sadd.s32 s8, s5;
	s11 =	ssub.s32 s6, s11  }
0xc: {  	s7 =	sadd.s32 s7, s8;
	s9 =	sadd.s32 s9, s5;
	s6 =	sadd.s32 $0x81200, s10  }
0xd: {  	s8 =	sadd.s32 $0x4000, s12;
	s10 =	sadd.s32 $0x24000, s12;
	s11 =	smax.u32 s11, $0x1  }
0xe: {  	s5 =	sadd.s32 $0x1000, s9;
	s9 =	sadd.s32 $0x14000, s12;
	s12 =	simm.s32 $0x2  }
.LBB2_1:
0xf: {  	[tilespmem:s2], [sflag:$0x2] =	stream.linear.gather [hbm4b:s5+s2], $0xC00, $0x38;
	[tilespmem:$0x11880] =	vst v63  }
0x10: {  	_ =	swait.ge [sflag:s12], $0xC00  }
0x11: {  	[sflag:s12] =	ssyncset.done $0x0  }
0x12: {  	[sflag:s12] =	ssyncadd.s32 $0xFFFFF400  }
0x13: {  	[tilespmem:s13], [sflag:$0x2] =	stream.linear.gather [hbm4b:s6+s2], $0x80, $0x38;
	[tilespmem:$0x11880] =	vst v63  }
0x14: {  	_ =	swait.ge [sflag:s12], $0x80  }
0x15: {  	[sflag:s12] =	ssyncset.done $0x0  }
0x16: {  	[sflag:s12] =	ssyncadd.s32 $0xFFFFFF80  }
0x17: {  	[tilespmem:s15], [sflag:$0x1] =	stream.indirect.gather [hbm4b:s4+s14], $0x80, s13, s14, $0xb8;
	[tilespmem:$0x11880] =	vst v63  }
0x18: {  	_ =	swait.ge [sflag:s16], $0x4000  }
0x19: {  	[sflag:s16] =	ssyncset.done $0x0  }
0x1a: {  	s23 =	simm.s32 $0x0;
	s24 =	simm.s32 $0x0;
	[sflag:s16] =	ssyncadd.s32 $0xFFFFC000  }
.LBB2_2:
0x1b: {  	[tilespmem:s18], [sflag:$0x1] =	stream.indirect.gather [hbm4b:s3+s17], $0x80, s23, s17, $0xb8;
	[tilespmem:$0x11880] =	vst v63  }
0x1c: {  	_ =	swait.ge [sflag:s16], $0xC00  }
0x1d: {  	[sflag:s16] =	ssyncset.done $0x0  }
0x1e: {  	[sflag:s16] =	ssyncadd.s32 $0xFFFFF400  }
0x1f: {  	v0 =	vld [tilespmem:$0xC80]  }
0x20: {  	v1 =	vld [tilespmem:$0xD00];
	_ =	sdelay $0x1  }
0x21: {  	v2 =	vld [tilespmem:$0xD80];
	_ =	sdelay $0x1  }
0x22: {  	v3 =	vld [tilespmem:$0xE00]  }
0x23: {  	v4 =	vmul.f32 v0, v0;
	v5 =	vmul.f32 v1, v1  }
0x24: {  	v7 =	vld [tilespmem:$0xE80];
	v6 =	vadd.f32 v1, v0  }
0x25: {  	v47 =	vmul.f32 v2, v2;
	v4 =	vadd.f32 v5, v4  }
0x26: {  	v8 =	vld [tilespmem:$0xF00];
	v6 =	vadd.f32 v2, v6  }
0x27: {  	v48 =	vmul.f32 v3, v3;
	v4 =	vadd.f32 v47, v4  }
0x28: {  	v9 =	vld [tilespmem:$0xF80];
	v6 =	vadd.f32 v3, v6  }
0x29: {  	v49 =	vmul.f32 v7, v7;
	v4 =	vadd.f32 v48, v4  }
0x2a: {  	v10 =	vld [tilespmem:$0x1000];
	v6 =	vadd.f32 v7, v6  }
0x2b: {  	v50 =	vmul.f32 v8, v8;
	v4 =	vadd.f32 v49, v4  }
0x2c: {  	v11 =	vld [tilespmem:$0x1080];
	v6 =	vadd.f32 v8, v6  }
0x2d: {  	v51 =	vmul.f32 v9, v9;
	v4 =	vadd.f32 v50, v4  }
0x2e: {  	v12 =	vld [tilespmem:$0x1100];
	v6 =	vadd.f32 v9, v6  }
0x2f: {  	v52 =	vmul.f32 v10, v10;
	v4 =	vadd.f32 v51, v4  }
0x30: {  	v13 =	vld [tilespmem:$0x1180];
	v6 =	vadd.f32 v10, v6  }
0x31: {  	v53 =	vmul.f32 v11, v11;
	v4 =	vadd.f32 v52, v4  }
0x32: {  	v14 =	vld [tilespmem:$0x1200];
	v6 =	vadd.f32 v11, v6  }
0x33: {  	v54 =	vmul.f32 v12, v12;
	v4 =	vadd.f32 v53, v4  }
0x34: {  	v15 =	vld [tilespmem:$0x1280];
	v6 =	vadd.f32 v12, v6  }
0x35: {  	v55 =	vmul.f32 v13, v13;
	v4 =	vadd.f32 v54, v4  }
0x36: {  	v16 =	vld [tilespmem:$0x1300];
	v6 =	vadd.f32 v13, v6  }
0x37: {  	v56 =	vmul.f32 v14, v14;
	v4 =	vadd.f32 v55, v4  }
0x38: {  	v17 =	vld [tilespmem:$0x1380];
	v6 =	vadd.f32 v14, v6  }
0x39: {  	v57 =	vmul.f32 v15, v15;
	v4 =	vadd.f32 v56, v4  }
0x3a: {  	v18 =	vld [tilespmem:$0x1400];
	v0 =	vmax.f32 v0, v1;
	v6 =	vadd.f32 v15, v6  }
0x3b: {  	v58 =	vmul.f32 v16, v16;
	v0 =	vmax.f32 v0, v2;
	v4 =	vadd.f32 v57, v4  }
0x3c: {  	v19 =	vld [tilespmem:$0x1480];
	v0 =	vmax.f32 v0, v3;
	v6 =	vadd.f32 v16, v6  }
0x3d: {  	v60 =	vmul.f32 v17, v17;
	v0 =	vmax.f32 v0, v7;
	v59 =	vadd.f32 v58, v4  }
0x3e: {  	v62 =	vld [tilespmem:$0x1500];
	v0 =	vmax.f32 v0, v8;
	v61 =	vadd.f32 v17, v6  }
0x3f: {  	v63 =	vmul.f32 v18, v18;
	v0 =	vmax.f32 v0, v9;
	v1 =	vadd.f32 v60, v59  }
0x40: {  	v20 =	vld [tilespmem:$0x1580];
	v0 =	vmax.f32 v0, v10;
	v2 =	vadd.f32 v18, v61  }
0x41: {  	v21 =	vmul.f32 v19, v19;
	v0 =	vmax.f32 v0, v11;
	v1 =	vadd.f32 v63, v1  }
0x42: {  	v22 =	vld [tilespmem:$0x1600];
	v0 =	vmax.f32 v0, v12;
	v2 =	vadd.f32 v19, v2  }
0x43: {  	v23 =	vmul.f32 v62, v62;
	v0 =	vmax.f32 v0, v13;
	v1 =	vadd.f32 v21, v1  }
0x44: {  	v24 =	vld [tilespmem:$0x1680];
	v0 =	vmax.f32 v0, v14;
	v2 =	vadd.f32 v62, v2  }
0x45: {  	v25 =	vmul.f32 v20, v20;
	v0 =	vmax.f32 v0, v15;
	v1 =	vadd.f32 v23, v1  }
0x46: {  	v26 =	vld [tilespmem:$0x1700];
	v0 =	vmax.f32 v0, v16;
	v2 =	vadd.f32 v20, v2  }
0x47: {  	v27 =	vmul.f32 v22, v22;
	v0 =	vmax.f32 v0, v17;
	v1 =	vadd.f32 v25, v1  }
0x48: {  	v28 =	vld [tilespmem:$0x1780];
	v0 =	vmax.f32 v0, v18;
	v2 =	vadd.f32 v22, v2  }
0x49: {  	v29 =	vmul.f32 v24, v24;
	v0 =	vmax.f32 v0, v19;
	v1 =	vadd.f32 v27, v1  }
0x4a: {  	v30 =	vld [tilespmem:$0x1800];
	v0 =	vmax.f32 v0, v62;
	v2 =	vadd.f32 v24, v2  }
0x4b: {  	v31 =	vmul.f32 v26, v26;
	v0 =	vmax.f32 v0, v20;
	v1 =	vadd.f32 v29, v1  }
0x4c: {  	v0 =	vmax.f32 v0, v22;
	v2 =	vadd.f32 v26, v2  }
0x4d: {  	v32 =	vmul.f32 v28, v28;
	v0 =	vmax.f32 v0, v24;
	v1 =	vadd.f32 v31, v1  }
0x4e: {  	v0 =	vmax.f32 v0, v26;
	v2 =	vadd.f32 v28, v2  }
0x4f: {  	v33 =	vmul.f32 v30, v30;
	v0 =	vmax.f32 v0, v28;
	v1 =	vadd.f32 v32, v1  }
0x50: {  	s25 =	sshra.s32 s24, $0x2;
	v0 =	vmax.f32 v0, v30;
	v2 =	vadd.f32 v30, v2  }
0x51: {  	[tilespmem:s25+$0x9880] =	vst v0;
	v1 =	vadd.f32 v33, v1  }
0x52: {  	[tilespmem:s25+$0x1880] =	vst v2  }
0x53: {  	[tilespmem:s25+$0x5880] =	vst v1  }
0x54: {  	v0 =	vld [tilespmem:$0xC90]  }
0x55: {  	v1 =	vld [tilespmem:$0xD10];
	_ =	sdelay $0x1  }
0x56: {  	v2 =	vld [tilespmem:$0xD90];
	_ =	sdelay $0x1  }
0x57: {  	v34 =	vld [tilespmem:$0xE10]  }
0x58: {  	v35 =	vmul.f32 v0, v0;
	v36 =	vmul.f32 v1, v1  }
0x59: {  	v38 =	vld [tilespmem:$0xE90];
	v37 =	vadd.f32 v1, v0  }
0x5a: {  	v39 =	vmul.f32 v2, v2;
	v4 =	vadd.f32 v36, v35  }
0x5b: {  	v40 =	vld [tilespmem:$0xF10];
	v6 =	vadd.f32 v2, v37  }
0x5c: {  	v41 =	vmul.f32 v34, v34;
	v4 =	vadd.f32 v39, v4  }
0x5d: {  	v42 =	vld [tilespmem:$0xF90];
	v6 =	vadd.f32 v34, v6  }
0x5e: {  	v43 =	vmul.f32 v38, v38;
	v4 =	vadd.f32 v41, v4  }
0x5f: {  	v44 =	vld [tilespmem:$0x1010];
	v6 =	vadd.f32 v38, v6  }
0x60: {  	v45 =	vmul.f32 v40, v40;
	v4 =	vadd.f32 v43, v4  }
0x61: {  	v46 =	vld [tilespmem:$0x1090];
	v6 =	vadd.f32 v40, v6  }
0x62: {  	v47 =	vmul.f32 v42, v42;
	v4 =	vadd.f32 v45, v4  }
0x63: {  	v48 =	vld [tilespmem:$0x1110];
	v6 =	vadd.f32 v42, v6  }
0x64: {  	v49 =	vmul.f32 v44, v44;
	v4 =	vadd.f32 v47, v4  }
0x65: {  	v50 =	vld [tilespmem:$0x1190];
	v6 =	vadd.f32 v44, v6  }
0x66: {  	v51 =	vmul.f32 v46, v46;
	v4 =	vadd.f32 v49, v4  }
0x67: {  	v52 =	vld [tilespmem:$0x1210];
	v6 =	vadd.f32 v46, v6  }
0x68: {  	v53 =	vmul.f32 v48, v48;
	v4 =	vadd.f32 v51, v4  }
0x69: {  	v54 =	vld [tilespmem:$0x1290];
	v6 =	vadd.f32 v48, v6  }
0x6a: {  	v55 =	vmul.f32 v50, v50;
	v4 =	vadd.f32 v53, v4  }
0x6b: {  	v56 =	vld [tilespmem:$0x1310];
	v6 =	vadd.f32 v50, v6  }
0x6c: {  	v57 =	vmul.f32 v52, v52;
	v4 =	vadd.f32 v55, v4  }
0x6d: {  	v58 =	vld [tilespmem:$0x1390];
	v6 =	vadd.f32 v52, v6  }
0x6e: {  	v59 =	vmul.f32 v54, v54;
	v4 =	vadd.f32 v57, v4  }
0x6f: {  	v60 =	vld [tilespmem:$0x1410];
	v0 =	vmax.f32 v0, v1;
	v6 =	vadd.f32 v54, v6  }
0x70: {  	v61 =	vmul.f32 v56, v56;
	v0 =	vmax.f32 v0, v2;
	v4 =	vadd.f32 v59, v4  }
0x71: {  	v62 =	vld [tilespmem:$0x1490];
	v0 =	vmax.f32 v0, v34;
	v6 =	vadd.f32 v56, v6  }
0x72: {  	v20 =	vmul.f32 v58, v58;
	v0 =	vmax.f32 v0, v38;
	v63 =	vadd.f32 v61, v4  }
0x73: {  	v22 =	vld [tilespmem:$0x1510];
	v0 =	vmax.f32 v0, v40;
	v21 =	vadd.f32 v58, v6  }
0x74: {  	v23 =	vmul.f32 v60, v60;
	v0 =	vmax.f32 v0, v42;
	v1 =	vadd.f32 v20, v63  }
0x75: {  	v24 =	vld [tilespmem:$0x1590];
	v0 =	vmax.f32 v0, v44;
	v2 =	vadd.f32 v60, v21  }
0x76: {  	v25 =	vmul.f32 v62, v62;
	v0 =	vmax.f32 v0, v46;
	v1 =	vadd.f32 v23, v1  }
0x77: {  	v26 =	vld [tilespmem:$0x1610];
	v0 =	vmax.f32 v0, v48;
	v2 =	vadd.f32 v62, v2  }
0x78: {  	v27 =	vmul.f32 v22, v22;
	v0 =	vmax.f32 v0, v50;
	v1 =	vadd.f32 v25, v1  }
0x79: {  	v28 =	vld [tilespmem:$0x1690];
	v0 =	vmax.f32 v0, v52;
	v2 =	vadd.f32 v22, v2  }
0x7a: {  	v29 =	vmul.f32 v24, v24;
	v0 =	vmax.f32 v0, v54;
	v1 =	vadd.f32 v27, v1  }
0x7b: {  	v30 =	vld [tilespmem:$0x1710];
	v0 =	vmax.f32 v0, v56;
	v2 =	vadd.f32 v24, v2  }
0x7c: {  	v31 =	vmul.f32 v26, v26;
	v0 =	vmax.f32 v0, v58;
	v1 =	vadd.f32 v29, v1  }
0x7d: {  	v32 =	vld [tilespmem:$0x1790];
	v0 =	vmax.f32 v0, v60;
	v2 =	vadd.f32 v26, v2  }
0x7e: {  	v33 =	vmul.f32 v28, v28;
	v0 =	vmax.f32 v0, v62;
	v1 =	vadd.f32 v31, v1  }
0x7f: {  	v34 =	vld [tilespmem:$0x1810];
	v0 =	vmax.f32 v0, v22;
	v2 =	vadd.f32 v28, v2  }
0x80: {  	v35 =	vmul.f32 v30, v30;
	v0 =	vmax.f32 v0, v24;
	v1 =	vadd.f32 v33, v1  }
0x81: {  	v0 =	vmax.f32 v0, v26;
	v2 =	vadd.f32 v30, v2  }
0x82: {  	v36 =	vmul.f32 v32, v32;
	v0 =	vmax.f32 v0, v28;
	v1 =	vadd.f32 v35, v1  }
0x83: {  	v0 =	vmax.f32 v0, v30;
	v2 =	vadd.f32 v32, v2  }
0x84: {  	v37 =	vmul.f32 v34, v34;
	v0 =	vmax.f32 v0, v32;
	v1 =	vadd.f32 v36, v1  }
0x85: {  	v0 =	vmax.f32 v0, v34;
	v2 =	vadd.f32 v34, v2  }
0x86: {  	[tilespmem:s25+$0x9890] =	vst v0;
	v1 =	vadd.f32 v37, v1  }
0x87: {  	[tilespmem:s25+$0x1890] =	vst v2  }
0x88: {  	[tilespmem:s25+$0x5890] =	vst v1  }
0x89: {  	v0 =	vld [tilespmem:$0xCA0]  }
0x8a: {  	v1 =	vld [tilespmem:$0xD20];
	_ =	sdelay $0x1  }
0x8b: {  	v2 =	vld [tilespmem:$0xDA0];
	_ =	sdelay $0x1  }
0x8c: {  	v38 =	vld [tilespmem:$0xE20]  }
0x8d: {  	v39 =	vmul.f32 v0, v0;
	v40 =	vmul.f32 v1, v1  }
0x8e: {  	v42 =	vld [tilespmem:$0xEA0];
	v41 =	vadd.f32 v1, v0  }
0x8f: {  	v43 =	vmul.f32 v2, v2;
	v4 =	vadd.f32 v40, v39  }
0x90: {  	v44 =	vld [tilespmem:$0xF20];
	v6 =	vadd.f32 v2, v41  }
0x91: {  	v45 =	vmul.f32 v38, v38;
	v4 =	vadd.f32 v43, v4  }
0x92: {  	v46 =	vld [tilespmem:$0xFA0];
	v6 =	vadd.f32 v38, v6  }
0x93: {  	v47 =	vmul.f32 v42, v42;
	v4 =	vadd.f32 v45, v4  }
0x94: {  	v48 =	vld [tilespmem:$0x1020];
	v6 =	vadd.f32 v42, v6  }
0x95: {  	v49 =	vmul.f32 v44, v44;
	v4 =	vadd.f32 v47, v4  }
0x96: {  	v50 =	vld [tilespmem:$0x10A0];
	v6 =	vadd.f32 v44, v6  }
0x97: {  	v51 =	vmul.f32 v46, v46;
	v4 =	vadd.f32 v49, v4  }
0x98: {  	v52 =	vld [tilespmem:$0x1120];
	v6 =	vadd.f32 v46, v6  }
0x99: {  	v53 =	vmul.f32 v48, v48;
	v4 =	vadd.f32 v51, v4  }
0x9a: {  	v54 =	vld [tilespmem:$0x11A0];
	v6 =	vadd.f32 v48, v6  }
0x9b: {  	v55 =	vmul.f32 v50, v50;
	v4 =	vadd.f32 v53, v4  }
0x9c: {  	v56 =	vld [tilespmem:$0x1220];
	v6 =	vadd.f32 v50, v6  }
0x9d: {  	v57 =	vmul.f32 v52, v52;
	v4 =	vadd.f32 v55, v4  }
0x9e: {  	v58 =	vld [tilespmem:$0x12A0];
	v6 =	vadd.f32 v52, v6  }
0x9f: {  	v59 =	vmul.f32 v54, v54;
	v4 =	vadd.f32 v57, v4  }
0xa0: {  	v60 =	vld [tilespmem:$0x1320];
	v6 =	vadd.f32 v54, v6  }
0xa1: {  	v61 =	vmul.f32 v56, v56;
	v4 =	vadd.f32 v59, v4  }
0xa2: {  	v62 =	vld [tilespmem:$0x13A0];
	v6 =	vadd.f32 v56, v6  }
0xa3: {  	v63 =	vmul.f32 v58, v58;
	v4 =	vadd.f32 v61, v4  }
0xa4: {  	v21 =	vld [tilespmem:$0x1420];
	v0 =	vmax.f32 v0, v1;
	v6 =	vadd.f32 v58, v6  }
0xa5: {  	v22 =	vmul.f32 v60, v60;
	v0 =	vmax.f32 v0, v2;
	v4 =	vadd.f32 v63, v4  }
0xa6: {  	v23 =	vld [tilespmem:$0x14A0];
	v0 =	vmax.f32 v0, v38;
	v6 =	vadd.f32 v60, v6  }
0xa7: {  	v25 =	vmul.f32 v62, v62;
	v0 =	vmax.f32 v0, v42;
	v24 =	vadd.f32 v22, v4  }
0xa8: {  	v27 =	vld [tilespmem:$0x1520];
	v0 =	vmax.f32 v0, v44;
	v26 =	vadd.f32 v62, v6  }
0xa9: {  	v28 =	vmul.f32 v21, v21;
	v0 =	vmax.f32 v0, v46;
	v1 =	vadd.f32 v25, v24  }
0xaa: {  	v29 =	vld [tilespmem:$0x15A0];
	v0 =	vmax.f32 v0, v48;
	v2 =	vadd.f32 v21, v26  }
0xab: {  	v30 =	vmul.f32 v23, v23;
	v0 =	vmax.f32 v0, v50;
	v1 =	vadd.f32 v28, v1  }
0xac: {  	v31 =	vld [tilespmem:$0x1620];
	v0 =	vmax.f32 v0, v52;
	v2 =	vadd.f32 v23, v2  }
0xad: {  	v32 =	vmul.f32 v27, v27;
	v0 =	vmax.f32 v0, v54;
	v1 =	vadd.f32 v30, v1  }
0xae: {  	v33 =	vld [tilespmem:$0x16A0];
	v0 =	vmax.f32 v0, v56;
	v2 =	vadd.f32 v27, v2  }
0xaf: {  	v34 =	vmul.f32 v29, v29;
	v0 =	vmax.f32 v0, v58;
	v1 =	vadd.f32 v32, v1  }
0xb0: {  	v35 =	vld [tilespmem:$0x1720];
	v0 =	vmax.f32 v0, v60;
	v2 =	vadd.f32 v29, v2  }
0xb1: {  	v36 =	vmul.f32 v31, v31;
	v0 =	vmax.f32 v0, v62;
	v1 =	vadd.f32 v34, v1  }
0xb2: {  	v37 =	vld [tilespmem:$0x17A0];
	v0 =	vmax.f32 v0, v21;
	v2 =	vadd.f32 v31, v2  }
0xb3: {  	v38 =	vmul.f32 v33, v33;
	v0 =	vmax.f32 v0, v23;
	v1 =	vadd.f32 v36, v1  }
0xb4: {  	v39 =	vld [tilespmem:$0x1820];
	v0 =	vmax.f32 v0, v27;
	v2 =	vadd.f32 v33, v2  }
0xb5: {  	v40 =	vmul.f32 v35, v35;
	v0 =	vmax.f32 v0, v29;
	v1 =	vadd.f32 v38, v1  }
0xb6: {  	v0 =	vmax.f32 v0, v31;
	v2 =	vadd.f32 v35, v2  }
0xb7: {  	v41 =	vmul.f32 v37, v37;
	v0 =	vmax.f32 v0, v33;
	v1 =	vadd.f32 v40, v1  }
0xb8: {  	v0 =	vmax.f32 v0, v35;
	v2 =	vadd.f32 v37, v2  }
0xb9: {  	v42 =	vmul.f32 v39, v39;
	v0 =	vmax.f32 v0, v37;
	v1 =	vadd.f32 v41, v1  }
0xba: {  	v0 =	vmax.f32 v0, v39;
	v2 =	vadd.f32 v39, v2  }
0xbb: {  	[tilespmem:s25+$0x98A0] =	vst v0;
	v1 =	vadd.f32 v42, v1  }
0xbc: {  	[tilespmem:s25+$0x18A0] =	vst v2  }
0xbd: {  	[tilespmem:s25+$0x58A0] =	vst v1  }
0xbe: {  	v0 =	vld [tilespmem:$0xCB0]  }
0xbf: {  	v1 =	vld [tilespmem:$0xD30];
	_ =	sdelay $0x1  }
0xc0: {  	v2 =	vld [tilespmem:$0xDB0];
	_ =	sdelay $0x1  }
0xc1: {  	v43 =	vld [tilespmem:$0xE30]  }
0xc2: {  	v44 =	vmul.f32 v0, v0;
	v45 =	vmul.f32 v1, v1  }
0xc3: {  	v47 =	vld [tilespmem:$0xEB0];
	v46 =	vadd.f32 v1, v0  }
0xc4: {  	v48 =	vmul.f32 v2, v2;
	v4 =	vadd.f32 v45, v44  }
0xc5: {  	v49 =	vld [tilespmem:$0xF30];
	v6 =	vadd.f32 v2, v46  }
0xc6: {  	v50 =	vmul.f32 v43, v43;
	v4 =	vadd.f32 v48, v4  }
0xc7: {  	v51 =	vld [tilespmem:$0xFB0];
	v6 =	vadd.f32 v43, v6  }
0xc8: {  	v52 =	vmul.f32 v47, v47;
	v4 =	vadd.f32 v50, v4  }
0xc9: {  	v53 =	vld [tilespmem:$0x1030];
	v6 =	vadd.f32 v47, v6  }
0xca: {  	v54 =	vmul.f32 v49, v49;
	v4 =	vadd.f32 v52, v4  }
0xcb: {  	v55 =	vld [tilespmem:$0x10B0];
	v6 =	vadd.f32 v49, v6  }
0xcc: {  	v56 =	vmul.f32 v51, v51;
	v4 =	vadd.f32 v54, v4  }
0xcd: {  	v57 =	vld [tilespmem:$0x1130];
	v6 =	vadd.f32 v51, v6  }
0xce: {  	v58 =	vmul.f32 v53, v53;
	v4 =	vadd.f32 v56, v4  }
0xcf: {  	v59 =	vld [tilespmem:$0x11B0];
	v6 =	vadd.f32 v53, v6  }
0xd0: {  	v60 =	vmul.f32 v55, v55;
	v4 =	vadd.f32 v58, v4  }
0xd1: {  	v61 =	vld [tilespmem:$0x1230];
	v6 =	vadd.f32 v55, v6  }
0xd2: {  	v62 =	vmul.f32 v57, v57;
	v4 =	vadd.f32 v60, v4  }
0xd3: {  	v63 =	vld [tilespmem:$0x12B0];
	v6 =	vadd.f32 v57, v6  }
0xd4: {  	v20 =	vmul.f32 v59, v59;
	v4 =	vadd.f32 v62, v4  }
0xd5: {  	v21 =	vld [tilespmem:$0x1330];
	v6 =	vadd.f32 v59, v6  }
0xd6: {  	v22 =	vmul.f32 v61, v61;
	v4 =	vadd.f32 v20, v4  }
0xd7: {  	v23 =	vld [tilespmem:$0x13B0];
	v6 =	vadd.f32 v61, v6  }
0xd8: {  	v24 =	vmul.f32 v63, v63;
	v4 =	vadd.f32 v22, v4  }
0xd9: {  	v25 =	vld [tilespmem:$0x1430];
	v0 =	vmax.f32 v0, v1;
	v6 =	vadd.f32 v63, v6  }
0xda: {  	v26 =	vmul.f32 v21, v21;
	v0 =	vmax.f32 v0, v2;
	v4 =	vadd.f32 v24, v4  }
0xdb: {  	v27 =	vld [tilespmem:$0x14B0];
	v0 =	vmax.f32 v0, v43;
	v6 =	vadd.f32 v21, v6  }
0xdc: {  	v29 =	vmul.f32 v23, v23;
	v0 =	vmax.f32 v0, v47;
	v28 =	vadd.f32 v26, v4  }
0xdd: {  	v31 =	vld [tilespmem:$0x1530];
	v0 =	vmax.f32 v0, v49;
	v30 =	vadd.f32 v23, v6  }
0xde: {  	v32 =	vmul.f32 v25, v25;
	v0 =	vmax.f32 v0, v51;
	v1 =	vadd.f32 v29, v28  }
0xdf: {  	v33 =	vld [tilespmem:$0x15B0];
	v0 =	vmax.f32 v0, v53;
	v2 =	vadd.f32 v25, v30  }
0xe0: {  	v34 =	vmul.f32 v27, v27;
	v0 =	vmax.f32 v0, v55;
	v1 =	vadd.f32 v32, v1  }
0xe1: {  	v35 =	vld [tilespmem:$0x1630];
	v0 =	vmax.f32 v0, v57;
	v2 =	vadd.f32 v27, v2  }
0xe2: {  	v36 =	vmul.f32 v31, v31;
	v0 =	vmax.f32 v0, v59;
	v1 =	vadd.f32 v34, v1  }
0xe3: {  	v37 =	vld [tilespmem:$0x16B0];
	v0 =	vmax.f32 v0, v61;
	v2 =	vadd.f32 v31, v2  }
0xe4: {  	v38 =	vmul.f32 v33, v33;
	v0 =	vmax.f32 v0, v63;
	v1 =	vadd.f32 v36, v1  }
0xe5: {  	v39 =	vld [tilespmem:$0x1730];
	v0 =	vmax.f32 v0, v21;
	v2 =	vadd.f32 v33, v2  }
0xe6: {  	v40 =	vmul.f32 v35, v35;
	v0 =	vmax.f32 v0, v23;
	v1 =	vadd.f32 v38, v1  }
0xe7: {  	v41 =	vld [tilespmem:$0x17B0];
	v0 =	vmax.f32 v0, v25;
	v2 =	vadd.f32 v35, v2  }
0xe8: {  	v42 =	vmul.f32 v37, v37;
	v0 =	vmax.f32 v0, v27;
	v1 =	vadd.f32 v40, v1  }
0xe9: {  	v43 =	vld [tilespmem:$0x1830];
	v0 =	vmax.f32 v0, v31;
	v2 =	vadd.f32 v37, v2  }
0xea: {  	v44 =	vmul.f32 v39, v39;
	v0 =	vmax.f32 v0, v33;
	v1 =	vadd.f32 v42, v1  }
0xeb: {  	v0 =	vmax.f32 v0, v35;
	v2 =	vadd.f32 v39, v2  }
0xec: {  	v45 =	vmul.f32 v41, v41;
	v0 =	vmax.f32 v0, v37;
	v1 =	vadd.f32 v44, v1  }
0xed: {  	v0 =	vmax.f32 v0, v39;
	v2 =	vadd.f32 v41, v2  }
0xee: {  	v46 =	vmul.f32 v43, v43;
	v0 =	vmax.f32 v0, v41;
	v1 =	vadd.f32 v45, v1  }
0xef: {  	v0 =	vmax.f32 v0, v43;
	v2 =	vadd.f32 v43, v2  }
0xf0: {  	[tilespmem:s25+$0x98B0] =	vst v0;
	v1 =	vadd.f32 v46, v1  }
0xf1: {  	[tilespmem:s25+$0x18B0] =	vst v2  }
0xf2: {  	[tilespmem:s25+$0x58B0] =	vst v1  }
0xf3: {  	v0 =	vld [tilespmem:$0xCC0]  }
0xf4: {  	v1 =	vld [tilespmem:$0xD40];
	_ =	sdelay $0x1  }
0xf5: {  	v2 =	vld [tilespmem:$0xDC0];
	_ =	sdelay $0x1  }
0xf6: {  	v47 =	vld [tilespmem:$0xE40]  }
0xf7: {  	v48 =	vmul.f32 v0, v0;
	v49 =	vmul.f32 v1, v1  }
0xf8: {  	v51 =	vld [tilespmem:$0xEC0];
	v50 =	vadd.f32 v1, v0  }
0xf9: {  	v52 =	vmul.f32 v2, v2;
	v4 =	vadd.f32 v49, v48  }
0xfa: {  	v53 =	vld [tilespmem:$0xF40];
	v6 =	vadd.f32 v2, v50  }
0xfb: {  	v54 =	vmul.f32 v47, v47;
	v4 =	vadd.f32 v52, v4  }
0xfc: {  	v55 =	vld [tilespmem:$0xFC0];
	v6 =	vadd.f32 v47, v6  }
0xfd: {  	v56 =	vmul.f32 v51, v51;
	v4 =	vadd.f32 v54, v4  }
0xfe: {  	v57 =	vld [tilespmem:$0x1040];
	v6 =	vadd.f32 v51, v6  }
0xff: {  	v58 =	vmul.f32 v53, v53;
	v4 =	vadd.f32 v56, v4  }
0x100: {  	v59 =	vld [tilespmem:$0x10C0];
	v6 =	vadd.f32 v53, v6  }
0x101: {  	v60 =	vmul.f32 v55, v55;
	v4 =	vadd.f32 v58, v4  }
0x102: {  	v61 =	vld [tilespmem:$0x1140];
	v6 =	vadd.f32 v55, v6  }
0x103: {  	v62 =	vmul.f32 v57, v57;
	v4 =	vadd.f32 v60, v4  }
0x104: {  	v63 =	vld [tilespmem:$0x11C0];
	v6 =	vadd.f32 v57, v6  }
0x105: {  	v20 =	vmul.f32 v59, v59;
	v4 =	vadd.f32 v62, v4  }
0x106: {  	v21 =	vld [tilespmem:$0x1240];
	v6 =	vadd.f32 v59, v6  }
0x107: {  	v22 =	vmul.f32 v61, v61;
	v4 =	vadd.f32 v20, v4  }
0x108: {  	v23 =	vld [tilespmem:$0x12C0];
	v6 =	vadd.f32 v61, v6  }
0x109: {  	v24 =	vmul.f32 v63, v63;
	v4 =	vadd.f32 v22, v4  }
0x10a: {  	v25 =	vld [tilespmem:$0x1340];
	v6 =	vadd.f32 v63, v6  }
0x10b: {  	v26 =	vmul.f32 v21, v21;
	v4 =	vadd.f32 v24, v4  }
0x10c: {  	v27 =	vld [tilespmem:$0x13C0];
	v6 =	vadd.f32 v21, v6  }
0x10d: {  	v28 =	vmul.f32 v23, v23;
	v4 =	vadd.f32 v26, v4  }
0x10e: {  	v29 =	vld [tilespmem:$0x1440];
	v0 =	vmax.f32 v0, v1;
	v6 =	vadd.f32 v23, v6  }
0x10f: {  	v30 =	vmul.f32 v25, v25;
	v0 =	vmax.f32 v0, v2;
	v4 =	vadd.f32 v28, v4  }
0x110: {  	v31 =	vld [tilespmem:$0x14C0];
	v0 =	vmax.f32 v0, v47;
	v6 =	vadd.f32 v25, v6  }
0x111: {  	v33 =	vmul.f32 v27, v27;
	v0 =	vmax.f32 v0, v51;
	v32 =	vadd.f32 v30, v4  }
0x112: {  	v35 =	vld [tilespmem:$0x1540];
	v0 =	vmax.f32 v0, v53;
	v34 =	vadd.f32 v27, v6  }
0x113: {  	v36 =	vmul.f32 v29, v29;
	v0 =	vmax.f32 v0, v55;
	v1 =	vadd.f32 v33, v32  }
0x114: {  	v37 =	vld [tilespmem:$0x15C0];
	v0 =	vmax.f32 v0, v57;
	v2 =	vadd.f32 v29, v34  }
0x115: {  	v38 =	vmul.f32 v31, v31;
	v0 =	vmax.f32 v0, v59;
	v1 =	vadd.f32 v36, v1  }
0x116: {  	v39 =	vld [tilespmem:$0x1640];
	v0 =	vmax.f32 v0, v61;
	v2 =	vadd.f32 v31, v2  }
0x117: {  	v40 =	vmul.f32 v35, v35;
	v0 =	vmax.f32 v0, v63;
	v1 =	vadd.f32 v38, v1  }
0x118: {  	v41 =	vld [tilespmem:$0x16C0];
	v0 =	vmax.f32 v0, v21;
	v2 =	vadd.f32 v35, v2  }
0x119: {  	v42 =	vmul.f32 v37, v37;
	v0 =	vmax.f32 v0, v23;
	v1 =	vadd.f32 v40, v1  }
0x11a: {  	v43 =	vld [tilespmem:$0x1740];
	v0 =	vmax.f32 v0, v25;
	v2 =	vadd.f32 v37, v2  }
0x11b: {  	v44 =	vmul.f32 v39, v39;
	v0 =	vmax.f32 v0, v27;
	v1 =	vadd.f32 v42, v1  }
0x11c: {  	v45 =	vld [tilespmem:$0x17C0];
	v0 =	vmax.f32 v0, v29;
	v2 =	vadd.f32 v39, v2  }
0x11d: {  	v46 =	vmul.f32 v41, v41;
	v0 =	vmax.f32 v0, v31;
	v1 =	vadd.f32 v44, v1  }
0x11e: {  	v47 =	vld [tilespmem:$0x1840];
	v0 =	vmax.f32 v0, v35;
	v2 =	vadd.f32 v41, v2  }
0x11f: {  	v48 =	vmul.f32 v43, v43;
	v0 =	vmax.f32 v0, v37;
	v1 =	vadd.f32 v46, v1  }
0x120: {  	v0 =	vmax.f32 v0, v39;
	v2 =	vadd.f32 v43, v2  }
0x121: {  	v49 =	vmul.f32 v45, v45;
	v0 =	vmax.f32 v0, v41;
	v1 =	vadd.f32 v48, v1  }
0x122: {  	v0 =	vmax.f32 v0, v43;
	v2 =	vadd.f32 v45, v2  }
0x123: {  	v50 =	vmul.f32 v47, v47;
	v0 =	vmax.f32 v0, v45;
	v1 =	vadd.f32 v49, v1  }
0x124: {  	v0 =	vmax.f32 v0, v47;
	v2 =	vadd.f32 v47, v2  }
0x125: {  	[tilespmem:s25+$0x98C0] =	vst v0;
	v1 =	vadd.f32 v50, v1  }
0x126: {  	[tilespmem:s25+$0x18C0] =	vst v2  }
0x127: {  	[tilespmem:s25+$0x58C0] =	vst v1  }
0x128: {  	v0 =	vld [tilespmem:$0xCD0]  }
0x129: {  	v1 =	vld [tilespmem:$0xD50];
	_ =	sdelay $0x1  }
0x12a: {  	v2 =	vld [tilespmem:$0xDD0];
	_ =	sdelay $0x1  }
0x12b: {  	v51 =	vld [tilespmem:$0xE50]  }
0x12c: {  	v52 =	vmul.f32 v0, v0;
	v53 =	vmul.f32 v1, v1  }
0x12d: {  	v55 =	vld [tilespmem:$0xED0];
	v54 =	vadd.f32 v1, v0  }
0x12e: {  	v56 =	vmul.f32 v2, v2;
	v4 =	vadd.f32 v53, v52  }
0x12f: {  	v57 =	vld [tilespmem:$0xF50];
	v6 =	vadd.f32 v2, v54  }
0x130: {  	v58 =	vmul.f32 v51, v51;
	v4 =	vadd.f32 v56, v4  }
0x131: {  	v59 =	vld [tilespmem:$0xFD0];
	v6 =	vadd.f32 v51, v6  }
0x132: {  	v60 =	vmul.f32 v55, v55;
	v4 =	vadd.f32 v58, v4  }
0x133: {  	v61 =	vld [tilespmem:$0x1050];
	v6 =	vadd.f32 v55, v6  }
0x134: {  	v62 =	vmul.f32 v57, v57;
	v4 =	vadd.f32 v60, v4  }
0x135: {  	v63 =	vld [tilespmem:$0x10D0];
	v6 =	vadd.f32 v57, v6  }
0x136: {  	v20 =	vmul.f32 v59, v59;
	v4 =	vadd.f32 v62, v4  }
0x137: {  	v21 =	vld [tilespmem:$0x1150];
	v6 =	vadd.f32 v59, v6  }
0x138: {  	v22 =	vmul.f32 v61, v61;
	v4 =	vadd.f32 v20, v4  }
0x139: {  	v23 =	vld [tilespmem:$0x11D0];
	v6 =	vadd.f32 v61, v6  }
0x13a: {  	v24 =	vmul.f32 v63, v63;
	v4 =	vadd.f32 v22, v4  }
0x13b: {  	v25 =	vld [tilespmem:$0x1250];
	v6 =	vadd.f32 v63, v6  }
0x13c: {  	v26 =	vmul.f32 v21, v21;
	v4 =	vadd.f32 v24, v4  }
0x13d: {  	v27 =	vld [tilespmem:$0x12D0];
	v6 =	vadd.f32 v21, v6  }
0x13e: {  	v28 =	vmul.f32 v23, v23;
	v4 =	vadd.f32 v26, v4  }
0x13f: {  	v29 =	vld [tilespmem:$0x1350];
	v6 =	vadd.f32 v23, v6  }
0x140: {  	v30 =	vmul.f32 v25, v25;
	v4 =	vadd.f32 v28, v4  }
0x141: {  	v31 =	vld [tilespmem:$0x13D0];
	v6 =	vadd.f32 v25, v6  }
0x142: {  	v32 =	vmul.f32 v27, v27;
	v4 =	vadd.f32 v30, v4  }
0x143: {  	v33 =	vld [tilespmem:$0x1450];
	v0 =	vmax.f32 v0, v1;
	v6 =	vadd.f32 v27, v6  }
0x144: {  	v34 =	vmul.f32 v29, v29;
	v0 =	vmax.f32 v0, v2;
	v4 =	vadd.f32 v32, v4  }
0x145: {  	v35 =	vld [tilespmem:$0x14D0];
	v0 =	vmax.f32 v0, v51;
	v6 =	vadd.f32 v29, v6  }
0x146: {  	v37 =	vmul.f32 v31, v31;
	v0 =	vmax.f32 v0, v55;
	v36 =	vadd.f32 v34, v4  }
0x147: {  	v39 =	vld [tilespmem:$0x1550];
	v0 =	vmax.f32 v0, v57;
	v38 =	vadd.f32 v31, v6  }
0x148: {  	v40 =	vmul.f32 v33, v33;
	v0 =	vmax.f32 v0, v59;
	v1 =	vadd.f32 v37, v36  }
0x149: {  	v41 =	vld [tilespmem:$0x15D0];
	v0 =	vmax.f32 v0, v61;
	v2 =	vadd.f32 v33, v38  }
0x14a: {  	v42 =	vmul.f32 v35, v35;
	v0 =	vmax.f32 v0, v63;
	v1 =	vadd.f32 v40, v1  }
0x14b: {  	v43 =	vld [tilespmem:$0x1650];
	v0 =	vmax.f32 v0, v21;
	v2 =	vadd.f32 v35, v2  }
0x14c: {  	v44 =	vmul.f32 v39, v39;
	v0 =	vmax.f32 v0, v23;
	v1 =	vadd.f32 v42, v1  }
0x14d: {  	v45 =	vld [tilespmem:$0x16D0];
	v0 =	vmax.f32 v0, v25;
	v2 =	vadd.f32 v39, v2  }
0x14e: {  	v46 =	vmul.f32 v41, v41;
	v0 =	vmax.f32 v0, v27;
	v1 =	vadd.f32 v44, v1  }
0x14f: {  	v47 =	vld [tilespmem:$0x1750];
	v0 =	vmax.f32 v0, v29;
	v2 =	vadd.f32 v41, v2  }
0x150: {  	v48 =	vmul.f32 v43, v43;
	v0 =	vmax.f32 v0, v31;
	v1 =	vadd.f32 v46, v1  }
0x151: {  	v49 =	vld [tilespmem:$0x17D0];
	v0 =	vmax.f32 v0, v33;
	v2 =	vadd.f32 v43, v2  }
0x152: {  	v50 =	vmul.f32 v45, v45;
	v0 =	vmax.f32 v0, v35;
	v1 =	vadd.f32 v48, v1  }
0x153: {  	v51 =	vld [tilespmem:$0x1850];
	v0 =	vmax.f32 v0, v39;
	v2 =	vadd.f32 v45, v2  }
0x154: {  	v52 =	vmul.f32 v47, v47;
	v0 =	vmax.f32 v0, v41;
	v1 =	vadd.f32 v50, v1  }
0x155: {  	v0 =	vmax.f32 v0, v43;
	v2 =	vadd.f32 v47, v2  }
0x156: {  	v53 =	vmul.f32 v49, v49;
	v0 =	vmax.f32 v0, v45;
	v1 =	vadd.f32 v52, v1  }
0x157: {  	v0 =	vmax.f32 v0, v47;
	v2 =	vadd.f32 v49, v2  }
0x158: {  	v54 =	vmul.f32 v51, v51;
	v0 =	vmax.f32 v0, v49;
	v1 =	vadd.f32 v53, v1  }
0x159: {  	v0 =	vmax.f32 v0, v51;
	v2 =	vadd.f32 v51, v2  }
0x15a: {  	[tilespmem:s25+$0x98D0] =	vst v0;
	v1 =	vadd.f32 v54, v1  }
0x15b: {  	[tilespmem:s25+$0x18D0] =	vst v2  }
0x15c: {  	[tilespmem:s25+$0x58D0] =	vst v1  }
0x15d: {  	v0 =	vld [tilespmem:$0xCE0]  }
0x15e: {  	v1 =	vld [tilespmem:$0xD60];
	_ =	sdelay $0x1  }
0x15f: {  	v2 =	vld [tilespmem:$0xDE0];
	_ =	sdelay $0x1  }
0x160: {  	v55 =	vld [tilespmem:$0xE60]  }
0x161: {  	v56 =	vmul.f32 v0, v0;
	v57 =	vmul.f32 v1, v1  }
0x162: {  	v59 =	vld [tilespmem:$0xEE0];
	v58 =	vadd.f32 v1, v0  }
0x163: {  	v60 =	vmul.f32 v2, v2;
	v4 =	vadd.f32 v57, v56  }
0x164: {  	v61 =	vld [tilespmem:$0xF60];
	v6 =	vadd.f32 v2, v58  }
0x165: {  	v62 =	vmul.f32 v55, v55;
	v4 =	vadd.f32 v60, v4  }
0x166: {  	v63 =	vld [tilespmem:$0xFE0];
	v6 =	vadd.f32 v55, v6  }
0x167: {  	v20 =	vmul.f32 v59, v59;
	v4 =	vadd.f32 v62, v4  }
0x168: {  	v21 =	vld [tilespmem:$0x1060];
	v6 =	vadd.f32 v59, v6  }
0x169: {  	v22 =	vmul.f32 v61, v61;
	v4 =	vadd.f32 v20, v4  }
0x16a: {  	v23 =	vld [tilespmem:$0x10E0];
	v6 =	vadd.f32 v61, v6  }
0x16b: {  	v24 =	vmul.f32 v63, v63;
	v4 =	vadd.f32 v22, v4  }
0x16c: {  	v25 =	vld [tilespmem:$0x1160];
	v6 =	vadd.f32 v63, v6  }
0x16d: {  	v26 =	vmul.f32 v21, v21;
	v4 =	vadd.f32 v24, v4  }
0x16e: {  	v27 =	vld [tilespmem:$0x11E0];
	v6 =	vadd.f32 v21, v6  }
0x16f: {  	v28 =	vmul.f32 v23, v23;
	v4 =	vadd.f32 v26, v4  }
0x170: {  	v29 =	vld [tilespmem:$0x1260];
	v6 =	vadd.f32 v23, v6  }
0x171: {  	v30 =	vmul.f32 v25, v25;
	v4 =	vadd.f32 v28, v4  }
0x172: {  	v31 =	vld [tilespmem:$0x12E0];
	v6 =	vadd.f32 v25, v6  }
0x173: {  	v32 =	vmul.f32 v27, v27;
	v4 =	vadd.f32 v30, v4  }
0x174: {  	v33 =	vld [tilespmem:$0x1360];
	v6 =	vadd.f32 v27, v6  }
0x175: {  	v34 =	vmul.f32 v29, v29;
	v4 =	vadd.f32 v32, v4  }
0x176: {  	v35 =	vld [tilespmem:$0x13E0];
	v6 =	vadd.f32 v29, v6  }
0x177: {  	v36 =	vmul.f32 v31, v31;
	v4 =	vadd.f32 v34, v4  }
0x178: {  	v37 =	vld [tilespmem:$0x1460];
	v0 =	vmax.f32 v0, v1;
	v6 =	vadd.f32 v31, v6  }
0x179: {  	v38 =	vmul.f32 v33, v33;
	v0 =	vmax.f32 v0, v2;
	v4 =	vadd.f32 v36, v4  }
0x17a: {  	v39 =	vld [tilespmem:$0x14E0];
	v0 =	vmax.f32 v0, v55;
	v6 =	vadd.f32 v33, v6  }
0x17b: {  	v41 =	vmul.f32 v35, v35;
	v0 =	vmax.f32 v0, v59;
	v40 =	vadd.f32 v38, v4  }
0x17c: {  	v43 =	vld [tilespmem:$0x1560];
	v0 =	vmax.f32 v0, v61;
	v42 =	vadd.f32 v35, v6  }
0x17d: {  	v44 =	vmul.f32 v37, v37;
	v0 =	vmax.f32 v0, v63;
	v1 =	vadd.f32 v41, v40  }
0x17e: {  	v45 =	vld [tilespmem:$0x15E0];
	v0 =	vmax.f32 v0, v21;
	v2 =	vadd.f32 v37, v42  }
0x17f: {  	v46 =	vmul.f32 v39, v39;
	v0 =	vmax.f32 v0, v23;
	v1 =	vadd.f32 v44, v1  }
0x180: {  	v47 =	vld [tilespmem:$0x1660];
	v0 =	vmax.f32 v0, v25;
	v2 =	vadd.f32 v39, v2  }
0x181: {  	v48 =	vmul.f32 v43, v43;
	v0 =	vmax.f32 v0, v27;
	v1 =	vadd.f32 v46, v1  }
0x182: {  	v49 =	vld [tilespmem:$0x16E0];
	v0 =	vmax.f32 v0, v29;
	v2 =	vadd.f32 v43, v2  }
0x183: {  	v50 =	vmul.f32 v45, v45;
	v0 =	vmax.f32 v0, v31;
	v1 =	vadd.f32 v48, v1  }
0x184: {  	v51 =	vld [tilespmem:$0x1760];
	v0 =	vmax.f32 v0, v33;
	v2 =	vadd.f32 v45, v2  }
0x185: {  	v52 =	vmul.f32 v47, v47;
	v0 =	vmax.f32 v0, v35;
	v1 =	vadd.f32 v50, v1  }
0x186: {  	v53 =	vld [tilespmem:$0x17E0];
	v0 =	vmax.f32 v0, v37;
	v2 =	vadd.f32 v47, v2  }
0x187: {  	v54 =	vmul.f32 v49, v49;
	v0 =	vmax.f32 v0, v39;
	v1 =	vadd.f32 v52, v1  }
0x188: {  	v55 =	vld [tilespmem:$0x1860];
	v0 =	vmax.f32 v0, v43;
	v2 =	vadd.f32 v49, v2  }
0x189: {  	v56 =	vmul.f32 v51, v51;
	v0 =	vmax.f32 v0, v45;
	v1 =	vadd.f32 v54, v1  }
0x18a: {  	v0 =	vmax.f32 v0, v47;
	v2 =	vadd.f32 v51, v2  }
0x18b: {  	v57 =	vmul.f32 v53, v53;
	v0 =	vmax.f32 v0, v49;
	v1 =	vadd.f32 v56, v1  }
0x18c: {  	v0 =	vmax.f32 v0, v51;
	v2 =	vadd.f32 v53, v2  }
0x18d: {  	v58 =	vmul.f32 v55, v55;
	v0 =	vmax.f32 v0, v53;
	v1 =	vadd.f32 v57, v1  }
0x18e: {  	v0 =	vmax.f32 v0, v55;
	v2 =	vadd.f32 v55, v2  }
0x18f: {  	[tilespmem:s25+$0x98E0] =	vst v0;
	v1 =	vadd.f32 v58, v1  }
0x190: {  	[tilespmem:s25+$0x18E0] =	vst v2  }
0x191: {  	[tilespmem:s25+$0x58E0] =	vst v1  }
0x192: {  	v0 =	vld [tilespmem:$0xCF0]  }
0x193: {  	v1 =	vld [tilespmem:$0xD70];
	_ =	sdelay $0x1  }
0x194: {  	v2 =	vld [tilespmem:$0xDF0];
	_ =	sdelay $0x1  }
0x195: {  	v59 =	vld [tilespmem:$0xE70]  }
0x196: {  	v60 =	vmul.f32 v0, v0;
	v61 =	vmul.f32 v1, v1  }
0x197: {  	v63 =	vld [tilespmem:$0xEF0];
	v62 =	vadd.f32 v1, v0  }
0x198: {  	v21 =	vmul.f32 v2, v2;
	v4 =	vadd.f32 v61, v60  }
0x199: {  	v22 =	vld [tilespmem:$0xF70];
	v6 =	vadd.f32 v2, v62  }
0x19a: {  	v23 =	vmul.f32 v59, v59;
	v4 =	vadd.f32 v21, v4  }
0x19b: {  	v24 =	vld [tilespmem:$0xFF0];
	v6 =	vadd.f32 v59, v6  }
0x19c: {  	v25 =	vmul.f32 v63, v63;
	v4 =	vadd.f32 v23, v4  }
0x19d: {  	v26 =	vld [tilespmem:$0x1070];
	v6 =	vadd.f32 v63, v6  }
0x19e: {  	v27 =	vmul.f32 v22, v22;
	v4 =	vadd.f32 v25, v4  }
0x19f: {  	v28 =	vld [tilespmem:$0x10F0];
	v6 =	vadd.f32 v22, v6  }
0x1a0: {  	v29 =	vmul.f32 v24, v24;
	v4 =	vadd.f32 v27, v4  }
0x1a1: {  	v30 =	vld [tilespmem:$0x1170];
	v6 =	vadd.f32 v24, v6  }
0x1a2: {  	v31 =	vmul.f32 v26, v26;
	v4 =	vadd.f32 v29, v4  }
0x1a3: {  	v32 =	vld [tilespmem:$0x11F0];
	v6 =	vadd.f32 v26, v6  }
0x1a4: {  	v33 =	vmul.f32 v28, v28;
	v4 =	vadd.f32 v31, v4  }
0x1a5: {  	v34 =	vld [tilespmem:$0x1270];
	v6 =	vadd.f32 v28, v6  }
0x1a6: {  	v35 =	vmul.f32 v30, v30;
	v4 =	vadd.f32 v33, v4  }
0x1a7: {  	v36 =	vld [tilespmem:$0x12F0];
	v6 =	vadd.f32 v30, v6  }
0x1a8: {  	v37 =	vmul.f32 v32, v32;
	v4 =	vadd.f32 v35, v4  }
0x1a9: {  	v38 =	vld [tilespmem:$0x1370];
	v6 =	vadd.f32 v32, v6  }
0x1aa: {  	v39 =	vmul.f32 v34, v34;
	v4 =	vadd.f32 v37, v4  }
0x1ab: {  	v40 =	vld [tilespmem:$0x13F0];
	v6 =	vadd.f32 v34, v6  }
0x1ac: {  	v41 =	vmul.f32 v36, v36;
	v4 =	vadd.f32 v39, v4  }
0x1ad: {  	v42 =	vld [tilespmem:$0x1470];
	v0 =	vmax.f32 v0, v1;
	v6 =	vadd.f32 v36, v6  }
0x1ae: {  	v43 =	vmul.f32 v38, v38;
	v0 =	vmax.f32 v0, v2;
	v4 =	vadd.f32 v41, v4  }
0x1af: {  	v44 =	vld [tilespmem:$0x14F0];
	v0 =	vmax.f32 v0, v59;
	v6 =	vadd.f32 v38, v6  }
0x1b0: {  	v46 =	vmul.f32 v40, v40;
	v0 =	vmax.f32 v0, v63;
	v45 =	vadd.f32 v43, v4  }
0x1b1: {  	v48 =	vld [tilespmem:$0x1570];
	v0 =	vmax.f32 v0, v22;
	v47 =	vadd.f32 v40, v6  }
0x1b2: {  	v49 =	vmul.f32 v42, v42;
	v0 =	vmax.f32 v0, v24;
	v1 =	vadd.f32 v46, v45  }
0x1b3: {  	v50 =	vld [tilespmem:$0x15F0];
	v0 =	vmax.f32 v0, v26;
	v2 =	vadd.f32 v42, v47  }
0x1b4: {  	v51 =	vmul.f32 v44, v44;
	v0 =	vmax.f32 v0, v28;
	v1 =	vadd.f32 v49, v1  }
0x1b5: {  	v52 =	vld [tilespmem:$0x1670];
	v0 =	vmax.f32 v0, v30;
	v2 =	vadd.f32 v44, v2  }
0x1b6: {  	v53 =	vmul.f32 v48, v48;
	v0 =	vmax.f32 v0, v32;
	v1 =	vadd.f32 v51, v1  }
0x1b7: {  	v54 =	vld [tilespmem:$0x16F0];
	v0 =	vmax.f32 v0, v34;
	v2 =	vadd.f32 v48, v2  }
0x1b8: {  	v55 =	vmul.f32 v50, v50;
	v0 =	vmax.f32 v0, v36;
	v1 =	vadd.f32 v53, v1  }
0x1b9: {  	v56 =	vld [tilespmem:$0x1770];
	v0 =	vmax.f32 v0, v38;
	v2 =	vadd.f32 v50, v2  }
0x1ba: {  	v57 =	vmul.f32 v52, v52;
	v0 =	vmax.f32 v0, v40;
	v1 =	vadd.f32 v55, v1  }
0x1bb: {  	v58 =	vld [tilespmem:$0x17F0];
	v0 =	vmax.f32 v0, v42;
	v2 =	vadd.f32 v52, v2  }
0x1bc: {  	v59 =	vmul.f32 v54, v54;
	v0 =	vmax.f32 v0, v44;
	v1 =	vadd.f32 v57, v1  }
0x1bd: {  	v60 =	vld [tilespmem:$0x1870];
	v0 =	vmax.f32 v0, v48;
	v2 =	vadd.f32 v54, v2  }
0x1be: {  	v61 =	vmul.f32 v56, v56;
	v0 =	vmax.f32 v0, v50;
	v1 =	vadd.f32 v59, v1  }
0x1bf: {  	v0 =	vmax.f32 v0, v52;
	v2 =	vadd.f32 v56, v2  }
0x1c0: {  	v62 =	vmul.f32 v58, v58;
	v0 =	vmax.f32 v0, v54;
	v1 =	vadd.f32 v61, v1  }
0x1c1: {  	p0 =	sne.s32 s24, $0xFE00;
	v0 =	vmax.f32 v0, v56;
	v2 =	vadd.f32 v58, v2  }
.Ltmp0:
0x1c2: {  	v63 =	vmul.f32 v60, v60;
	v0 =	vmax.f32 v0, v58;
	v1 =	vadd.f32 v62, v1;
	(pc) =	sbr.rel @p0 .LBB2_2-.Ltmp0, $4  }
0x1c3: {  	v0 =	vmax.f32 v0, v60;
	v2 =	vadd.f32 v60, v2  }
0x1c4: {  	[tilespmem:s25+$0x98F0] =	vst v0;
	v1 =	vadd.f32 v63, v1  }
0x1c5: {  	[tilespmem:s25+$0x18F0] =	vst v2  }
0x1c6: {  	s23 =	sadd.s32 $0x18, s23;
	s24 =	sadd.s32 $0x200, s24;
	[tilespmem:s25+$0x58F0] =	vst v1  }
0x1c7: {  	[hbm4b:s7+s2] =	stream.linear.scatter [tilespmem:s19], [sflag:$0x2], $0x4000, $0x38;
	[tilespmem:$0x11880] =	vst v63  }
0x1c8: {  	_ =	swait.ge [sflag:s12], $0x4000  }
0x1c9: {  	[sflag:s12] =	ssyncset.done $0x0  }
0x1ca: {  	[sflag:s12] =	ssyncadd.s32 $0xFFFFC000  }
0x1cb: {  	[hbm4b:s8+s2] =	stream.linear.scatter [tilespmem:s20], [sflag:$0x2], $0x4000, $0x38;
	[tilespmem:$0x11880] =	vst v63  }
0x1cc: {  	_ =	swait.ge [sflag:s12], $0x4000  }
0x1cd: {  	[sflag:s12] =	ssyncset.done $0x0  }
0x1ce: {  	[sflag:s12] =	ssyncadd.s32 $0xFFFFC000  }
0x1cf: {  	[hbm4b:s9+s2] =	stream.linear.scatter [tilespmem:s21], [sflag:$0x2], $0x4000, $0x38;
	[tilespmem:$0x11880] =	vst v63  }
0x1d0: {  	s22 =	sadd.s32 $0x1, s22;
	_ =	swait.ge [sflag:s12], $0x4000  }
0x1d1: {  	p0 =	sne.s32 s22, s11;
	[sflag:s12] =	ssyncset.done $0x0  }
.Ltmp1:
0x1d2: {  	[sflag:s12] =	ssyncadd.s32 $0xFFFFC000;
	(pc) =	sbr.rel @p0 .LBB2_1-.Ltmp1, $4  }
0x1d3: {  	[hbm4b:s10+s2] =	stream.linear.scatter [tilespmem:s15], [sflag:$0x2], $0x4000, $0x38;
	[tilespmem:$0x11880] =	vst v63  }
0x1d4: {  	_ =	swait.ge [sflag:s12], $0x4000  }
0x1d5: {  	[sflag:s12] =	ssyncset.done $0x0  }
0x1d6: {  	[sflag:s12] =	ssyncadd.s32 $0xFFFFC000  }
0x1d7: {  	_ =	sfence.sel $0x180000  }
0x1d8: {  	[bflag:$0x0] =	sbarrier.arrive $0xFFFF  }
0x1d9: {  	p0 =	sne.s32 s0, $0x0;
	_ =	strace $0x9000004A  }
0x1da: {  	s0 =	sadd.s32 @!p0 $0x100000, s1;
	[bflag:$0x2] =	sbarrier.arrive $0xFFFF  }
0x1db: {  	[sflag:s0] =	ssyncadd.tile.s32 @!p0 $0x1;
	_ =	shalt  }
.Lfunc_end2:
_tile_overlayer_lowered:
.L_overlay_start_2:
0x1dc: {  	(tag) =	ssettag $0x2  }
0x1dd: {  	s0 =	rddreg [dreg:$0x0];
	s2 =	stileid.u32  }
0x1de: {  	s1 =	rddreg [dreg:$0x1];
	p0 =	sne.s32 s2, $0x0  }
0x1df: {  	s3 =	rddreg [dreg:$0x2];
	[bflag:$0x3] =	sbarrier.arrive $0xFFFF;
	s2 =	simm.s32 @!p0 $0x1C02  }
0x1e0: {  	[timem:s3], [sflag:s2] =	dma.local @!p0 [hbm:s0], s1  }
0x1e1: {  	s0 =	simm.s32 @!p0 $0x2  }
0x1e2: {  	_ =	swait.ge @!p0 [sflag:s0], s1  }
0x1e3: {  	s1 =	ssub.s32 @!p0 $0x0, s1;
	[sflag:s0] =	ssyncset.done @!p0 $0x0  }
0x1e4: {  	[sflag:s0] =	ssyncadd.s32 @!p0 s1  }
0x1e5: {  	[bflag:$0x3] =	sbarrier.arrive $0xFFFF  }
0x1e6: {  	_ =	shalt  }

</sc_bundles>
